<compile_context>
chip_gen: v7x
topology: tpu7x:2x2x1
jax: 0.10.2.dev20260603
libtpu: 0.0.44.dev20260713+nightly
codegen_flags: <defaults>
</compile_context>

<pallas_src>
import functools

import jax
import jax.numpy as jnp
from jax import lax
from jax.experimental import pallas as pl
from jax.experimental.pallas import tpu as pltpu
from jax.experimental.pallas import tpu_sc as plsc

_M = 16
_B = 8
_G = 8
_N = 1250
_BN = _B * _N
_D = 3
_E = 160000
_KM_ITERS = 20
_TOPK = 4

_NW = 32
_CHUNK = 128
_CH0 = 32
_CH1 = 48
_EPAD = 16 * _CHUNK * (_CH0 + _CH1)
_E0TOT = 16 * _CH0 * _CHUNK
_NBUF = 8
_AHEAD = 4
_DUMMY_ROW = _BN
_ACC_ROWS = _BN + _M
_STRIPE = 624
_ZTAIL = _ACC_ROWS - 15 * _STRIPE
_CTAIL = _BN - 15 * _STRIPE


def _pool_body(x_ref, xout_ref, srow_ref, scol_ref):
    xb = x_ref[0]
    x3t = jnp.transpose(xb[:, :, :_D], (0, 2, 1))
    cent0 = xb[:, :_M, :_D]

    def dist(cent):
        d = None
        for c in range(_D):
            diff = x3t[:, c:c + 1, :] - cent[:, :, c:c + 1]
            sq = diff * diff
            d = sq if d is None else d + sq
        return d

    miota = lax.broadcasted_iota(jnp.int32, (_G, _M, _N), 1)

    def step(_, cent):
        d = dist(cent)
        dmin = jnp.min(d, axis=1, keepdims=True)
        first = jnp.min(jnp.where(d == dmin, miota, _M), axis=1, keepdims=True)
        p = (miota == first).astype(jnp.float32)
        sums = lax.dot_general(p, x3t, (((2,), (2,)), ((0,), (0,))),
                               precision=lax.Precision.HIGHEST)
        cnt = jnp.sum(p, axis=2, keepdims=True)
        mean = sums / jnp.maximum(cnt, 1.0)
        return jnp.where(cnt > 0, mean, cent)

    cent = lax.fori_loop(0, _KM_ITERS, step, cent0)

    s = -dist(cent)
    smax = jnp.max(s, axis=1, keepdims=True)
    e = jnp.exp(s - smax)
    S = e / jnp.sum(e, axis=1, keepdims=True)

    xp = lax.dot_general(S, xb[:, :, _D:], (((2,), (1,)), ((0,), (0,))),
                         precision=lax.Precision.HIGHEST)
    xout_ref[0] = jnp.concatenate([cent, xp], axis=2)
    scol_ref[0] = S
    srow_ref[0] = jnp.transpose(S, (0, 2, 1))


def _pool_call(xg):
    ng, nc = xg.shape[0], xg.shape[3]
    return pl.pallas_call(
        _pool_body,
        grid=(ng,),
        in_specs=[
            pl.BlockSpec((1, _G, _N, nc), lambda b: (b, 0, 0, 0)),
        ],
        out_specs=[
            pl.BlockSpec((1, _G, _M, nc), lambda b: (b, 0, 0, 0)),
            pl.BlockSpec((1, _G, _N, _M), lambda b: (b, 0, 0, 0)),
            pl.BlockSpec((1, _G, _M, _N), lambda b: (b, 0, 0, 0)),
        ],
        out_shape=[
            jax.ShapeDtypeStruct((ng, _G, _M, nc), jnp.float32),
            jax.ShapeDtypeStruct((ng, _G, _N, _M), jnp.float32),
            jax.ShapeDtypeStruct((ng, _G, _M, _N), jnp.float32),
        ],
    )(xg)


def _scatter_call(s_rows, e00, e10, e01, e11, zrows):
    mesh = plsc.VectorSubcoreMesh(core_axis_name="c", subcore_axis_name="s")

    @functools.partial(
        pl.kernel,
        out_type=jax.ShapeDtypeStruct((2 * _BN, _M), jnp.float32),
        mesh=mesh,
        scratch_types=[
            pltpu.VMEM((max(_CH0, _CH1), _CHUNK), jnp.int32),
            pltpu.VMEM((max(_CH0, _CH1), _CHUNK), jnp.int32),
            pltpu.VMEM((_NBUF, _CHUNK, _M), jnp.float32),
            pltpu.VMEM_SHARED((_ACC_ROWS, _M), jnp.float32),
            pltpu.SemaphoreType.DMA,
            pltpu.SemaphoreType.DMA,
        ],
        compiler_params=pltpu.CompilerParams(use_tc_tiling_on_sc=False),
    )
    def scatter_kernel(s_hbm, e00_hbm, e10_hbm, e01_hbm, e11_hbm, z_hbm,
                       out_hbm, idx0_v, idx1_v, rows_v, acc_sh, gsem, ssem):
        cid = lax.axis_index("c")
        sid = lax.axis_index("s")

        @pl.when(sid < 15)
        def _():
            pltpu.sync_copy(z_hbm.at[pl.ds(0, _STRIPE)],
                            acc_sh.at[pl.ds(sid * _STRIPE, _STRIPE)])

        @pl.when(sid == 15)
        def _():
            pltpu.sync_copy(z_hbm, acc_sh.at[pl.ds(15 * _STRIPE, _ZTAIL)])

        plsc.subcore_barrier()

        def gather(j, b):
            return pltpu.make_async_copy(
                s_hbm.at[idx1_v.at[j]], rows_v.at[b], gsem)

        def scat_start(j, b):
            pltpu.async_copy(rows_v.at[b], acc_sh.at[idx0_v.at[j]], ssem,
                             add=True)

        def scat_wait(j, b):
            pltpu.make_async_copy(rows_v.at[b], acc_sh.at[idx0_v.at[j]],
                                  ssem).wait()

        def pipeline(nchunk):
            for b in range(_AHEAD):
                gather(b, b).start()

            def group(g, carry):
                for b in range(_NBUF):
                    j = g * _NBUF + b
                    gather(j, b).wait()
                    scat_start(j, b)

                    @pl.when(j >= _AHEAD)
                    def _():
                        scat_wait(j - _AHEAD, (b - _AHEAD) % _NBUF)

                    @pl.when(j + _AHEAD < nchunk)
                    def _():
                        gather(j + _AHEAD, (b + _AHEAD) % _NBUF).start()
                return carry

            lax.fori_loop(0, nchunk // _NBUF, group, 0)
            for k in range(_AHEAD):
                j = nchunk - _AHEAD + k
                scat_wait(j, j % _NBUF)

        @pl.when(cid == 0)
        def _():
            pltpu.sync_copy(e00_hbm.at[sid], idx0_v.at[pl.ds(0, _CH0)])
            pltpu.sync_copy(e10_hbm.at[sid], idx1_v.at[pl.ds(0, _CH0)])
            pipeline(_CH0)

        @pl.when(cid == 1)
        def _():
            pltpu.sync_copy(e01_hbm.at[sid], idx0_v.at[pl.ds(0, _CH1)])
            pltpu.sync_copy(e11_hbm.at[sid], idx1_v.at[pl.ds(0, _CH1)])
            pipeline(_CH1)

        plsc.subcore_barrier()

        @pl.when(sid < 15)
        def _():
            pltpu.sync_copy(acc_sh.at[pl.ds(sid * _STRIPE, _STRIPE)],
                            out_hbm.at[pl.ds(cid * _BN + sid * _STRIPE, _STRIPE)])

        @pl.when(sid == 15)
        def _():
            pltpu.sync_copy(acc_sh.at[pl.ds(15 * _STRIPE, _CTAIL)],
                            out_hbm.at[pl.ds(cid * _BN + 15 * _STRIPE, _CTAIL)])

    return scatter_kernel(s_rows, e00, e10, e01, e11, zrows)


def _amm_body(scol_ref, as4_ref, dst_ref):
    S = scol_ref[...]
    asb = as4_ref[0] + as4_ref[1]
    a = lax.dot_general(S, asb, (((2,), (1,)), ((0,), (0,))),
                        precision=lax.Precision.HIGHEST)
    liota = lax.broadcasted_iota(jnp.int32, (_B, _M, _M), 2)
    cols = []
    for _ in range(_TOPK):
        vmax = jnp.max(a, axis=2, keepdims=True)
        first = jnp.min(jnp.where(a == vmax, liota, _M), axis=2, keepdims=True)
        cols.append(first)
        a = jnp.where(liota == first, -jnp.inf, a)
    dst_ref[...] = jnp.concatenate(cols, axis=2)


def _amm_call(s_cols, as4):
    return pl.pallas_call(
        _amm_body,
        out_shape=jax.ShapeDtypeStruct((_B, _M, _TOPK), jnp.int32),
    )(s_cols, as4)


def kernel(x, e_, b_):
    nc = x.shape[1]
    xg = x.reshape(_B // _G, _G, _N, nc)

    xout, s_rows, s_cols = _pool_call(xg)

    pad = _EPAD - _E
    e0p = jnp.concatenate([e_[0], jnp.full((pad,), _DUMMY_ROW, jnp.int32)])
    e1p = jnp.concatenate([e_[1], jnp.zeros((pad,), jnp.int32)])
    e00 = e0p[:_E0TOT].reshape(16, _CH0, _CHUNK)
    e10 = e1p[:_E0TOT].reshape(16, _CH0, _CHUNK)
    e01 = e0p[_E0TOT:].reshape(16, _CH1, _CHUNK)
    e11 = e1p[_E0TOT:].reshape(16, _CH1, _CHUNK)
    zrows = jnp.zeros((_ZTAIL, _M), jnp.float32)
    as2 = _scatter_call(s_rows.reshape(_BN, _M), e00, e10, e01, e11, zrows)

    dst = _amm_call(s_cols.reshape(_B, _M, _N), as2.reshape(2, _B, _N, _M))

    x_out = xout.reshape(_B * _M, nc)
    off = (jnp.arange(_B, dtype=jnp.int32) * _M).reshape(_B, 1, 1)
    src = jnp.broadcast_to(
        jnp.arange(_M, dtype=jnp.int32)[None, :, None], (_B, _M, _TOPK)) + off
    e_out = jnp.stack([src.reshape(-1), (dst + off).reshape(-1)], axis=0)
    b_out = jnp.repeat(jnp.arange(_B, dtype=jnp.int32), _M)
    return (x_out, e_out, b_out)

# --- scband reference (transcript-rebuilt; emitter-appended) ---
"""Pipeline reference for scband-cluster-pool-47296179863968 (READ-ONLY COPY).

The authoritative reference and input builder live on the scoring server;
editing this copy changes nothing except your own understanding.
"""

import jax, jax.numpy as jnp
import numpy as np

M = 16
TEMP = 1.0
B = 8
N = 1250
BN = B * N
C = 128
E = 160000
D = 3


def setup_inputs(seed: int = 0) -> dict:
    key = jax.random.key(seed)
    k1, k2 = jax.random.split(key)
    x = jax.random.normal(k1, (BN, C), dtype=jnp.float32)
    e_ = jax.random.randint(k2, (2, E), 0, BN, dtype=jnp.int32)
    b_ = jnp.repeat(jnp.arange(B, dtype=jnp.int32), N)
    return {"x": x, "e_": e_, "b_": b_}


def _kmeans(x3, m, b_, iters=20):
    nb = b_.shape[0] // N
    counts = jnp.bincount(b_, length=nb)
    starts = jnp.concatenate([jnp.zeros((1,), dtype=counts.dtype), jnp.cumsum(counts)[:-1]])
    init_idx = starts[:, None] + jnp.arange(m)
    centroids = x3[init_idx]  # (nb, m, 3)
    for _ in range(iters):
        c = centroids[b_]  # (BN, m, 3)
        d = ((x3[:, None, :] - c) ** 2).sum(axis=-1)  # (BN, m)
        assign = jnp.argmin(d, axis=1)
        cl = b_ * m + assign
        sums = jax.ops.segment_sum(x3, cl, num_segments=nb * m)
        cnt = jax.ops.segment_sum(jnp.ones((x3.shape[0],), x3.dtype), cl, num_segments=nb * m)
        mean = (sums / jnp.clip(cnt, 1.0)[:, None]).reshape(nb, m, x3.shape[1])
        centroids = jnp.where(cnt.reshape(nb, m, 1) > 0, mean, centroids)
    return centroids


def reference(x, e_, b_):
    nb = b_.shape[0] // N
    bn, c = x.shape
    d = D
    centroids = _kmeans(x[:, :d], M, b_, iters=20)  # (nb, M, 3)
    c_ = centroids[b_]  # (bn, M, 3)
    d_ = ((x[:, None, :d] - c_) ** 2).sum(axis=-1)  # (bn, M)
    S = jax.nn.softmax(-d_ / TEMP, axis=1)
    S_flat = S.reshape(-1, 1)
    f = x[:, d:]
    f = jnp.broadcast_to(f[:, None, :], (bn, M, c - d)).reshape(-1, c - d)
    f = f * S_flat
    I = (b_[:, None] * M + jnp.arange(M, dtype=b_.dtype)[None, :]).reshape(-1)
    xp = jnp.zeros((nb * M, c - d), dtype=x.dtype).at[I].add(f)
    x_out = jnp.concatenate([centroids.reshape(-1, d), xp], axis=1)  # (nb*M, c)
    # AS_ = A_NN @ S with A_NN sparse coo (ones at (e_[0], e_[1]))
    AS = jnp.zeros((bn, M), dtype=x.dtype).at[e_[0]].add(S[e_[1]])
    ST = jnp.tile(S.T[None], (nb, 1, 1)) * jax.nn.one_hot(b_, nb, dtype=x.dtype).T[:, None, :]
    A_MM = ST @ AS  # (nb, M, M)
    k = 4
    dst = jax.lax.top_k(A_MM, k)[1]  # (nb, M, k)
    src = jnp.broadcast_to(jnp.arange(M)[None, :, None], (nb, M, k))
    offset = jnp.arange(nb).reshape(nb, 1, 1) * M
    src = src + offset
    dst = dst + offset
    e_out = jnp.stack([src.reshape(-1), dst.reshape(-1)], axis=0)
    b_out = jnp.repeat(jnp.arange(nb), M)
    return (x_out, e_out, b_out)

if __name__ == "__main__":
    import jax
    _d = setup_inputs()
    print(jax.jit(kernel)(*tuple(_d.values())))

</pallas_src>

<mosaic_0001>
#map = affine_map<(d0, d1) -> (0, 0)>
#map1 = affine_map<(d0, d1) -> (0, 0, 0)>
module attributes {stable_mosaic.version = 14 : i64} {
  func.func @scatter_kernel(%arg0: i32, %arg1: i32, %arg2: memref<10000x16xf32, #tpu.memory_space<hbm>>, %arg3: memref<16x32x128xi32, #tpu.memory_space<hbm>>, %arg4: memref<16x32x128xi32, #tpu.memory_space<hbm>>, %arg5: memref<16x48x128xi32, #tpu.memory_space<hbm>>, %arg6: memref<16x48x128xi32, #tpu.memory_space<hbm>>, %arg7: memref<656x16xf32, #tpu.memory_space<hbm>>, %arg8: memref<20000x16xf32, #tpu.memory_space<hbm>>, %arg9: memref<48x128xi32, #tpu.memory_space<vmem>>, %arg10: memref<48x128xi32, #tpu.memory_space<vmem>>, %arg11: memref<8x128x16xf32, #tpu.memory_space<vmem>>, %arg12: memref<10016x16xf32, #tpu.memory_space<vmem_shared>>, %arg13: memref<!tpu.dma_semaphore, #tpu.memory_space<semaphore_mem>>, %arg14: memref<!tpu.dma_semaphore, #tpu.memory_space<semaphore_mem>>) attributes {dimension_semantics = [#tpu.dimension_semantics<core_parallel>, #tpu.dimension_semantics<subcore_parallel>], iteration_bounds = array<i64: 2, 16>, scalar_prefetch = 0 : i64, scratch_operands = 6 : i64, tpu.core_type = #tpu.core_type<sc_vector_subcore>, window_params = [{transform_indices = #map}, {transform_indices = #map1}, {transform_indices = #map1}, {transform_indices = #map1}, {transform_indices = #map1}, {transform_indices = #map}, {transform_indices = #map}]} {
    %lt3A = arith.constant 15 : i32
    %lt3A_0 = arith.cmpi slt, %arg1, %lt3A : i32
    %convert_element_type3A = arith.extui %lt3A_0 : i1 to i32
    %cond3A = arith.constant 0 : i32
    %cond3A_1 = arith.cmpi ne, %convert_element_type3A, %cond3A : i32
    scf.if %cond3A_1 {
      %mul3A = arith.constant 624 : i32
      %mul3A_27 = arith.muli %arg1, %mul3A : i32
      "tpu.region"() ({
        %run_scoped3A = tpu.sem_alloc : memref<!tpu.dma_semaphore, #tpu.memory_space<semaphore_mem>>
        %dma_start3A = arith.constant 0 : i32
        %dma_start3A_28 = tpu.memref_slice %arg12[%mul3A_27, %dma_start3A] : memref<10016x16xf32, #tpu.memory_space<vmem_shared>> -> memref<624x16xf32, #tpu.memory_space<vmem_shared>>
        %dma_start3A_29 = arith.constant 0 : i32
        %dma_start3A_30 = arith.constant 0 : i32
        %dma_start3A_31 = tpu.memref_slice %arg7[%dma_start3A_29, %dma_start3A_30] : memref<656x16xf32, #tpu.memory_space<hbm>> -> memref<624x16xf32, #tpu.memory_space<hbm>>
        tpu.enqueue_dma source(%dma_start3A_31 : memref<624x16xf32, #tpu.memory_space<hbm>>) target(%dma_start3A_28 : memref<624x16xf32, #tpu.memory_space<vmem_shared>>) target_semaphore(%run_scoped3A : memref<!tpu.dma_semaphore, #tpu.memory_space<semaphore_mem>>)
        %dma_wait3A = arith.constant 0 : i32
        %dma_wait3A_32 = tpu.memref_slice %arg12[%mul3A_27, %dma_wait3A] : memref<10016x16xf32, #tpu.memory_space<vmem_shared>> -> memref<624x16xf32, #tpu.memory_space<vmem_shared>>
        %dma_wait3A_33 = arith.constant 0 : i32
        %dma_wait3A_34 = arith.constant 0 : i32
        %dma_wait3A_35 = tpu.memref_slice %arg7[%dma_wait3A_33, %dma_wait3A_34] : memref<656x16xf32, #tpu.memory_space<hbm>> -> memref<624x16xf32, #tpu.memory_space<hbm>>
        tpu.wait_dma2 semaphore(%run_scoped3A : memref<!tpu.dma_semaphore, #tpu.memory_space<semaphore_mem>>) src(%dma_wait3A_35 : memref<624x16xf32, #tpu.memory_space<hbm>>) dst(%dma_wait3A_32 : memref<624x16xf32, #tpu.memory_space<vmem_shared>>)
        tpu.yield
      }) : () -> ()
    } else {
    }
    %eq3A = arith.constant 15 : i32
    %eq3A_2 = arith.cmpi eq, %arg1, %eq3A : i32
    %convert_element_type3A_3 = arith.extui %eq3A_2 : i1 to i32
    %cond3A_4 = arith.constant 0 : i32
    %cond3A_5 = arith.cmpi ne, %convert_element_type3A_3, %cond3A_4 : i32
    scf.if %cond3A_5 {
      "tpu.region"() ({
        %run_scoped3A = tpu.sem_alloc : memref<!tpu.dma_semaphore, #tpu.memory_space<semaphore_mem>>
        %dma_start3A = arith.constant 9360 : i32
        %dma_start3A_27 = arith.constant 0 : i32
        %dma_start3A_28 = tpu.memref_slice %arg12[%dma_start3A, %dma_start3A_27] : memref<10016x16xf32, #tpu.memory_space<vmem_shared>> -> memref<656x16xf32, #tpu.memory_space<vmem_shared>>
        tpu.enqueue_dma source(%arg7 : memref<656x16xf32, #tpu.memory_space<hbm>>) target(%dma_start3A_28 : memref<656x16xf32, #tpu.memory_space<vmem_shared>>) target_semaphore(%run_scoped3A : memref<!tpu.dma_semaphore, #tpu.memory_space<semaphore_mem>>)
        %dma_wait3A = arith.constant 9360 : i32
        %dma_wait3A_29 = arith.constant 0 : i32
        %dma_wait3A_30 = tpu.memref_slice %arg12[%dma_wait3A, %dma_wait3A_29] : memref<10016x16xf32, #tpu.memory_space<vmem_shared>> -> memref<656x16xf32, #tpu.memory_space<vmem_shared>>
        tpu.wait_dma2 semaphore(%run_scoped3A : memref<!tpu.dma_semaphore, #tpu.memory_space<semaphore_mem>>) src(%arg7 : memref<656x16xf32, #tpu.memory_space<hbm>>) dst(%dma_wait3A_30 : memref<656x16xf32, #tpu.memory_space<vmem_shared>>)
        tpu.yield
      }) : () -> ()
    } else {
    }
    %barrier3A = arith.constant 0 : index
    tpu.barrier barrier_id(%barrier3A)
    %eq3A_6 = arith.constant 0 : i32
    %eq3A_7 = arith.cmpi eq, %arg0, %eq3A_6 : i32
    %convert_element_type3A_8 = arith.extui %eq3A_7 : i1 to i32
    %cond3A_9 = arith.constant 0 : i32
    %cond3A_10 = arith.cmpi ne, %convert_element_type3A_8, %cond3A_9 : i32
    scf.if %cond3A_10 {
      "tpu.region"() ({
        %run_scoped3A = tpu.sem_alloc : memref<!tpu.dma_semaphore, #tpu.memory_space<semaphore_mem>>
        %dma_start3A_126 = arith.constant 0 : i32
        %dma_start3A_127 = arith.constant 0 : i32
        %dma_start3A_128 = tpu.memref_slice %arg9[%dma_start3A_126, %dma_start3A_127] : memref<48x128xi32, #tpu.memory_space<vmem>> -> memref<32x128xi32, #tpu.memory_space<vmem>>
        %dma_start3A_129 = arith.constant 0 : i32
        %dma_start3A_130 = arith.constant 0 : i32
        %dma_start3A_131 = tpu.memref_slice %arg3[%arg1, %dma_start3A_129, %dma_start3A_130] : memref<16x32x128xi32, #tpu.memory_space<hbm>> -> memref<1x32x128xi32, #tpu.memory_space<hbm>>
        %dma_start3A_132 = tpu.memref_squeeze %dma_start3A_131 : memref<1x32x128xi32, #tpu.memory_space<hbm>> -> memref<32x128xi32, #tpu.memory_space<hbm>>
        %dma_start3A_133 = arith.constant 0 : i32
        %dma_start3A_134 = arith.constant 0 : i32
        %dma_start3A_135 = tpu.memref_slice %arg9[%dma_start3A_133, %dma_start3A_134] : memref<48x128xi32, #tpu.memory_space<vmem>> -> memref<32x128xi32, #tpu.memory_space<vmem>>
        %dma_start3A_136 = arith.constant 0 : i32
        %dma_start3A_137 = arith.constant 0 : i32
        %dma_start3A_138 = tpu.memref_slice %arg3[%arg1, %dma_start3A_136, %dma_start3A_137] : memref<16x32x128xi32, #tpu.memory_space<hbm>> -> memref<1x32x128xi32, #tpu.memory_space<hbm>>
        %dma_start3A_139 = tpu.memref_squeeze %dma_start3A_138 : memref<1x32x128xi32, #tpu.memory_space<hbm>> -> memref<32x128xi32, #tpu.memory_space<hbm>>
        tpu.enqueue_dma source(%dma_start3A_139 : memref<32x128xi32, #tpu.memory_space<hbm>>) target(%dma_start3A_135 : memref<32x128xi32, #tpu.memory_space<vmem>>) target_semaphore(%run_scoped3A : memref<!tpu.dma_semaphore, #tpu.memory_space<semaphore_mem>>)
        %dma_wait3A_140 = arith.constant 0 : i32
        %dma_wait3A_141 = arith.constant 0 : i32
        %dma_wait3A_142 = tpu.memref_slice %arg9[%dma_wait3A_140, %dma_wait3A_141] : memref<48x128xi32, #tpu.memory_space<vmem>> -> memref<32x128xi32, #tpu.memory_space<vmem>>
        %dma_wait3A_143 = arith.constant 0 : i32
        %dma_wait3A_144 = arith.constant 0 : i32
        %dma_wait3A_145 = tpu.memref_slice %arg3[%arg1, %dma_wait3A_143, %dma_wait3A_144] : memref<16x32x128xi32, #tpu.memory_space<hbm>> -> memref<1x32x128xi32, #tpu.memory_space<hbm>>
        %dma_wait3A_146 = tpu.memref_squeeze %dma_wait3A_145 : memref<1x32x128xi32, #tpu.memory_space<hbm>> -> memref<32x128xi32, #tpu.memory_space<hbm>>
        %dma_wait3A_147 = arith.constant 0 : i32
        %dma_wait3A_148 = arith.constant 0 : i32
        %dma_wait3A_149 = tpu.memref_slice %arg9[%dma_wait3A_147, %dma_wait3A_148] : memref<48x128xi32, #tpu.memory_space<vmem>> -> memref<32x128xi32, #tpu.memory_space<vmem>>
        %dma_wait3A_150 = arith.constant 0 : i32
        %dma_wait3A_151 = arith.constant 0 : i32
        %dma_wait3A_152 = tpu.memref_slice %arg3[%arg1, %dma_wait3A_150, %dma_wait3A_151] : memref<16x32x128xi32, #tpu.memory_space<hbm>> -> memref<1x32x128xi32, #tpu.memory_space<hbm>>
        %dma_wait3A_153 = tpu.memref_squeeze %dma_wait3A_152 : memref<1x32x128xi32, #tpu.memory_space<hbm>> -> memref<32x128xi32, #tpu.memory_space<hbm>>
        tpu.wait_dma2 semaphore(%run_scoped3A : memref<!tpu.dma_semaphore, #tpu.memory_space<semaphore_mem>>) src(%dma_wait3A_153 : memref<32x128xi32, #tpu.memory_space<hbm>>) dst(%dma_wait3A_149 : memref<32x128xi32, #tpu.memory_space<vmem>>)
        tpu.yield
      }) : () -> ()
      "tpu.region"() ({
        %run_scoped3A = tpu.sem_alloc : memref<!tpu.dma_semaphore, #tpu.memory_space<semaphore_mem>>
        %dma_start3A_126 = arith.constant 0 : i32
        %dma_start3A_127 = arith.constant 0 : i32
        %dma_start3A_128 = tpu.memref_slice %arg10[%dma_start3A_126, %dma_start3A_127] : memref<48x128xi32, #tpu.memory_space<vmem>> -> memref<32x128xi32, #tpu.memory_space<vmem>>
        %dma_start3A_129 = arith.constant 0 : i32
        %dma_start3A_130 = arith.constant 0 : i32
        %dma_start3A_131 = tpu.memref_slice %arg4[%arg1, %dma_start3A_129, %dma_start3A_130] : memref<16x32x128xi32, #tpu.memory_space<hbm>> -> memref<1x32x128xi32, #tpu.memory_space<hbm>>
        %dma_start3A_132 = tpu.memref_squeeze %dma_start3A_131 : memref<1x32x128xi32, #tpu.memory_space<hbm>> -> memref<32x128xi32, #tpu.memory_space<hbm>>
        %dma_start3A_133 = arith.constant 0 : i32
        %dma_start3A_134 = arith.constant 0 : i32
        %dma_start3A_135 = tpu.memref_slice %arg10[%dma_start3A_133, %dma_start3A_134] : memref<48x128xi32, #tpu.memory_space<vmem>> -> memref<32x128xi32, #tpu.memory_space<vmem>>
        %dma_start3A_136 = arith.constant 0 : i32
        %dma_start3A_137 = arith.constant 0 : i32
        %dma_start3A_138 = tpu.memref_slice %arg4[%arg1, %dma_start3A_136, %dma_start3A_137] : memref<16x32x128xi32, #tpu.memory_space<hbm>> -> memref<1x32x128xi32, #tpu.memory_space<hbm>>
        %dma_start3A_139 = tpu.memref_squeeze %dma_start3A_138 : memref<1x32x128xi32, #tpu.memory_space<hbm>> -> memref<32x128xi32, #tpu.memory_space<hbm>>
        tpu.enqueue_dma source(%dma_start3A_139 : memref<32x128xi32, #tpu.memory_space<hbm>>) target(%dma_start3A_135 : memref<32x128xi32, #tpu.memory_space<vmem>>) target_semaphore(%run_scoped3A : memref<!tpu.dma_semaphore, #tpu.memory_space<semaphore_mem>>)
        %dma_wait3A_140 = arith.constant 0 : i32
        %dma_wait3A_141 = arith.constant 0 : i32
        %dma_wait3A_142 = tpu.memref_slice %arg10[%dma_wait3A_140, %dma_wait3A_141] : memref<48x128xi32, #tpu.memory_space<vmem>> -> memref<32x128xi32, #tpu.memory_space<vmem>>
        %dma_wait3A_143 = arith.constant 0 : i32
        %dma_wait3A_144 = arith.constant 0 : i32
        %dma_wait3A_145 = tpu.memref_slice %arg4[%arg1, %dma_wait3A_143, %dma_wait3A_144] : memref<16x32x128xi32, #tpu.memory_space<hbm>> -> memref<1x32x128xi32, #tpu.memory_space<hbm>>
        %dma_wait3A_146 = tpu.memref_squeeze %dma_wait3A_145 : memref<1x32x128xi32, #tpu.memory_space<hbm>> -> memref<32x128xi32, #tpu.memory_space<hbm>>
        %dma_wait3A_147 = arith.constant 0 : i32
        %dma_wait3A_148 = arith.constant 0 : i32
        %dma_wait3A_149 = tpu.memref_slice %arg10[%dma_wait3A_147, %dma_wait3A_148] : memref<48x128xi32, #tpu.memory_space<vmem>> -> memref<32x128xi32, #tpu.memory_space<vmem>>
        %dma_wait3A_150 = arith.constant 0 : i32
        %dma_wait3A_151 = arith.constant 0 : i32
        %dma_wait3A_152 = tpu.memref_slice %arg4[%arg1, %dma_wait3A_150, %dma_wait3A_151] : memref<16x32x128xi32, #tpu.memory_space<hbm>> -> memref<1x32x128xi32, #tpu.memory_space<hbm>>
        %dma_wait3A_153 = tpu.memref_squeeze %dma_wait3A_152 : memref<1x32x128xi32, #tpu.memory_space<hbm>> -> memref<32x128xi32, #tpu.memory_space<hbm>>
        tpu.wait_dma2 semaphore(%run_scoped3A : memref<!tpu.dma_semaphore, #tpu.memory_space<semaphore_mem>>) src(%dma_wait3A_153 : memref<32x128xi32, #tpu.memory_space<hbm>>) dst(%dma_wait3A_149 : memref<32x128xi32, #tpu.memory_space<vmem>>)
        tpu.yield
      }) : () -> ()
      %dma_start3A = arith.constant 0 : i32
      %dma_start3A_27 = arith.constant 0 : i32
      %dma_start3A_28 = arith.constant 0 : i32
      %dma_start3A_29 = arith.constant 0 : i32
      %dma_start3A_30 = tpu.memref_slice %arg11[%dma_start3A_27, %dma_start3A_28, %dma_start3A_29] : memref<8x128x16xf32, #tpu.memory_space<vmem>> -> memref<1x128x16xf32, #tpu.memory_space<vmem>>
      %dma_start3A_31 = tpu.memref_squeeze %dma_start3A_30 : memref<1x128x16xf32, #tpu.memory_space<vmem>> -> memref<128x16xf32, #tpu.memory_space<vmem>>
      %dma_start3A_32 = arith.constant 0 : i32
      %dma_start3A_33 = tpu.memref_slice %arg10[%dma_start3A, %dma_start3A_32] : memref<48x128xi32, #tpu.memory_space<vmem>> -> memref<1x128xi32, #tpu.memory_space<vmem>>
      %dma_start3A_34 = tpu.memref_squeeze %dma_start3A_33 : memref<1x128xi32, #tpu.memory_space<vmem>> -> memref<128xi32, #tpu.memory_space<vmem>>
      %dma_start3A_35 = arith.constant 0 : i32
      %dma_start3A_36 = arith.constant 0 : i32
      %dma_start3A_37 = tpu.memref_slice %arg2[%dma_start3A_35, %dma_start3A_36] : memref<10000x16xf32, #tpu.memory_space<hbm>> -> memref<10000x16xf32, #tpu.memory_space<hbm>>
      tpu.enqueue_indirect_dma source(%dma_start3A_37 : memref<10000x16xf32, #tpu.memory_space<hbm>>) target(%dma_start3A_31 : memref<128x16xf32, #tpu.memory_space<vmem>>) offsets(%dma_start3A_34 : memref<128xi32, #tpu.memory_space<vmem>>) semaphore(%arg13 : memref<!tpu.dma_semaphore, #tpu.memory_space<semaphore_mem>>)
      %dma_start3A_38 = arith.constant 1 : i32
      %dma_start3A_39 = arith.constant 1 : i32
      %dma_start3A_40 = arith.constant 0 : i32
      %dma_start3A_41 = arith.constant 0 : i32
      %dma_start3A_42 = tpu.memref_slice %arg11[%dma_start3A_39, %dma_start3A_40, %dma_start3A_41] : memref<8x128x16xf32, #tpu.memory_space<vmem>> -> memref<1x128x16xf32, #tpu.memory_space<vmem>>
      %dma_start3A_43 = tpu.memref_squeeze %dma_start3A_42 : memref<1x128x16xf32, #tpu.memory_space<vmem>> -> memref<128x16xf32, #tpu.memory_space<vmem>>
      %dma_start3A_44 = arith.constant 0 : i32
      %dma_start3A_45 = tpu.memref_slice %arg10[%dma_start3A_38, %dma_start3A_44] : memref<48x128xi32, #tpu.memory_space<vmem>> -> memref<1x128xi32, #tpu.memory_space<vmem>>
      %dma_start3A_46 = tpu.memref_squeeze %dma_start3A_45 : memref<1x128xi32, #tpu.memory_space<vmem>> -> memref<128xi32, #tpu.memory_space<vmem>>
      %dma_start3A_47 = arith.constant 0 : i32
      %dma_start3A_48 = arith.constant 0 : i32
      %dma_start3A_49 = tpu.memref_slice %arg2[%dma_start3A_47, %dma_start3A_48] : memref<10000x16xf32, #tpu.memory_space<hbm>> -> memref<10000x16xf32, #tpu.memory_space<hbm>>
      tpu.enqueue_indirect_dma source(%dma_start3A_49 : memref<10000x16xf32, #tpu.memory_space<hbm>>) target(%dma_start3A_43 : memref<128x16xf32, #tpu.memory_space<vmem>>) offsets(%dma_start3A_46 : memref<128xi32, #tpu.memory_space<vmem>>) semaphore(%arg13 : memref<!tpu.dma_semaphore, #tpu.memory_space<semaphore_mem>>)
      %dma_start3A_50 = arith.constant 2 : i32
      %dma_start3A_51 = arith.constant 2 : i32
      %dma_start3A_52 = arith.constant 0 : i32
      %dma_start3A_53 = arith.constant 0 : i32
      %dma_start3A_54 = tpu.memref_slice %arg11[%dma_start3A_51, %dma_start3A_52, %dma_start3A_53] : memref<8x128x16xf32, #tpu.memory_space<vmem>> -> memref<1x128x16xf32, #tpu.memory_space<vmem>>
      %dma_start3A_55 = tpu.memref_squeeze %dma_start3A_54 : memref<1x128x16xf32, #tpu.memory_space<vmem>> -> memref<128x16xf32, #tpu.memory_space<vmem>>
      %dma_start3A_56 = arith.constant 0 : i32
      %dma_start3A_57 = tpu.memref_slice %arg10[%dma_start3A_50, %dma_start3A_56] : memref<48x128xi32, #tpu.memory_space<vmem>> -> memref<1x128xi32, #tpu.memory_space<vmem>>
      %dma_start3A_58 = tpu.memref_squeeze %dma_start3A_57 : memref<1x128xi32, #tpu.memory_space<vmem>> -> memref<128xi32, #tpu.memory_space<vmem>>
      %dma_start3A_59 = arith.constant 0 : i32
      %dma_start3A_60 = arith.constant 0 : i32
      %dma_start3A_61 = tpu.memref_slice %arg2[%dma_start3A_59, %dma_start3A_60] : memref<10000x16xf32, #tpu.memory_space<hbm>> -> memref<10000x16xf32, #tpu.memory_space<hbm>>
      tpu.enqueue_indirect_dma source(%dma_start3A_61 : memref<10000x16xf32, #tpu.memory_space<hbm>>) target(%dma_start3A_55 : memref<128x16xf32, #tpu.memory_space<vmem>>) offsets(%dma_start3A_58 : memref<128xi32, #tpu.memory_space<vmem>>) semaphore(%arg13 : memref<!tpu.dma_semaphore, #tpu.memory_space<semaphore_mem>>)
      %dma_start3A_62 = arith.constant 3 : i32
      %dma_start3A_63 = arith.constant 3 : i32
      %dma_start3A_64 = arith.constant 0 : i32
      %dma_start3A_65 = arith.constant 0 : i32
      %dma_start3A_66 = tpu.memref_slice %arg11[%dma_start3A_63, %dma_start3A_64, %dma_start3A_65] : memref<8x128x16xf32, #tpu.memory_space<vmem>> -> memref<1x128x16xf32, #tpu.memory_space<vmem>>
      %dma_start3A_67 = tpu.memref_squeeze %dma_start3A_66 : memref<1x128x16xf32, #tpu.memory_space<vmem>> -> memref<128x16xf32, #tpu.memory_space<vmem>>
      %dma_start3A_68 = arith.constant 0 : i32
      %dma_start3A_69 = tpu.memref_slice %arg10[%dma_start3A_62, %dma_start3A_68] : memref<48x128xi32, #tpu.memory_space<vmem>> -> memref<1x128xi32, #tpu.memory_space<vmem>>
      %dma_start3A_70 = tpu.memref_squeeze %dma_start3A_69 : memref<1x128xi32, #tpu.memory_space<vmem>> -> memref<128xi32, #tpu.memory_space<vmem>>
      %dma_start3A_71 = arith.constant 0 : i32
      %dma_start3A_72 = arith.constant 0 : i32
      %dma_start3A_73 = tpu.memref_slice %arg2[%dma_start3A_71, %dma_start3A_72] : memref<10000x16xf32, #tpu.memory_space<hbm>> -> memref<10000x16xf32, #tpu.memory_space<hbm>>
      tpu.enqueue_indirect_dma source(%dma_start3A_73 : memref<10000x16xf32, #tpu.memory_space<hbm>>) target(%dma_start3A_67 : memref<128x16xf32, #tpu.memory_space<vmem>>) offsets(%dma_start3A_70 : memref<128xi32, #tpu.memory_space<vmem>>) semaphore(%arg13 : memref<!tpu.dma_semaphore, #tpu.memory_space<semaphore_mem>>)
      %scan3A = arith.constant 0 : i32
      %scan3A_74 = arith.constant 0 : i32
      %scan3A_75 = arith.constant 4 : i32
      %scan3A_76 = arith.addi %scan3A_74, %scan3A_75 : i32
      %scan3A_77 = arith.constant 1 : i32
      scf.for %scan3A_126 = %scan3A_74 to %scan3A_76 step %scan3A_77  : i32 {
        %mul3A = arith.constant 8 : i32
        %mul3A_127 = arith.muli %scan3A_126, %mul3A : i32
        %add3A = arith.constant 0 : i32
        %add3A_128 = arith.addi %mul3A_127, %add3A : i32
        %dma_wait3A_129 = arith.constant 0 : i32
        %dma_wait3A_130 = arith.constant 0 : i32
        %dma_wait3A_131 = arith.constant 0 : i32
        %dma_wait3A_132 = tpu.memref_slice %arg11[%dma_wait3A_129, %dma_wait3A_130, %dma_wait3A_131] : memref<8x128x16xf32, #tpu.memory_space<vmem>> -> memref<1x128x16xf32, #tpu.memory_space<vmem>>
        %dma_wait3A_133 = tpu.memref_squeeze %dma_wait3A_132 : memref<1x128x16xf32, #tpu.memory_space<vmem>> -> memref<128x16xf32, #tpu.memory_space<vmem>>
        %dma_wait3A_134 = arith.constant 0 : i32
        %dma_wait3A_135 = tpu.memref_slice %arg10[%add3A_128, %dma_wait3A_134] : memref<48x128xi32, #tpu.memory_space<vmem>> -> memref<1x128xi32, #tpu.memory_space<vmem>>
        %dma_wait3A_136 = tpu.memref_squeeze %dma_wait3A_135 : memref<1x128xi32, #tpu.memory_space<vmem>> -> memref<128xi32, #tpu.memory_space<vmem>>
        %dma_wait3A_137 = arith.constant 0 : i32
        %dma_wait3A_138 = arith.constant 0 : i32
        %dma_wait3A_139 = tpu.memref_slice %arg2[%dma_wait3A_137, %dma_wait3A_138] : memref<10000x16xf32, #tpu.memory_space<hbm>> -> memref<10000x16xf32, #tpu.memory_space<hbm>>
        tpu.wait_indirect_dma semaphore(%arg13 : memref<!tpu.dma_semaphore, #tpu.memory_space<semaphore_mem>>) src(%dma_wait3A_139 : memref<10000x16xf32, #tpu.memory_space<hbm>>) dst(%dma_wait3A_133 : memref<128x16xf32, #tpu.memory_space<vmem>>)
        %dma_start3A_140 = arith.constant 0 : i32
        %dma_start3A_141 = arith.constant 0 : i32
        %dma_start3A_142 = arith.constant 0 : i32
        %dma_start3A_143 = tpu.memref_slice %arg11[%dma_start3A_140, %dma_start3A_141, %dma_start3A_142] : memref<8x128x16xf32, #tpu.memory_space<vmem>> -> memref<1x128x16xf32, #tpu.memory_space<vmem>>
        %dma_start3A_144 = tpu.memref_squeeze %dma_start3A_143 : memref<1x128x16xf32, #tpu.memory_space<vmem>> -> memref<128x16xf32, #tpu.memory_space<vmem>>
        %dma_start3A_145 = arith.constant 0 : i32
        %dma_start3A_146 = tpu.memref_slice %arg9[%add3A_128, %dma_start3A_145] : memref<48x128xi32, #tpu.memory_space<vmem>> -> memref<1x128xi32, #tpu.memory_space<vmem>>
        %dma_start3A_147 = tpu.memref_squeeze %dma_start3A_146 : memref<1x128xi32, #tpu.memory_space<vmem>> -> memref<128xi32, #tpu.memory_space<vmem>>
        %dma_start3A_148 = arith.constant 0 : i32
        %dma_start3A_149 = arith.constant 0 : i32
        %dma_start3A_150 = tpu.memref_slice %arg12[%dma_start3A_148, %dma_start3A_149] : memref<10016x16xf32, #tpu.memory_space<vmem_shared>> -> memref<10016x16xf32, #tpu.memory_space<vmem_shared>>
        tpu.enqueue_indirect_dma source(%dma_start3A_144 : memref<128x16xf32, #tpu.memory_space<vmem>>) target(%dma_start3A_150 : memref<10016x16xf32, #tpu.memory_space<vmem_shared>>) offsets(%dma_start3A_147 : memref<128xi32, #tpu.memory_space<vmem>>) semaphore(%arg14 : memref<!tpu.dma_semaphore, #tpu.memory_space<semaphore_mem>>) {add = true}
        %ge3A = arith.constant 4 : i32
        %ge3A_151 = arith.cmpi sge, %add3A_128, %ge3A : i32
        %convert_element_type3A_152 = arith.extui %ge3A_151 : i1 to i32
        %cond3A_153 = arith.constant 0 : i32
        %cond3A_154 = arith.cmpi ne, %convert_element_type3A_152, %cond3A_153 : i32
        scf.if %cond3A_154 {
          %sub3A = arith.constant 4 : i32
          %sub3A_428 = arith.subi %add3A_128, %sub3A : i32
          %dma_wait3A_429 = arith.constant 4 : i32
          %dma_wait3A_430 = arith.constant 0 : i32
          %dma_wait3A_431 = arith.constant 0 : i32
          %dma_wait3A_432 = tpu.memref_slice %arg11[%dma_wait3A_429, %dma_wait3A_430, %dma_wait3A_431] : memref<8x128x16xf32, #tpu.memory_space<vmem>> -> memref<1x128x16xf32, #tpu.memory_space<vmem>>
          %dma_wait3A_433 = tpu.memref_squeeze %dma_wait3A_432 : memref<1x128x16xf32, #tpu.memory_space<vmem>> -> memref<128x16xf32, #tpu.memory_space<vmem>>
          %dma_wait3A_434 = arith.constant 0 : i32
          %dma_wait3A_435 = tpu.memref_slice %arg9[%sub3A_428, %dma_wait3A_434] : memref<48x128xi32, #tpu.memory_space<vmem>> -> memref<1x128xi32, #tpu.memory_space<vmem>>
          %dma_wait3A_436 = tpu.memref_squeeze %dma_wait3A_435 : memref<1x128xi32, #tpu.memory_space<vmem>> -> memref<128xi32, #tpu.memory_space<vmem>>
          %dma_wait3A_437 = arith.constant 0 : i32
          %dma_wait3A_438 = arith.constant 0 : i32
          %dma_wait3A_439 = tpu.memref_slice %arg12[%dma_wait3A_437, %dma_wait3A_438] : memref<10016x16xf32, #tpu.memory_space<vmem_shared>> -> memref<10016x16xf32, #tpu.memory_space<vmem_shared>>
          tpu.wait_indirect_dma semaphore(%arg14 : memref<!tpu.dma_semaphore, #tpu.memory_space<semaphore_mem>>) src(%dma_wait3A_433 : memref<128x16xf32, #tpu.memory_space<vmem>>) dst(%dma_wait3A_439 : memref<10016x16xf32, #tpu.memory_space<vmem_shared>>)
        } else {
        }
        %add3A_155 = arith.constant 4 : i32
        %add3A_156 = arith.addi %add3A_128, %add3A_155 : i32
        %lt3A_157 = arith.constant 32 : i32
        %lt3A_158 = arith.cmpi slt, %add3A_156, %lt3A_157 : i32
        %convert_element_type3A_159 = arith.extui %lt3A_158 : i1 to i32
        %cond3A_160 = arith.constant 0 : i32
        %cond3A_161 = arith.cmpi ne, %convert_element_type3A_159, %cond3A_160 : i32
        scf.if %cond3A_161 {
          %add3A_428 = arith.constant 4 : i32
          %add3A_429 = arith.addi %add3A_128, %add3A_428 : i32
          %dma_start3A_430 = arith.constant 4 : i32
          %dma_start3A_431 = arith.constant 0 : i32
          %dma_start3A_432 = arith.constant 0 : i32
          %dma_start3A_433 = tpu.memref_slice %arg11[%dma_start3A_430, %dma_start3A_431, %dma_start3A_432] : memref<8x128x16xf32, #tpu.memory_space<vmem>> -> memref<1x128x16xf32, #tpu.memory_space<vmem>>
          %dma_start3A_434 = tpu.memref_squeeze %dma_start3A_433 : memref<1x128x16xf32, #tpu.memory_space<vmem>> -> memref<128x16xf32, #tpu.memory_space<vmem>>
          %dma_start3A_435 = arith.constant 0 : i32
          %dma_start3A_436 = tpu.memref_slice %arg10[%add3A_429, %dma_start3A_435] : memref<48x128xi32, #tpu.memory_space<vmem>> -> memref<1x128xi32, #tpu.memory_space<vmem>>
          %dma_start3A_437 = tpu.memref_squeeze %dma_start3A_436 : memref<1x128xi32, #tpu.memory_space<vmem>> -> memref<128xi32, #tpu.memory_space<vmem>>
          %dma_start3A_438 = arith.constant 0 : i32
          %dma_start3A_439 = arith.constant 0 : i32
          %dma_start3A_440 = tpu.memref_slice %arg2[%dma_start3A_438, %dma_start3A_439] : memref<10000x16xf32, #tpu.memory_space<hbm>> -> memref<10000x16xf32, #tpu.memory_space<hbm>>
          tpu.enqueue_indirect_dma source(%dma_start3A_440 : memref<10000x16xf32, #tpu.memory_space<hbm>>) target(%dma_start3A_434 : memref<128x16xf32, #tpu.memory_space<vmem>>) offsets(%dma_start3A_437 : memref<128xi32, #tpu.memory_space<vmem>>) semaphore(%arg13 : memref<!tpu.dma_semaphore, #tpu.memory_space<semaphore_mem>>)
        } else {
        }
        %mul3A_162 = arith.constant 8 : i32
        %mul3A_163 = arith.muli %scan3A_126, %mul3A_162 : i32
        %add3A_164 = arith.constant 1 : i32
        %add3A_165 = arith.addi %mul3A_163, %add3A_164 : i32
        %dma_wait3A_166 = arith.constant 1 : i32
        %dma_wait3A_167 = arith.constant 0 : i32
        %dma_wait3A_168 = arith.constant 0 : i32
        %dma_wait3A_169 = tpu.memref_slice %arg11[%dma_wait3A_166, %dma_wait3A_167, %dma_wait3A_168] : memref<8x128x16xf32, #tpu.memory_space<vmem>> -> memref<1x128x16xf32, #tpu.memory_space<vmem>>
        %dma_wait3A_170 = tpu.memref_squeeze %dma_wait3A_169 : memref<1x128x16xf32, #tpu.memory_space<vmem>> -> memref<128x16xf32, #tpu.memory_space<vmem>>
        %dma_wait3A_171 = arith.constant 0 : i32
        %dma_wait3A_172 = tpu.memref_slice %arg10[%add3A_165, %dma_wait3A_171] : memref<48x128xi32, #tpu.memory_space<vmem>> -> memref<1x128xi32, #tpu.memory_space<vmem>>
        %dma_wait3A_173 = tpu.memref_squeeze %dma_wait3A_172 : memref<1x128xi32, #tpu.memory_space<vmem>> -> memref<128xi32, #tpu.memory_space<vmem>>
        %dma_wait3A_174 = arith.constant 0 : i32
        %dma_wait3A_175 = arith.constant 0 : i32
        %dma_wait3A_176 = tpu.memref_slice %arg2[%dma_wait3A_174, %dma_wait3A_175] : memref<10000x16xf32, #tpu.memory_space<hbm>> -> memref<10000x16xf32, #tpu.memory_space<hbm>>
        tpu.wait_indirect_dma semaphore(%arg13 : memref<!tpu.dma_semaphore, #tpu.memory_space<semaphore_mem>>) src(%dma_wait3A_176 : memref<10000x16xf32, #tpu.memory_space<hbm>>) dst(%dma_wait3A_170 : memref<128x16xf32, #tpu.memory_space<vmem>>)
        %dma_start3A_177 = arith.constant 1 : i32
        %dma_start3A_178 = arith.constant 0 : i32
        %dma_start3A_179 = arith.constant 0 : i32
        %dma_start3A_180 = tpu.memref_slice %arg11[%dma_start3A_177, %dma_start3A_178, %dma_start3A_179] : memref<8x128x16xf32, #tpu.memory_space<vmem>> -> memref<1x128x16xf32, #tpu.memory_space<vmem>>
        %dma_start3A_181 = tpu.memref_squeeze %dma_start3A_180 : memref<1x128x16xf32, #tpu.memory_space<vmem>> -> memref<128x16xf32, #tpu.memory_space<vmem>>
        %dma_start3A_182 = arith.constant 0 : i32
        %dma_start3A_183 = tpu.memref_slice %arg9[%add3A_165, %dma_start3A_182] : memref<48x128xi32, #tpu.memory_space<vmem>> -> memref<1x128xi32, #tpu.memory_space<vmem>>
        %dma_start3A_184 = tpu.memref_squeeze %dma_start3A_183 : memref<1x128xi32, #tpu.memory_space<vmem>> -> memref<128xi32, #tpu.memory_space<vmem>>
        %dma_start3A_185 = arith.constant 0 : i32
        %dma_start3A_186 = arith.constant 0 : i32
        %dma_start3A_187 = tpu.memref_slice %arg12[%dma_start3A_185, %dma_start3A_186] : memref<10016x16xf32, #tpu.memory_space<vmem_shared>> -> memref<10016x16xf32, #tpu.memory_space<vmem_shared>>
        tpu.enqueue_indirect_dma source(%dma_start3A_181 : memref<128x16xf32, #tpu.memory_space<vmem>>) target(%dma_start3A_187 : memref<10016x16xf32, #tpu.memory_space<vmem_shared>>) offsets(%dma_start3A_184 : memref<128xi32, #tpu.memory_space<vmem>>) semaphore(%arg14 : memref<!tpu.dma_semaphore, #tpu.memory_space<semaphore_mem>>) {add = true}
        %ge3A_188 = arith.constant 4 : i32
        %ge3A_189 = arith.cmpi sge, %add3A_165, %ge3A_188 : i32
        %convert_element_type3A_190 = arith.extui %ge3A_189 : i1 to i32
        %cond3A_191 = arith.constant 0 : i32
        %cond3A_192 = arith.cmpi ne, %convert_element_type3A_190, %cond3A_191 : i32
        scf.if %cond3A_192 {
          %sub3A = arith.constant 4 : i32
          %sub3A_428 = arith.subi %add3A_165, %sub3A : i32
          %dma_wait3A_429 = arith.constant 5 : i32
          %dma_wait3A_430 = arith.constant 0 : i32
          %dma_wait3A_431 = arith.constant 0 : i32
          %dma_wait3A_432 = tpu.memref_slice %arg11[%dma_wait3A_429, %dma_wait3A_430, %dma_wait3A_431] : memref<8x128x16xf32, #tpu.memory_space<vmem>> -> memref<1x128x16xf32, #tpu.memory_space<vmem>>
          %dma_wait3A_433 = tpu.memref_squeeze %dma_wait3A_432 : memref<1x128x16xf32, #tpu.memory_space<vmem>> -> memref<128x16xf32, #tpu.memory_space<vmem>>
          %dma_wait3A_434 = arith.constant 0 : i32
          %dma_wait3A_435 = tpu.memref_slice %arg9[%sub3A_428, %dma_wait3A_434] : memref<48x128xi32, #tpu.memory_space<vmem>> -> memref<1x128xi32, #tpu.memory_space<vmem>>
          %dma_wait3A_436 = tpu.memref_squeeze %dma_wait3A_435 : memref<1x128xi32, #tpu.memory_space<vmem>> -> memref<128xi32, #tpu.memory_space<vmem>>
          %dma_wait3A_437 = arith.constant 0 : i32
          %dma_wait3A_438 = arith.constant 0 : i32
          %dma_wait3A_439 = tpu.memref_slice %arg12[%dma_wait3A_437, %dma_wait3A_438] : memref<10016x16xf32, #tpu.memory_space<vmem_shared>> -> memref<10016x16xf32, #tpu.memory_space<vmem_shared>>
          tpu.wait_indirect_dma semaphore(%arg14 : memref<!tpu.dma_semaphore, #tpu.memory_space<semaphore_mem>>) src(%dma_wait3A_433 : memref<128x16xf32, #tpu.memory_space<vmem>>) dst(%dma_wait3A_439 : memref<10016x16xf32, #tpu.memory_space<vmem_shared>>)
        } else {
        }
        %add3A_193 = arith.constant 4 : i32
        %add3A_194 = arith.addi %add3A_165, %add3A_193 : i32
        %lt3A_195 = arith.constant 32 : i32
        %lt3A_196 = arith.cmpi slt, %add3A_194, %lt3A_195 : i32
        %convert_element_type3A_197 = arith.extui %lt3A_196 : i1 to i32
        %cond3A_198 = arith.constant 0 : i32
        %cond3A_199 = arith.cmpi ne, %convert_element_type3A_197, %cond3A_198 : i32
        scf.if %cond3A_199 {
          %add3A_428 = arith.constant 4 : i32
          %add3A_429 = arith.addi %add3A_165, %add3A_428 : i32
          %dma_start3A_430 = arith.constant 5 : i32
          %dma_start3A_431 = arith.constant 0 : i32
          %dma_start3A_432 = arith.constant 0 : i32
          %dma_start3A_433 = tpu.memref_slice %arg11[%dma_start3A_430, %dma_start3A_431, %dma_start3A_432] : memref<8x128x16xf32, #tpu.memory_space<vmem>> -> memref<1x128x16xf32, #tpu.memory_space<vmem>>
          %dma_start3A_434 = tpu.memref_squeeze %dma_start3A_433 : memref<1x128x16xf32, #tpu.memory_space<vmem>> -> memref<128x16xf32, #tpu.memory_space<vmem>>
          %dma_start3A_435 = arith.constant 0 : i32
          %dma_start3A_436 = tpu.memref_slice %arg10[%add3A_429, %dma_start3A_435] : memref<48x128xi32, #tpu.memory_space<vmem>> -> memref<1x128xi32, #tpu.memory_space<vmem>>
          %dma_start3A_437 = tpu.memref_squeeze %dma_start3A_436 : memref<1x128xi32, #tpu.memory_space<vmem>> -> memref<128xi32, #tpu.memory_space<vmem>>
          %dma_start3A_438 = arith.constant 0 : i32
          %dma_start3A_439 = arith.constant 0 : i32
          %dma_start3A_440 = tpu.memref_slice %arg2[%dma_start3A_438, %dma_start3A_439] : memref<10000x16xf32, #tpu.memory_space<hbm>> -> memref<10000x16xf32, #tpu.memory_space<hbm>>
          tpu.enqueue_indirect_dma source(%dma_start3A_440 : memref<10000x16xf32, #tpu.memory_space<hbm>>) target(%dma_start3A_434 : memref<128x16xf32, #tpu.memory_space<vmem>>) offsets(%dma_start3A_437 : memref<128xi32, #tpu.memory_space<vmem>>) semaphore(%arg13 : memref<!tpu.dma_semaphore, #tpu.memory_space<semaphore_mem>>)
        } else {
        }
        %mul3A_200 = arith.constant 8 : i32
        %mul3A_201 = arith.muli %scan3A_126, %mul3A_200 : i32
        %add3A_202 = arith.constant 2 : i32
        %add3A_203 = arith.addi %mul3A_201, %add3A_202 : i32
        %dma_wait3A_204 = arith.constant 2 : i32
        %dma_wait3A_205 = arith.constant 0 : i32
        %dma_wait3A_206 = arith.constant 0 : i32
        %dma_wait3A_207 = tpu.memref_slice %arg11[%dma_wait3A_204, %dma_wait3A_205, %dma_wait3A_206] : memref<8x128x16xf32, #tpu.memory_space<vmem>> -> memref<1x128x16xf32, #tpu.memory_space<vmem>>
        %dma_wait3A_208 = tpu.memref_squeeze %dma_wait3A_207 : memref<1x128x16xf32, #tpu.memory_space<vmem>> -> memref<128x16xf32, #tpu.memory_space<vmem>>
        %dma_wait3A_209 = arith.constant 0 : i32
        %dma_wait3A_210 = tpu.memref_slice %arg10[%add3A_203, %dma_wait3A_209] : memref<48x128xi32, #tpu.memory_space<vmem>> -> memref<1x128xi32, #tpu.memory_space<vmem>>
        %dma_wait3A_211 = tpu.memref_squeeze %dma_wait3A_210 : memref<1x128xi32, #tpu.memory_space<vmem>> -> memref<128xi32, #tpu.memory_space<vmem>>
        %dma_wait3A_212 = arith.constant 0 : i32
        %dma_wait3A_213 = arith.constant 0 : i32
        %dma_wait3A_214 = tpu.memref_slice %arg2[%dma_wait3A_212, %dma_wait3A_213] : memref<10000x16xf32, #tpu.memory_space<hbm>> -> memref<10000x16xf32, #tpu.memory_space<hbm>>
        tpu.wait_indirect_dma semaphore(%arg13 : memref<!tpu.dma_semaphore, #tpu.memory_space<semaphore_mem>>) src(%dma_wait3A_214 : memref<10000x16xf32, #tpu.memory_space<hbm>>) dst(%dma_wait3A_208 : memref<128x16xf32, #tpu.memory_space<vmem>>)
        %dma_start3A_215 = arith.constant 2 : i32
        %dma_start3A_216 = arith.constant 0 : i32
        %dma_start3A_217 = arith.constant 0 : i32
        %dma_start3A_218 = tpu.memref_slice %arg11[%dma_start3A_215, %dma_start3A_216, %dma_start3A_217] : memref<8x128x16xf32, #tpu.memory_space<vmem>> -> memref<1x128x16xf32, #tpu.memory_space<vmem>>
        %dma_start3A_219 = tpu.memref_squeeze %dma_start3A_218 : memref<1x128x16xf32, #tpu.memory_space<vmem>> -> memref<128x16xf32, #tpu.memory_space<vmem>>
        %dma_start3A_220 = arith.constant 0 : i32
        %dma_start3A_221 = tpu.memref_slice %arg9[%add3A_203, %dma_start3A_220] : memref<48x128xi32, #tpu.memory_space<vmem>> -> memref<1x128xi32, #tpu.memory_space<vmem>>
        %dma_start3A_222 = tpu.memref_squeeze %dma_start3A_221 : memref<1x128xi32, #tpu.memory_space<vmem>> -> memref<128xi32, #tpu.memory_space<vmem>>
        %dma_start3A_223 = arith.constant 0 : i32
        %dma_start3A_224 = arith.constant 0 : i32
        %dma_start3A_225 = tpu.memref_slice %arg12[%dma_start3A_223, %dma_start3A_224] : memref<10016x16xf32, #tpu.memory_space<vmem_shared>> -> memref<10016x16xf32, #tpu.memory_space<vmem_shared>>
        tpu.enqueue_indirect_dma source(%dma_start3A_219 : memref<128x16xf32, #tpu.memory_space<vmem>>) target(%dma_start3A_225 : memref<10016x16xf32, #tpu.memory_space<vmem_shared>>) offsets(%dma_start3A_222 : memref<128xi32, #tpu.memory_space<vmem>>) semaphore(%arg14 : memref<!tpu.dma_semaphore, #tpu.memory_space<semaphore_mem>>) {add = true}
        %ge3A_226 = arith.constant 4 : i32
        %ge3A_227 = arith.cmpi sge, %add3A_203, %ge3A_226 : i32
        %convert_element_type3A_228 = arith.extui %ge3A_227 : i1 to i32
        %cond3A_229 = arith.constant 0 : i32
        %cond3A_230 = arith.cmpi ne, %convert_element_type3A_228, %cond3A_229 : i32
        scf.if %cond3A_230 {
          %sub3A = arith.constant 4 : i32
          %sub3A_428 = arith.subi %add3A_203, %sub3A : i32
          %dma_wait3A_429 = arith.constant 6 : i32
          %dma_wait3A_430 = arith.constant 0 : i32
          %dma_wait3A_431 = arith.constant 0 : i32
          %dma_wait3A_432 = tpu.memref_slice %arg11[%dma_wait3A_429, %dma_wait3A_430, %dma_wait3A_431] : memref<8x128x16xf32, #tpu.memory_space<vmem>> -> memref<1x128x16xf32, #tpu.memory_space<vmem>>
          %dma_wait3A_433 = tpu.memref_squeeze %dma_wait3A_432 : memref<1x128x16xf32, #tpu.memory_space<vmem>> -> memref<128x16xf32, #tpu.memory_space<vmem>>
          %dma_wait3A_434 = arith.constant 0 : i32
          %dma_wait3A_435 = tpu.memref_slice %arg9[%sub3A_428, %dma_wait3A_434] : memref<48x128xi32, #tpu.memory_space<vmem>> -> memref<1x128xi32, #tpu.memory_space<vmem>>
          %dma_wait3A_436 = tpu.memref_squeeze %dma_wait3A_435 : memref<1x128xi32, #tpu.memory_space<vmem>> -> memref<128xi32, #tpu.memory_space<vmem>>
          %dma_wait3A_437 = arith.constant 0 : i32
          %dma_wait3A_438 = arith.constant 0 : i32
          %dma_wait3A_439 = tpu.memref_slice %arg12[%dma_wait3A_437, %dma_wait3A_438] : memref<10016x16xf32, #tpu.memory_space<vmem_shared>> -> memref<10016x16xf32, #tpu.memory_space<vmem_shared>>
          tpu.wait_indirect_dma semaphore(%arg14 : memref<!tpu.dma_semaphore, #tpu.memory_space<semaphore_mem>>) src(%dma_wait3A_433 : memref<128x16xf32, #tpu.memory_space<vmem>>) dst(%dma_wait3A_439 : memref<10016x16xf32, #tpu.memory_space<vmem_shared>>)
        } else {
        }
        %add3A_231 = arith.constant 4 : i32
        %add3A_232 = arith.addi %add3A_203, %add3A_231 : i32
        %lt3A_233 = arith.constant 32 : i32
        %lt3A_234 = arith.cmpi slt, %add3A_232, %lt3A_233 : i32
        %convert_element_type3A_235 = arith.extui %lt3A_234 : i1 to i32
        %cond3A_236 = arith.constant 0 : i32
        %cond3A_237 = arith.cmpi ne, %convert_element_type3A_235, %cond3A_236 : i32
        scf.if %cond3A_237 {
          %add3A_428 = arith.constant 4 : i32
          %add3A_429 = arith.addi %add3A_203, %add3A_428 : i32
          %dma_start3A_430 = arith.constant 6 : i32
          %dma_start3A_431 = arith.constant 0 : i32
          %dma_start3A_432 = arith.constant 0 : i32
          %dma_start3A_433 = tpu.memref_slice %arg11[%dma_start3A_430, %dma_start3A_431, %dma_start3A_432] : memref<8x128x16xf32, #tpu.memory_space<vmem>> -> memref<1x128x16xf32, #tpu.memory_space<vmem>>
          %dma_start3A_434 = tpu.memref_squeeze %dma_start3A_433 : memref<1x128x16xf32, #tpu.memory_space<vmem>> -> memref<128x16xf32, #tpu.memory_space<vmem>>
          %dma_start3A_435 = arith.constant 0 : i32
          %dma_start3A_436 = tpu.memref_slice %arg10[%add3A_429, %dma_start3A_435] : memref<48x128xi32, #tpu.memory_space<vmem>> -> memref<1x128xi32, #tpu.memory_space<vmem>>
          %dma_start3A_437 = tpu.memref_squeeze %dma_start3A_436 : memref<1x128xi32, #tpu.memory_space<vmem>> -> memref<128xi32, #tpu.memory_space<vmem>>
          %dma_start3A_438 = arith.constant 0 : i32
          %dma_start3A_439 = arith.constant 0 : i32
          %dma_start3A_440 = tpu.memref_slice %arg2[%dma_start3A_438, %dma_start3A_439] : memref<10000x16xf32, #tpu.memory_space<hbm>> -> memref<10000x16xf32, #tpu.memory_space<hbm>>
          tpu.enqueue_indirect_dma source(%dma_start3A_440 : memref<10000x16xf32, #tpu.memory_space<hbm>>) target(%dma_start3A_434 : memref<128x16xf32, #tpu.memory_space<vmem>>) offsets(%dma_start3A_437 : memref<128xi32, #tpu.memory_space<vmem>>) semaphore(%arg13 : memref<!tpu.dma_semaphore, #tpu.memory_space<semaphore_mem>>)
        } else {
        }
        %mul3A_238 = arith.constant 8 : i32
        %mul3A_239 = arith.muli %scan3A_126, %mul3A_238 : i32
        %add3A_240 = arith.constant 3 : i32
        %add3A_241 = arith.addi %mul3A_239, %add3A_240 : i32
        %dma_wait3A_242 = arith.constant 3 : i32
        %dma_wait3A_243 = arith.constant 0 : i32
        %dma_wait3A_244 = arith.constant 0 : i32
        %dma_wait3A_245 = tpu.memref_slice %arg11[%dma_wait3A_242, %dma_wait3A_243, %dma_wait3A_244] : memref<8x128x16xf32, #tpu.memory_space<vmem>> -> memref<1x128x16xf32, #tpu.memory_space<vmem>>
        %dma_wait3A_246 = tpu.memref_squeeze %dma_wait3A_245 : memref<1x128x16xf32, #tpu.memory_space<vmem>> -> memref<128x16xf32, #tpu.memory_space<vmem>>
        %dma_wait3A_247 = arith.constant 0 : i32
        %dma_wait3A_248 = tpu.memref_slice %arg10[%add3A_241, %dma_wait3A_247] : memref<48x128xi32, #tpu.memory_space<vmem>> -> memref<1x128xi32, #tpu.memory_space<vmem>>
        %dma_wait3A_249 = tpu.memref_squeeze %dma_wait3A_248 : memref<1x128xi32, #tpu.memory_space<vmem>> -> memref<128xi32, #tpu.memory_space<vmem>>
        %dma_wait3A_250 = arith.constant 0 : i32
        %dma_wait3A_251 = arith.constant 0 : i32
        %dma_wait3A_252 = tpu.memref_slice %arg2[%dma_wait3A_250, %dma_wait3A_251] : memref<10000x16xf32, #tpu.memory_space<hbm>> -> memref<10000x16xf32, #tpu.memory_space<hbm>>
        tpu.wait_indirect_dma semaphore(%arg13 : memref<!tpu.dma_semaphore, #tpu.memory_space<semaphore_mem>>) src(%dma_wait3A_252 : memref<10000x16xf32, #tpu.memory_space<hbm>>) dst(%dma_wait3A_246 : memref<128x16xf32, #tpu.memory_space<vmem>>)
        %dma_start3A_253 = arith.constant 3 : i32
        %dma_start3A_254 = arith.constant 0 : i32
        %dma_start3A_255 = arith.constant 0 : i32
        %dma_start3A_256 = tpu.memref_slice %arg11[%dma_start3A_253, %dma_start3A_254, %dma_start3A_255] : memref<8x128x16xf32, #tpu.memory_space<vmem>> -> memref<1x128x16xf32, #tpu.memory_space<vmem>>
        %dma_start3A_257 = tpu.memref_squeeze %dma_start3A_256 : memref<1x128x16xf32, #tpu.memory_space<vmem>> -> memref<128x16xf32, #tpu.memory_space<vmem>>
        %dma_start3A_258 = arith.constant 0 : i32
        %dma_start3A_259 = tpu.memref_slice %arg9[%add3A_241, %dma_start3A_258] : memref<48x128xi32, #tpu.memory_space<vmem>> -> memref<1x128xi32, #tpu.memory_space<vmem>>
        %dma_start3A_260 = tpu.memref_squeeze %dma_start3A_259 : memref<1x128xi32, #tpu.memory_space<vmem>> -> memref<128xi32, #tpu.memory_space<vmem>>
        %dma_start3A_261 = arith.constant 0 : i32
        %dma_start3A_262 = arith.constant 0 : i32
        %dma_start3A_263 = tpu.memref_slice %arg12[%dma_start3A_261, %dma_start3A_262] : memref<10016x16xf32, #tpu.memory_space<vmem_shared>> -> memref<10016x16xf32, #tpu.memory_space<vmem_shared>>
        tpu.enqueue_indirect_dma source(%dma_start3A_257 : memref<128x16xf32, #tpu.memory_space<vmem>>) target(%dma_start3A_263 : memref<10016x16xf32, #tpu.memory_space<vmem_shared>>) offsets(%dma_start3A_260 : memref<128xi32, #tpu.memory_space<vmem>>) semaphore(%arg14 : memref<!tpu.dma_semaphore, #tpu.memory_space<semaphore_mem>>) {add = true}
        %ge3A_264 = arith.constant 4 : i32
        %ge3A_265 = arith.cmpi sge, %add3A_241, %ge3A_264 : i32
        %convert_element_type3A_266 = arith.extui %ge3A_265 : i1 to i32
        %cond3A_267 = arith.constant 0 : i32
        %cond3A_268 = arith.cmpi ne, %convert_element_type3A_266, %cond3A_267 : i32
        scf.if %cond3A_268 {
          %sub3A = arith.constant 4 : i32
          %sub3A_428 = arith.subi %add3A_241, %sub3A : i32
          %dma_wait3A_429 = arith.constant 7 : i32
          %dma_wait3A_430 = arith.constant 0 : i32
          %dma_wait3A_431 = arith.constant 0 : i32
          %dma_wait3A_432 = tpu.memref_slice %arg11[%dma_wait3A_429, %dma_wait3A_430, %dma_wait3A_431] : memref<8x128x16xf32, #tpu.memory_space<vmem>> -> memref<1x128x16xf32, #tpu.memory_space<vmem>>
          %dma_wait3A_433 = tpu.memref_squeeze %dma_wait3A_432 : memref<1x128x16xf32, #tpu.memory_space<vmem>> -> memref<128x16xf32, #tpu.memory_space<vmem>>
          %dma_wait3A_434 = arith.constant 0 : i32
          %dma_wait3A_435 = tpu.memref_slice %arg9[%sub3A_428, %dma_wait3A_434] : memref<48x128xi32, #tpu.memory_space<vmem>> -> memref<1x128xi32, #tpu.memory_space<vmem>>
          %dma_wait3A_436 = tpu.memref_squeeze %dma_wait3A_435 : memref<1x128xi32, #tpu.memory_space<vmem>> -> memref<128xi32, #tpu.memory_space<vmem>>
          %dma_wait3A_437 = arith.constant 0 : i32
          %dma_wait3A_438 = arith.constant 0 : i32
          %dma_wait3A_439 = tpu.memref_slice %arg12[%dma_wait3A_437, %dma_wait3A_438] : memref<10016x16xf32, #tpu.memory_space<vmem_shared>> -> memref<10016x16xf32, #tpu.memory_space<vmem_shared>>
          tpu.wait_indirect_dma semaphore(%arg14 : memref<!tpu.dma_semaphore, #tpu.memory_space<semaphore_mem>>) src(%dma_wait3A_433 : memref<128x16xf32, #tpu.memory_space<vmem>>) dst(%dma_wait3A_439 : memref<10016x16xf32, #tpu.memory_space<vmem_shared>>)
        } else {
        }
        %add3A_269 = arith.constant 4 : i32
        %add3A_270 = arith.addi %add3A_241, %add3A_269 : i32
        %lt3A_271 = arith.constant 32 : i32
        %lt3A_272 = arith.cmpi slt, %add3A_270, %lt3A_271 : i32
        %convert_element_type3A_273 = arith.extui %lt3A_272 : i1 to i32
        %cond3A_274 = arith.constant 0 : i32
        %cond3A_275 = arith.cmpi ne, %convert_element_type3A_273, %cond3A_274 : i32
        scf.if %cond3A_275 {
          %add3A_428 = arith.constant 4 : i32
          %add3A_429 = arith.addi %add3A_241, %add3A_428 : i32
          %dma_start3A_430 = arith.constant 7 : i32
          %dma_start3A_431 = arith.constant 0 : i32
          %dma_start3A_432 = arith.constant 0 : i32
          %dma_start3A_433 = tpu.memref_slice %arg11[%dma_start3A_430, %dma_start3A_431, %dma_start3A_432] : memref<8x128x16xf32, #tpu.memory_space<vmem>> -> memref<1x128x16xf32, #tpu.memory_space<vmem>>
          %dma_start3A_434 = tpu.memref_squeeze %dma_start3A_433 : memref<1x128x16xf32, #tpu.memory_space<vmem>> -> memref<128x16xf32, #tpu.memory_space<vmem>>
          %dma_start3A_435 = arith.constant 0 : i32
          %dma_start3A_436 = tpu.memref_slice %arg10[%add3A_429, %dma_start3A_435] : memref<48x128xi32, #tpu.memory_space<vmem>> -> memref<1x128xi32, #tpu.memory_space<vmem>>
          %dma_start3A_437 = tpu.memref_squeeze %dma_start3A_436 : memref<1x128xi32, #tpu.memory_space<vmem>> -> memref<128xi32, #tpu.memory_space<vmem>>
          %dma_start3A_438 = arith.constant 0 : i32
          %dma_start3A_439 = arith.constant 0 : i32
          %dma_start3A_440 = tpu.memref_slice %arg2[%dma_start3A_438, %dma_start3A_439] : memref<10000x16xf32, #tpu.memory_space<hbm>> -> memref<10000x16xf32, #tpu.memory_space<hbm>>
          tpu.enqueue_indirect_dma source(%dma_start3A_440 : memref<10000x16xf32, #tpu.memory_space<hbm>>) target(%dma_start3A_434 : memref<128x16xf32, #tpu.memory_space<vmem>>) offsets(%dma_start3A_437 : memref<128xi32, #tpu.memory_space<vmem>>) semaphore(%arg13 : memref<!tpu.dma_semaphore, #tpu.memory_space<semaphore_mem>>)
        } else {
        }
        %mul3A_276 = arith.constant 8 : i32
        %mul3A_277 = arith.muli %scan3A_126, %mul3A_276 : i32
        %add3A_278 = arith.constant 4 : i32
        %add3A_279 = arith.addi %mul3A_277, %add3A_278 : i32
        %dma_wait3A_280 = arith.constant 4 : i32
        %dma_wait3A_281 = arith.constant 0 : i32
        %dma_wait3A_282 = arith.constant 0 : i32
        %dma_wait3A_283 = tpu.memref_slice %arg11[%dma_wait3A_280, %dma_wait3A_281, %dma_wait3A_282] : memref<8x128x16xf32, #tpu.memory_space<vmem>> -> memref<1x128x16xf32, #tpu.memory_space<vmem>>
        %dma_wait3A_284 = tpu.memref_squeeze %dma_wait3A_283 : memref<1x128x16xf32, #tpu.memory_space<vmem>> -> memref<128x16xf32, #tpu.memory_space<vmem>>
        %dma_wait3A_285 = arith.constant 0 : i32
        %dma_wait3A_286 = tpu.memref_slice %arg10[%add3A_279, %dma_wait3A_285] : memref<48x128xi32, #tpu.memory_space<vmem>> -> memref<1x128xi32, #tpu.memory_space<vmem>>
        %dma_wait3A_287 = tpu.memref_squeeze %dma_wait3A_286 : memref<1x128xi32, #tpu.memory_space<vmem>> -> memref<128xi32, #tpu.memory_space<vmem>>
        %dma_wait3A_288 = arith.constant 0 : i32
        %dma_wait3A_289 = arith.constant 0 : i32
        %dma_wait3A_290 = tpu.memref_slice %arg2[%dma_wait3A_288, %dma_wait3A_289] : memref<10000x16xf32, #tpu.memory_space<hbm>> -> memref<10000x16xf32, #tpu.memory_space<hbm>>
        tpu.wait_indirect_dma semaphore(%arg13 : memref<!tpu.dma_semaphore, #tpu.memory_space<semaphore_mem>>) src(%dma_wait3A_290 : memref<10000x16xf32, #tpu.memory_space<hbm>>) dst(%dma_wait3A_284 : memref<128x16xf32, #tpu.memory_space<vmem>>)
        %dma_start3A_291 = arith.constant 4 : i32
        %dma_start3A_292 = arith.constant 0 : i32
        %dma_start3A_293 = arith.constant 0 : i32
        %dma_start3A_294 = tpu.memref_slice %arg11[%dma_start3A_291, %dma_start3A_292, %dma_start3A_293] : memref<8x128x16xf32, #tpu.memory_space<vmem>> -> memref<1x128x16xf32, #tpu.memory_space<vmem>>
        %dma_start3A_295 = tpu.memref_squeeze %dma_start3A_294 : memref<1x128x16xf32, #tpu.memory_space<vmem>> -> memref<128x16xf32, #tpu.memory_space<vmem>>
        %dma_start3A_296 = arith.constant 0 : i32
        %dma_start3A_297 = tpu.memref_slice %arg9[%add3A_279, %dma_start3A_296] : memref<48x128xi32, #tpu.memory_space<vmem>> -> memref<1x128xi32, #tpu.memory_space<vmem>>
        %dma_start3A_298 = tpu.memref_squeeze %dma_start3A_297 : memref<1x128xi32, #tpu.memory_space<vmem>> -> memref<128xi32, #tpu.memory_space<vmem>>
        %dma_start3A_299 = arith.constant 0 : i32
        %dma_start3A_300 = arith.constant 0 : i32
        %dma_start3A_301 = tpu.memref_slice %arg12[%dma_start3A_299, %dma_start3A_300] : memref<10016x16xf32, #tpu.memory_space<vmem_shared>> -> memref<10016x16xf32, #tpu.memory_space<vmem_shared>>
        tpu.enqueue_indirect_dma source(%dma_start3A_295 : memref<128x16xf32, #tpu.memory_space<vmem>>) target(%dma_start3A_301 : memref<10016x16xf32, #tpu.memory_space<vmem_shared>>) offsets(%dma_start3A_298 : memref<128xi32, #tpu.memory_space<vmem>>) semaphore(%arg14 : memref<!tpu.dma_semaphore, #tpu.memory_space<semaphore_mem>>) {add = true}
        %ge3A_302 = arith.constant 4 : i32
        %ge3A_303 = arith.cmpi sge, %add3A_279, %ge3A_302 : i32
        %convert_element_type3A_304 = arith.extui %ge3A_303 : i1 to i32
        %cond3A_305 = arith.constant 0 : i32
        %cond3A_306 = arith.cmpi ne, %convert_element_type3A_304, %cond3A_305 : i32
        scf.if %cond3A_306 {
          %sub3A = arith.constant 4 : i32
          %sub3A_428 = arith.subi %add3A_279, %sub3A : i32
          %dma_wait3A_429 = arith.constant 0 : i32
          %dma_wait3A_430 = arith.constant 0 : i32
          %dma_wait3A_431 = arith.constant 0 : i32
          %dma_wait3A_432 = tpu.memref_slice %arg11[%dma_wait3A_429, %dma_wait3A_430, %dma_wait3A_431] : memref<8x128x16xf32, #tpu.memory_space<vmem>> -> memref<1x128x16xf32, #tpu.memory_space<vmem>>
          %dma_wait3A_433 = tpu.memref_squeeze %dma_wait3A_432 : memref<1x128x16xf32, #tpu.memory_space<vmem>> -> memref<128x16xf32, #tpu.memory_space<vmem>>
          %dma_wait3A_434 = arith.constant 0 : i32
          %dma_wait3A_435 = tpu.memref_slice %arg9[%sub3A_428, %dma_wait3A_434] : memref<48x128xi32, #tpu.memory_space<vmem>> -> memref<1x128xi32, #tpu.memory_space<vmem>>
          %dma_wait3A_436 = tpu.memref_squeeze %dma_wait3A_435 : memref<1x128xi32, #tpu.memory_space<vmem>> -> memref<128xi32, #tpu.memory_space<vmem>>
          %dma_wait3A_437 = arith.constant 0 : i32
          %dma_wait3A_438 = arith.constant 0 : i32
          %dma_wait3A_439 = tpu.memref_slice %arg12[%dma_wait3A_437, %dma_wait3A_438] : memref<10016x16xf32, #tpu.memory_space<vmem_shared>> -> memref<10016x16xf32, #tpu.memory_space<vmem_shared>>
          tpu.wait_indirect_dma semaphore(%arg14 : memref<!tpu.dma_semaphore, #tpu.memory_space<semaphore_mem>>) src(%dma_wait3A_433 : memref<128x16xf32, #tpu.memory_space<vmem>>) dst(%dma_wait3A_439 : memref<10016x16xf32, #tpu.memory_space<vmem_shared>>)
        } else {
        }
        %add3A_307 = arith.constant 4 : i32
        %add3A_308 = arith.addi %add3A_279, %add3A_307 : i32
        %lt3A_309 = arith.constant 32 : i32
        %lt3A_310 = arith.cmpi slt, %add3A_308, %lt3A_309 : i32
        %convert_element_type3A_311 = arith.extui %lt3A_310 : i1 to i32
        %cond3A_312 = arith.constant 0 : i32
        %cond3A_313 = arith.cmpi ne, %convert_element_type3A_311, %cond3A_312 : i32
        scf.if %cond3A_313 {
          %add3A_428 = arith.constant 4 : i32
          %add3A_429 = arith.addi %add3A_279, %add3A_428 : i32
          %dma_start3A_430 = arith.constant 0 : i32
          %dma_start3A_431 = arith.constant 0 : i32
          %dma_start3A_432 = arith.constant 0 : i32
          %dma_start3A_433 = tpu.memref_slice %arg11[%dma_start3A_430, %dma_start3A_431, %dma_start3A_432] : memref<8x128x16xf32, #tpu.memory_space<vmem>> -> memref<1x128x16xf32, #tpu.memory_space<vmem>>
          %dma_start3A_434 = tpu.memref_squeeze %dma_start3A_433 : memref<1x128x16xf32, #tpu.memory_space<vmem>> -> memref<128x16xf32, #tpu.memory_space<vmem>>
          %dma_start3A_435 = arith.constant 0 : i32
          %dma_start3A_436 = tpu.memref_slice %arg10[%add3A_429, %dma_start3A_435] : memref<48x128xi32, #tpu.memory_space<vmem>> -> memref<1x128xi32, #tpu.memory_space<vmem>>
          %dma_start3A_437 = tpu.memref_squeeze %dma_start3A_436 : memref<1x128xi32, #tpu.memory_space<vmem>> -> memref<128xi32, #tpu.memory_space<vmem>>
          %dma_start3A_438 = arith.constant 0 : i32
          %dma_start3A_439 = arith.constant 0 : i32
          %dma_start3A_440 = tpu.memref_slice %arg2[%dma_start3A_438, %dma_start3A_439] : memref<10000x16xf32, #tpu.memory_space<hbm>> -> memref<10000x16xf32, #tpu.memory_space<hbm>>
          tpu.enqueue_indirect_dma source(%dma_start3A_440 : memref<10000x16xf32, #tpu.memory_space<hbm>>) target(%dma_start3A_434 : memref<128x16xf32, #tpu.memory_space<vmem>>) offsets(%dma_start3A_437 : memref<128xi32, #tpu.memory_space<vmem>>) semaphore(%arg13 : memref<!tpu.dma_semaphore, #tpu.memory_space<semaphore_mem>>)
        } else {
        }
        %mul3A_314 = arith.constant 8 : i32
        %mul3A_315 = arith.muli %scan3A_126, %mul3A_314 : i32
        %add3A_316 = arith.constant 5 : i32
        %add3A_317 = arith.addi %mul3A_315, %add3A_316 : i32
        %dma_wait3A_318 = arith.constant 5 : i32
        %dma_wait3A_319 = arith.constant 0 : i32
        %dma_wait3A_320 = arith.constant 0 : i32
        %dma_wait3A_321 = tpu.memref_slice %arg11[%dma_wait3A_318, %dma_wait3A_319, %dma_wait3A_320] : memref<8x128x16xf32, #tpu.memory_space<vmem>> -> memref<1x128x16xf32, #tpu.memory_space<vmem>>
        %dma_wait3A_322 = tpu.memref_squeeze %dma_wait3A_321 : memref<1x128x16xf32, #tpu.memory_space<vmem>> -> memref<128x16xf32, #tpu.memory_space<vmem>>
        %dma_wait3A_323 = arith.constant 0 : i32
        %dma_wait3A_324 = tpu.memref_slice %arg10[%add3A_317, %dma_wait3A_323] : memref<48x128xi32, #tpu.memory_space<vmem>> -> memref<1x128xi32, #tpu.memory_space<vmem>>
        %dma_wait3A_325 = tpu.memref_squeeze %dma_wait3A_324 : memref<1x128xi32, #tpu.memory_space<vmem>> -> memref<128xi32, #tpu.memory_space<vmem>>
        %dma_wait3A_326 = arith.constant 0 : i32
        %dma_wait3A_327 = arith.constant 0 : i32
        %dma_wait3A_328 = tpu.memref_slice %arg2[%dma_wait3A_326, %dma_wait3A_327] : memref<10000x16xf32, #tpu.memory_space<hbm>> -> memref<10000x16xf32, #tpu.memory_space<hbm>>
        tpu.wait_indirect_dma semaphore(%arg13 : memref<!tpu.dma_semaphore, #tpu.memory_space<semaphore_mem>>) src(%dma_wait3A_328 : memref<10000x16xf32, #tpu.memory_space<hbm>>) dst(%dma_wait3A_322 : memref<128x16xf32, #tpu.memory_space<vmem>>)
        %dma_start3A_329 = arith.constant 5 : i32
        %dma_start3A_330 = arith.constant 0 : i32
        %dma_start3A_331 = arith.constant 0 : i32
        %dma_start3A_332 = tpu.memref_slice %arg11[%dma_start3A_329, %dma_start3A_330, %dma_start3A_331] : memref<8x128x16xf32, #tpu.memory_space<vmem>> -> memref<1x128x16xf32, #tpu.memory_space<vmem>>
        %dma_start3A_333 = tpu.memref_squeeze %dma_start3A_332 : memref<1x128x16xf32, #tpu.memory_space<vmem>> -> memref<128x16xf32, #tpu.memory_space<vmem>>
        %dma_start3A_334 = arith.constant 0 : i32
        %dma_start3A_335 = tpu.memref_slice %arg9[%add3A_317, %dma_start3A_334] : memref<48x128xi32, #tpu.memory_space<vmem>> -> memref<1x128xi32, #tpu.memory_space<vmem>>
        %dma_start3A_336 = tpu.memref_squeeze %dma_start3A_335 : memref<1x128xi32, #tpu.memory_space<vmem>> -> memref<128xi32, #tpu.memory_space<vmem>>
        %dma_start3A_337 = arith.constant 0 : i32
        %dma_start3A_338 = arith.constant 0 : i32
        %dma_start3A_339 = tpu.memref_slice %arg12[%dma_start3A_337, %dma_start3A_338] : memref<10016x16xf32, #tpu.memory_space<vmem_shared>> -> memref<10016x16xf32, #tpu.memory_space<vmem_shared>>
        tpu.enqueue_indirect_dma source(%dma_start3A_333 : memref<128x16xf32, #tpu.memory_space<vmem>>) target(%dma_start3A_339 : memref<10016x16xf32, #tpu.memory_space<vmem_shared>>) offsets(%dma_start3A_336 : memref<128xi32, #tpu.memory_space<vmem>>) semaphore(%arg14 : memref<!tpu.dma_semaphore, #tpu.memory_space<semaphore_mem>>) {add = true}
        %ge3A_340 = arith.constant 4 : i32
        %ge3A_341 = arith.cmpi sge, %add3A_317, %ge3A_340 : i32
        %convert_element_type3A_342 = arith.extui %ge3A_341 : i1 to i32
        %cond3A_343 = arith.constant 0 : i32
        %cond3A_344 = arith.cmpi ne, %convert_element_type3A_342, %cond3A_343 : i32
        scf.if %cond3A_344 {
          %sub3A = arith.constant 4 : i32
          %sub3A_428 = arith.subi %add3A_317, %sub3A : i32
          %dma_wait3A_429 = arith.constant 1 : i32
          %dma_wait3A_430 = arith.constant 0 : i32
          %dma_wait3A_431 = arith.constant 0 : i32
          %dma_wait3A_432 = tpu.memref_slice %arg11[%dma_wait3A_429, %dma_wait3A_430, %dma_wait3A_431] : memref<8x128x16xf32, #tpu.memory_space<vmem>> -> memref<1x128x16xf32, #tpu.memory_space<vmem>>
          %dma_wait3A_433 = tpu.memref_squeeze %dma_wait3A_432 : memref<1x128x16xf32, #tpu.memory_space<vmem>> -> memref<128x16xf32, #tpu.memory_space<vmem>>
          %dma_wait3A_434 = arith.constant 0 : i32
          %dma_wait3A_435 = tpu.memref_slice %arg9[%sub3A_428, %dma_wait3A_434] : memref<48x128xi32, #tpu.memory_space<vmem>> -> memref<1x128xi32, #tpu.memory_space<vmem>>
          %dma_wait3A_436 = tpu.memref_squeeze %dma_wait3A_435 : memref<1x128xi32, #tpu.memory_space<vmem>> -> memref<128xi32, #tpu.memory_space<vmem>>
          %dma_wait3A_437 = arith.constant 0 : i32
          %dma_wait3A_438 = arith.constant 0 : i32
          %dma_wait3A_439 = tpu.memref_slice %arg12[%dma_wait3A_437, %dma_wait3A_438] : memref<10016x16xf32, #tpu.memory_space<vmem_shared>> -> memref<10016x16xf32, #tpu.memory_space<vmem_shared>>
          tpu.wait_indirect_dma semaphore(%arg14 : memref<!tpu.dma_semaphore, #tpu.memory_space<semaphore_mem>>) src(%dma_wait3A_433 : memref<128x16xf32, #tpu.memory_space<vmem>>) dst(%dma_wait3A_439 : memref<10016x16xf32, #tpu.memory_space<vmem_shared>>)
        } else {
        }
        %add3A_345 = arith.constant 4 : i32
        %add3A_346 = arith.addi %add3A_317, %add3A_345 : i32
        %lt3A_347 = arith.constant 32 : i32
        %lt3A_348 = arith.cmpi slt, %add3A_346, %lt3A_347 : i32
        %convert_element_type3A_349 = arith.extui %lt3A_348 : i1 to i32
        %cond3A_350 = arith.constant 0 : i32
        %cond3A_351 = arith.cmpi ne, %convert_element_type3A_349, %cond3A_350 : i32
        scf.if %cond3A_351 {
          %add3A_428 = arith.constant 4 : i32
          %add3A_429 = arith.addi %add3A_317, %add3A_428 : i32
          %dma_start3A_430 = arith.constant 1 : i32
          %dma_start3A_431 = arith.constant 0 : i32
          %dma_start3A_432 = arith.constant 0 : i32
          %dma_start3A_433 = tpu.memref_slice %arg11[%dma_start3A_430, %dma_start3A_431, %dma_start3A_432] : memref<8x128x16xf32, #tpu.memory_space<vmem>> -> memref<1x128x16xf32, #tpu.memory_space<vmem>>
          %dma_start3A_434 = tpu.memref_squeeze %dma_start3A_433 : memref<1x128x16xf32, #tpu.memory_space<vmem>> -> memref<128x16xf32, #tpu.memory_space<vmem>>
          %dma_start3A_435 = arith.constant 0 : i32
          %dma_start3A_436 = tpu.memref_slice %arg10[%add3A_429, %dma_start3A_435] : memref<48x128xi32, #tpu.memory_space<vmem>> -> memref<1x128xi32, #tpu.memory_space<vmem>>
          %dma_start3A_437 = tpu.memref_squeeze %dma_start3A_436 : memref<1x128xi32, #tpu.memory_space<vmem>> -> memref<128xi32, #tpu.memory_space<vmem>>
          %dma_start3A_438 = arith.constant 0 : i32
          %dma_start3A_439 = arith.constant 0 : i32
          %dma_start3A_440 = tpu.memref_slice %arg2[%dma_start3A_438, %dma_start3A_439] : memref<10000x16xf32, #tpu.memory_space<hbm>> -> memref<10000x16xf32, #tpu.memory_space<hbm>>
          tpu.enqueue_indirect_dma source(%dma_start3A_440 : memref<10000x16xf32, #tpu.memory_space<hbm>>) target(%dma_start3A_434 : memref<128x16xf32, #tpu.memory_space<vmem>>) offsets(%dma_start3A_437 : memref<128xi32, #tpu.memory_space<vmem>>) semaphore(%arg13 : memref<!tpu.dma_semaphore, #tpu.memory_space<semaphore_mem>>)
        } else {
        }
        %mul3A_352 = arith.constant 8 : i32
        %mul3A_353 = arith.muli %scan3A_126, %mul3A_352 : i32
        %add3A_354 = arith.constant 6 : i32
        %add3A_355 = arith.addi %mul3A_353, %add3A_354 : i32
        %dma_wait3A_356 = arith.constant 6 : i32
        %dma_wait3A_357 = arith.constant 0 : i32
        %dma_wait3A_358 = arith.constant 0 : i32
        %dma_wait3A_359 = tpu.memref_slice %arg11[%dma_wait3A_356, %dma_wait3A_357, %dma_wait3A_358] : memref<8x128x16xf32, #tpu.memory_space<vmem>> -> memref<1x128x16xf32, #tpu.memory_space<vmem>>
        %dma_wait3A_360 = tpu.memref_squeeze %dma_wait3A_359 : memref<1x128x16xf32, #tpu.memory_space<vmem>> -> memref<128x16xf32, #tpu.memory_space<vmem>>
        %dma_wait3A_361 = arith.constant 0 : i32
        %dma_wait3A_362 = tpu.memref_slice %arg10[%add3A_355, %dma_wait3A_361] : memref<48x128xi32, #tpu.memory_space<vmem>> -> memref<1x128xi32, #tpu.memory_space<vmem>>
        %dma_wait3A_363 = tpu.memref_squeeze %dma_wait3A_362 : memref<1x128xi32, #tpu.memory_space<vmem>> -> memref<128xi32, #tpu.memory_space<vmem>>
        %dma_wait3A_364 = arith.constant 0 : i32
        %dma_wait3A_365 = arith.constant 0 : i32
        %dma_wait3A_366 = tpu.memref_slice %arg2[%dma_wait3A_364, %dma_wait3A_365] : memref<10000x16xf32, #tpu.memory_space<hbm>> -> memref<10000x16xf32, #tpu.memory_space<hbm>>
        tpu.wait_indirect_dma semaphore(%arg13 : memref<!tpu.dma_semaphore, #tpu.memory_space<semaphore_mem>>) src(%dma_wait3A_366 : memref<10000x16xf32, #tpu.memory_space<hbm>>) dst(%dma_wait3A_360 : memref<128x16xf32, #tpu.memory_space<vmem>>)
        %dma_start3A_367 = arith.constant 6 : i32
        %dma_start3A_368 = arith.constant 0 : i32
        %dma_start3A_369 = arith.constant 0 : i32
        %dma_start3A_370 = tpu.memref_slice %arg11[%dma_start3A_367, %dma_start3A_368, %dma_start3A_369] : memref<8x128x16xf32, #tpu.memory_space<vmem>> -> memref<1x128x16xf32, #tpu.memory_space<vmem>>
        %dma_start3A_371 = tpu.memref_squeeze %dma_start3A_370 : memref<1x128x16xf32, #tpu.memory_space<vmem>> -> memref<128x16xf32, #tpu.memory_space<vmem>>
        %dma_start3A_372 = arith.constant 0 : i32
        %dma_start3A_373 = tpu.memref_slice %arg9[%add3A_355, %dma_start3A_372] : memref<48x128xi32, #tpu.memory_space<vmem>> -> memref<1x128xi32, #tpu.memory_space<vmem>>
        %dma_start3A_374 = tpu.memref_squeeze %dma_start3A_373 : memref<1x128xi32, #tpu.memory_space<vmem>> -> memref<128xi32, #tpu.memory_space<vmem>>
        %dma_start3A_375 = arith.constant 0 : i32
        %dma_start3A_376 = arith.constant 0 : i32
        %dma_start3A_377 = tpu.memref_slice %arg12[%dma_start3A_375, %dma_start3A_376] : memref<10016x16xf32, #tpu.memory_space<vmem_shared>> -> memref<10016x16xf32, #tpu.memory_space<vmem_shared>>
        tpu.enqueue_indirect_dma source(%dma_start3A_371 : memref<128x16xf32, #tpu.memory_space<vmem>>) target(%dma_start3A_377 : memref<10016x16xf32, #tpu.memory_space<vmem_shared>>) offsets(%dma_start3A_374 : memref<128xi32, #tpu.memory_space<vmem>>) semaphore(%arg14 : memref<!tpu.dma_semaphore, #tpu.memory_space<semaphore_mem>>) {add = true}
        %ge3A_378 = arith.constant 4 : i32
        %ge3A_379 = arith.cmpi sge, %add3A_355, %ge3A_378 : i32
        %convert_element_type3A_380 = arith.extui %ge3A_379 : i1 to i32
        %cond3A_381 = arith.constant 0 : i32
        %cond3A_382 = arith.cmpi ne, %convert_element_type3A_380, %cond3A_381 : i32
        scf.if %cond3A_382 {
          %sub3A = arith.constant 4 : i32
          %sub3A_428 = arith.subi %add3A_355, %sub3A : i32
          %dma_wait3A_429 = arith.constant 2 : i32
          %dma_wait3A_430 = arith.constant 0 : i32
          %dma_wait3A_431 = arith.constant 0 : i32
          %dma_wait3A_432 = tpu.memref_slice %arg11[%dma_wait3A_429, %dma_wait3A_430, %dma_wait3A_431] : memref<8x128x16xf32, #tpu.memory_space<vmem>> -> memref<1x128x16xf32, #tpu.memory_space<vmem>>
          %dma_wait3A_433 = tpu.memref_squeeze %dma_wait3A_432 : memref<1x128x16xf32, #tpu.memory_space<vmem>> -> memref<128x16xf32, #tpu.memory_space<vmem>>
          %dma_wait3A_434 = arith.constant 0 : i32
          %dma_wait3A_435 = tpu.memref_slice %arg9[%sub3A_428, %dma_wait3A_434] : memref<48x128xi32, #tpu.memory_space<vmem>> -> memref<1x128xi32, #tpu.memory_space<vmem>>
          %dma_wait3A_436 = tpu.memref_squeeze %dma_wait3A_435 : memref<1x128xi32, #tpu.memory_space<vmem>> -> memref<128xi32, #tpu.memory_space<vmem>>
          %dma_wait3A_437 = arith.constant 0 : i32
          %dma_wait3A_438 = arith.constant 0 : i32
          %dma_wait3A_439 = tpu.memref_slice %arg12[%dma_wait3A_437, %dma_wait3A_438] : memref<10016x16xf32, #tpu.memory_space<vmem_shared>> -> memref<10016x16xf32, #tpu.memory_space<vmem_shared>>
          tpu.wait_indirect_dma semaphore(%arg14 : memref<!tpu.dma_semaphore, #tpu.memory_space<semaphore_mem>>) src(%dma_wait3A_433 : memref<128x16xf32, #tpu.memory_space<vmem>>) dst(%dma_wait3A_439 : memref<10016x16xf32, #tpu.memory_space<vmem_shared>>)
        } else {
        }
        %add3A_383 = arith.constant 4 : i32
        %add3A_384 = arith.addi %add3A_355, %add3A_383 : i32
        %lt3A_385 = arith.constant 32 : i32
        %lt3A_386 = arith.cmpi slt, %add3A_384, %lt3A_385 : i32
        %convert_element_type3A_387 = arith.extui %lt3A_386 : i1 to i32
        %cond3A_388 = arith.constant 0 : i32
        %cond3A_389 = arith.cmpi ne, %convert_element_type3A_387, %cond3A_388 : i32
        scf.if %cond3A_389 {
          %add3A_428 = arith.constant 4 : i32
          %add3A_429 = arith.addi %add3A_355, %add3A_428 : i32
          %dma_start3A_430 = arith.constant 2 : i32
          %dma_start3A_431 = arith.constant 0 : i32
          %dma_start3A_432 = arith.constant 0 : i32
          %dma_start3A_433 = tpu.memref_slice %arg11[%dma_start3A_430, %dma_start3A_431, %dma_start3A_432] : memref<8x128x16xf32, #tpu.memory_space<vmem>> -> memref<1x128x16xf32, #tpu.memory_space<vmem>>
          %dma_start3A_434 = tpu.memref_squeeze %dma_start3A_433 : memref<1x128x16xf32, #tpu.memory_space<vmem>> -> memref<128x16xf32, #tpu.memory_space<vmem>>
          %dma_start3A_435 = arith.constant 0 : i32
          %dma_start3A_436 = tpu.memref_slice %arg10[%add3A_429, %dma_start3A_435] : memref<48x128xi32, #tpu.memory_space<vmem>> -> memref<1x128xi32, #tpu.memory_space<vmem>>
          %dma_start3A_437 = tpu.memref_squeeze %dma_start3A_436 : memref<1x128xi32, #tpu.memory_space<vmem>> -> memref<128xi32, #tpu.memory_space<vmem>>
          %dma_start3A_438 = arith.constant 0 : i32
          %dma_start3A_439 = arith.constant 0 : i32
          %dma_start3A_440 = tpu.memref_slice %arg2[%dma_start3A_438, %dma_start3A_439] : memref<10000x16xf32, #tpu.memory_space<hbm>> -> memref<10000x16xf32, #tpu.memory_space<hbm>>
          tpu.enqueue_indirect_dma source(%dma_start3A_440 : memref<10000x16xf32, #tpu.memory_space<hbm>>) target(%dma_start3A_434 : memref<128x16xf32, #tpu.memory_space<vmem>>) offsets(%dma_start3A_437 : memref<128xi32, #tpu.memory_space<vmem>>) semaphore(%arg13 : memref<!tpu.dma_semaphore, #tpu.memory_space<semaphore_mem>>)
        } else {
        }
        %mul3A_390 = arith.constant 8 : i32
        %mul3A_391 = arith.muli %scan3A_126, %mul3A_390 : i32
        %add3A_392 = arith.constant 7 : i32
        %add3A_393 = arith.addi %mul3A_391, %add3A_392 : i32
        %dma_wait3A_394 = arith.constant 7 : i32
        %dma_wait3A_395 = arith.constant 0 : i32
        %dma_wait3A_396 = arith.constant 0 : i32
        %dma_wait3A_397 = tpu.memref_slice %arg11[%dma_wait3A_394, %dma_wait3A_395, %dma_wait3A_396] : memref<8x128x16xf32, #tpu.memory_space<vmem>> -> memref<1x128x16xf32, #tpu.memory_space<vmem>>
        %dma_wait3A_398 = tpu.memref_squeeze %dma_wait3A_397 : memref<1x128x16xf32, #tpu.memory_space<vmem>> -> memref<128x16xf32, #tpu.memory_space<vmem>>
        %dma_wait3A_399 = arith.constant 0 : i32
        %dma_wait3A_400 = tpu.memref_slice %arg10[%add3A_393, %dma_wait3A_399] : memref<48x128xi32, #tpu.memory_space<vmem>> -> memref<1x128xi32, #tpu.memory_space<vmem>>
        %dma_wait3A_401 = tpu.memref_squeeze %dma_wait3A_400 : memref<1x128xi32, #tpu.memory_space<vmem>> -> memref<128xi32, #tpu.memory_space<vmem>>
        %dma_wait3A_402 = arith.constant 0 : i32
        %dma_wait3A_403 = arith.constant 0 : i32
        %dma_wait3A_404 = tpu.memref_slice %arg2[%dma_wait3A_402, %dma_wait3A_403] : memref<10000x16xf32, #tpu.memory_space<hbm>> -> memref<10000x16xf32, #tpu.memory_space<hbm>>
        tpu.wait_indirect_dma semaphore(%arg13 : memref<!tpu.dma_semaphore, #tpu.memory_space<semaphore_mem>>) src(%dma_wait3A_404 : memref<10000x16xf32, #tpu.memory_space<hbm>>) dst(%dma_wait3A_398 : memref<128x16xf32, #tpu.memory_space<vmem>>)
        %dma_start3A_405 = arith.constant 7 : i32
        %dma_start3A_406 = arith.constant 0 : i32
        %dma_start3A_407 = arith.constant 0 : i32
        %dma_start3A_408 = tpu.memref_slice %arg11[%dma_start3A_405, %dma_start3A_406, %dma_start3A_407] : memref<8x128x16xf32, #tpu.memory_space<vmem>> -> memref<1x128x16xf32, #tpu.memory_space<vmem>>
        %dma_start3A_409 = tpu.memref_squeeze %dma_start3A_408 : memref<1x128x16xf32, #tpu.memory_space<vmem>> -> memref<128x16xf32, #tpu.memory_space<vmem>>
        %dma_start3A_410 = arith.constant 0 : i32
        %dma_start3A_411 = tpu.memref_slice %arg9[%add3A_393, %dma_start3A_410] : memref<48x128xi32, #tpu.memory_space<vmem>> -> memref<1x128xi32, #tpu.memory_space<vmem>>
        %dma_start3A_412 = tpu.memref_squeeze %dma_start3A_411 : memref<1x128xi32, #tpu.memory_space<vmem>> -> memref<128xi32, #tpu.memory_space<vmem>>
        %dma_start3A_413 = arith.constant 0 : i32
        %dma_start3A_414 = arith.constant 0 : i32
        %dma_start3A_415 = tpu.memref_slice %arg12[%dma_start3A_413, %dma_start3A_414] : memref<10016x16xf32, #tpu.memory_space<vmem_shared>> -> memref<10016x16xf32, #tpu.memory_space<vmem_shared>>
        tpu.enqueue_indirect_dma source(%dma_start3A_409 : memref<128x16xf32, #tpu.memory_space<vmem>>) target(%dma_start3A_415 : memref<10016x16xf32, #tpu.memory_space<vmem_shared>>) offsets(%dma_start3A_412 : memref<128xi32, #tpu.memory_space<vmem>>) semaphore(%arg14 : memref<!tpu.dma_semaphore, #tpu.memory_space<semaphore_mem>>) {add = true}
        %ge3A_416 = arith.constant 4 : i32
        %ge3A_417 = arith.cmpi sge, %add3A_393, %ge3A_416 : i32
        %convert_element_type3A_418 = arith.extui %ge3A_417 : i1 to i32
        %cond3A_419 = arith.constant 0 : i32
        %cond3A_420 = arith.cmpi ne, %convert_element_type3A_418, %cond3A_419 : i32
        scf.if %cond3A_420 {
          %sub3A = arith.constant 4 : i32
          %sub3A_428 = arith.subi %add3A_393, %sub3A : i32
          %dma_wait3A_429 = arith.constant 3 : i32
          %dma_wait3A_430 = arith.constant 0 : i32
          %dma_wait3A_431 = arith.constant 0 : i32
          %dma_wait3A_432 = tpu.memref_slice %arg11[%dma_wait3A_429, %dma_wait3A_430, %dma_wait3A_431] : memref<8x128x16xf32, #tpu.memory_space<vmem>> -> memref<1x128x16xf32, #tpu.memory_space<vmem>>
          %dma_wait3A_433 = tpu.memref_squeeze %dma_wait3A_432 : memref<1x128x16xf32, #tpu.memory_space<vmem>> -> memref<128x16xf32, #tpu.memory_space<vmem>>
          %dma_wait3A_434 = arith.constant 0 : i32
          %dma_wait3A_435 = tpu.memref_slice %arg9[%sub3A_428, %dma_wait3A_434] : memref<48x128xi32, #tpu.memory_space<vmem>> -> memref<1x128xi32, #tpu.memory_space<vmem>>
          %dma_wait3A_436 = tpu.memref_squeeze %dma_wait3A_435 : memref<1x128xi32, #tpu.memory_space<vmem>> -> memref<128xi32, #tpu.memory_space<vmem>>
          %dma_wait3A_437 = arith.constant 0 : i32
          %dma_wait3A_438 = arith.constant 0 : i32
          %dma_wait3A_439 = tpu.memref_slice %arg12[%dma_wait3A_437, %dma_wait3A_438] : memref<10016x16xf32, #tpu.memory_space<vmem_shared>> -> memref<10016x16xf32, #tpu.memory_space<vmem_shared>>
          tpu.wait_indirect_dma semaphore(%arg14 : memref<!tpu.dma_semaphore, #tpu.memory_space<semaphore_mem>>) src(%dma_wait3A_433 : memref<128x16xf32, #tpu.memory_space<vmem>>) dst(%dma_wait3A_439 : memref<10016x16xf32, #tpu.memory_space<vmem_shared>>)
        } else {
        }
        %add3A_421 = arith.constant 4 : i32
        %add3A_422 = arith.addi %add3A_393, %add3A_421 : i32
        %lt3A_423 = arith.constant 32 : i32
        %lt3A_424 = arith.cmpi slt, %add3A_422, %lt3A_423 : i32
        %convert_element_type3A_425 = arith.extui %lt3A_424 : i1 to i32
        %cond3A_426 = arith.constant 0 : i32
        %cond3A_427 = arith.cmpi ne, %convert_element_type3A_425, %cond3A_426 : i32
        scf.if %cond3A_427 {
          %add3A_428 = arith.constant 4 : i32
          %add3A_429 = arith.addi %add3A_393, %add3A_428 : i32
          %dma_start3A_430 = arith.constant 3 : i32
          %dma_start3A_431 = arith.constant 0 : i32
          %dma_start3A_432 = arith.constant 0 : i32
          %dma_start3A_433 = tpu.memref_slice %arg11[%dma_start3A_430, %dma_start3A_431, %dma_start3A_432] : memref<8x128x16xf32, #tpu.memory_space<vmem>> -> memref<1x128x16xf32, #tpu.memory_space<vmem>>
          %dma_start3A_434 = tpu.memref_squeeze %dma_start3A_433 : memref<1x128x16xf32, #tpu.memory_space<vmem>> -> memref<128x16xf32, #tpu.memory_space<vmem>>
          %dma_start3A_435 = arith.constant 0 : i32
          %dma_start3A_436 = tpu.memref_slice %arg10[%add3A_429, %dma_start3A_435] : memref<48x128xi32, #tpu.memory_space<vmem>> -> memref<1x128xi32, #tpu.memory_space<vmem>>
          %dma_start3A_437 = tpu.memref_squeeze %dma_start3A_436 : memref<1x128xi32, #tpu.memory_space<vmem>> -> memref<128xi32, #tpu.memory_space<vmem>>
          %dma_start3A_438 = arith.constant 0 : i32
          %dma_start3A_439 = arith.constant 0 : i32
          %dma_start3A_440 = tpu.memref_slice %arg2[%dma_start3A_438, %dma_start3A_439] : memref<10000x16xf32, #tpu.memory_space<hbm>> -> memref<10000x16xf32, #tpu.memory_space<hbm>>
          tpu.enqueue_indirect_dma source(%dma_start3A_440 : memref<10000x16xf32, #tpu.memory_space<hbm>>) target(%dma_start3A_434 : memref<128x16xf32, #tpu.memory_space<vmem>>) offsets(%dma_start3A_437 : memref<128xi32, #tpu.memory_space<vmem>>) semaphore(%arg13 : memref<!tpu.dma_semaphore, #tpu.memory_space<semaphore_mem>>)
        } else {
        }
      }
      %scan3A_78 = arith.constant 4 : i32
      %dma_wait3A = arith.constant 4 : i32
      %dma_wait3A_79 = arith.constant 28 : i32
      %dma_wait3A_80 = arith.constant 0 : i32
      %dma_wait3A_81 = arith.constant 0 : i32
      %dma_wait3A_82 = tpu.memref_slice %arg11[%dma_wait3A, %dma_wait3A_80, %dma_wait3A_81] : memref<8x128x16xf32, #tpu.memory_space<vmem>> -> memref<1x128x16xf32, #tpu.memory_space<vmem>>
      %dma_wait3A_83 = tpu.memref_squeeze %dma_wait3A_82 : memref<1x128x16xf32, #tpu.memory_space<vmem>> -> memref<128x16xf32, #tpu.memory_space<vmem>>
      %dma_wait3A_84 = arith.constant 0 : i32
      %dma_wait3A_85 = tpu.memref_slice %arg9[%dma_wait3A_79, %dma_wait3A_84] : memref<48x128xi32, #tpu.memory_space<vmem>> -> memref<1x128xi32, #tpu.memory_space<vmem>>
      %dma_wait3A_86 = tpu.memref_squeeze %dma_wait3A_85 : memref<1x128xi32, #tpu.memory_space<vmem>> -> memref<128xi32, #tpu.memory_space<vmem>>
      %dma_wait3A_87 = arith.constant 0 : i32
      %dma_wait3A_88 = arith.constant 0 : i32
      %dma_wait3A_89 = tpu.memref_slice %arg12[%dma_wait3A_87, %dma_wait3A_88] : memref<10016x16xf32, #tpu.memory_space<vmem_shared>> -> memref<10016x16xf32, #tpu.memory_space<vmem_shared>>
      tpu.wait_indirect_dma semaphore(%arg14 : memref<!tpu.dma_semaphore, #tpu.memory_space<semaphore_mem>>) src(%dma_wait3A_83 : memref<128x16xf32, #tpu.memory_space<vmem>>) dst(%dma_wait3A_89 : memref<10016x16xf32, #tpu.memory_space<vmem_shared>>)
      %dma_wait3A_90 = arith.constant 5 : i32
      %dma_wait3A_91 = arith.constant 29 : i32
      %dma_wait3A_92 = arith.constant 0 : i32
      %dma_wait3A_93 = arith.constant 0 : i32
      %dma_wait3A_94 = tpu.memref_slice %arg11[%dma_wait3A_90, %dma_wait3A_92, %dma_wait3A_93] : memref<8x128x16xf32, #tpu.memory_space<vmem>> -> memref<1x128x16xf32, #tpu.memory_space<vmem>>
      %dma_wait3A_95 = tpu.memref_squeeze %dma_wait3A_94 : memref<1x128x16xf32, #tpu.memory_space<vmem>> -> memref<128x16xf32, #tpu.memory_space<vmem>>
      %dma_wait3A_96 = arith.constant 0 : i32
      %dma_wait3A_97 = tpu.memref_slice %arg9[%dma_wait3A_91, %dma_wait3A_96] : memref<48x128xi32, #tpu.memory_space<vmem>> -> memref<1x128xi32, #tpu.memory_space<vmem>>
      %dma_wait3A_98 = tpu.memref_squeeze %dma_wait3A_97 : memref<1x128xi32, #tpu.memory_space<vmem>> -> memref<128xi32, #tpu.memory_space<vmem>>
      %dma_wait3A_99 = arith.constant 0 : i32
      %dma_wait3A_100 = arith.constant 0 : i32
      %dma_wait3A_101 = tpu.memref_slice %arg12[%dma_wait3A_99, %dma_wait3A_100] : memref<10016x16xf32, #tpu.memory_space<vmem_shared>> -> memref<10016x16xf32, #tpu.memory_space<vmem_shared>>
      tpu.wait_indirect_dma semaphore(%arg14 : memref<!tpu.dma_semaphore, #tpu.memory_space<semaphore_mem>>) src(%dma_wait3A_95 : memref<128x16xf32, #tpu.memory_space<vmem>>) dst(%dma_wait3A_101 : memref<10016x16xf32, #tpu.memory_space<vmem_shared>>)
      %dma_wait3A_102 = arith.constant 6 : i32
      %dma_wait3A_103 = arith.constant 30 : i32
      %dma_wait3A_104 = arith.constant 0 : i32
      %dma_wait3A_105 = arith.constant 0 : i32
      %dma_wait3A_106 = tpu.memref_slice %arg11[%dma_wait3A_102, %dma_wait3A_104, %dma_wait3A_105] : memref<8x128x16xf32, #tpu.memory_space<vmem>> -> memref<1x128x16xf32, #tpu.memory_space<vmem>>
      %dma_wait3A_107 = tpu.memref_squeeze %dma_wait3A_106 : memref<1x128x16xf32, #tpu.memory_space<vmem>> -> memref<128x16xf32, #tpu.memory_space<vmem>>
      %dma_wait3A_108 = arith.constant 0 : i32
      %dma_wait3A_109 = tpu.memref_slice %arg9[%dma_wait3A_103, %dma_wait3A_108] : memref<48x128xi32, #tpu.memory_space<vmem>> -> memref<1x128xi32, #tpu.memory_space<vmem>>
      %dma_wait3A_110 = tpu.memref_squeeze %dma_wait3A_109 : memref<1x128xi32, #tpu.memory_space<vmem>> -> memref<128xi32, #tpu.memory_space<vmem>>
      %dma_wait3A_111 = arith.constant 0 : i32
      %dma_wait3A_112 = arith.constant 0 : i32
      %dma_wait3A_113 = tpu.memref_slice %arg12[%dma_wait3A_111, %dma_wait3A_112] : memref<10016x16xf32, #tpu.memory_space<vmem_shared>> -> memref<10016x16xf32, #tpu.memory_space<vmem_shared>>
      tpu.wait_indirect_dma semaphore(%arg14 : memref<!tpu.dma_semaphore, #tpu.memory_space<semaphore_mem>>) src(%dma_wait3A_107 : memref<128x16xf32, #tpu.memory_space<vmem>>) dst(%dma_wait3A_113 : memref<10016x16xf32, #tpu.memory_space<vmem_shared>>)
      %dma_wait3A_114 = arith.constant 7 : i32
      %dma_wait3A_115 = arith.constant 31 : i32
      %dma_wait3A_116 = arith.constant 0 : i32
      %dma_wait3A_117 = arith.constant 0 : i32
      %dma_wait3A_118 = tpu.memref_slice %arg11[%dma_wait3A_114, %dma_wait3A_116, %dma_wait3A_117] : memref<8x128x16xf32, #tpu.memory_space<vmem>> -> memref<1x128x16xf32, #tpu.memory_space<vmem>>
      %dma_wait3A_119 = tpu.memref_squeeze %dma_wait3A_118 : memref<1x128x16xf32, #tpu.memory_space<vmem>> -> memref<128x16xf32, #tpu.memory_space<vmem>>
      %dma_wait3A_120 = arith.constant 0 : i32
      %dma_wait3A_121 = tpu.memref_slice %arg9[%dma_wait3A_115, %dma_wait3A_120] : memref<48x128xi32, #tpu.memory_space<vmem>> -> memref<1x128xi32, #tpu.memory_space<vmem>>
      %dma_wait3A_122 = tpu.memref_squeeze %dma_wait3A_121 : memref<1x128xi32, #tpu.memory_space<vmem>> -> memref<128xi32, #tpu.memory_space<vmem>>
      %dma_wait3A_123 = arith.constant 0 : i32
      %dma_wait3A_124 = arith.constant 0 : i32
      %dma_wait3A_125 = tpu.memref_slice %arg12[%dma_wait3A_123, %dma_wait3A_124] : memref<10016x16xf32, #tpu.memory_space<vmem_shared>> -> memref<10016x16xf32, #tpu.memory_space<vmem_shared>>
      tpu.wait_indirect_dma semaphore(%arg14 : memref<!tpu.dma_semaphore, #tpu.memory_space<semaphore_mem>>) src(%dma_wait3A_119 : memref<128x16xf32, #tpu.memory_space<vmem>>) dst(%dma_wait3A_125 : memref<10016x16xf32, #tpu.memory_space<vmem_shared>>)
    } else {
    }
    %eq3A_11 = arith.constant 1 : i32
    %eq3A_12 = arith.cmpi eq, %arg0, %eq3A_11 : i32
    %convert_element_type3A_13 = arith.extui %eq3A_12 : i1 to i32
    %cond3A_14 = arith.constant 0 : i32
    %cond3A_15 = arith.cmpi ne, %convert_element_type3A_13, %cond3A_14 : i32
    scf.if %cond3A_15 {
      "tpu.region"() ({
        %run_scoped3A = tpu.sem_alloc : memref<!tpu.dma_semaphore, #tpu.memory_space<semaphore_mem>>
        %dma_start3A_126 = arith.constant 0 : i32
        %dma_start3A_127 = arith.constant 0 : i32
        %dma_start3A_128 = tpu.memref_slice %arg9[%dma_start3A_126, %dma_start3A_127] : memref<48x128xi32, #tpu.memory_space<vmem>> -> memref<48x128xi32, #tpu.memory_space<vmem>>
        %dma_start3A_129 = arith.constant 0 : i32
        %dma_start3A_130 = arith.constant 0 : i32
        %dma_start3A_131 = tpu.memref_slice %arg5[%arg1, %dma_start3A_129, %dma_start3A_130] : memref<16x48x128xi32, #tpu.memory_space<hbm>> -> memref<1x48x128xi32, #tpu.memory_space<hbm>>
        %dma_start3A_132 = tpu.memref_squeeze %dma_start3A_131 : memref<1x48x128xi32, #tpu.memory_space<hbm>> -> memref<48x128xi32, #tpu.memory_space<hbm>>
        %dma_start3A_133 = arith.constant 0 : i32
        %dma_start3A_134 = arith.constant 0 : i32
        %dma_start3A_135 = tpu.memref_slice %arg9[%dma_start3A_133, %dma_start3A_134] : memref<48x128xi32, #tpu.memory_space<vmem>> -> memref<48x128xi32, #tpu.memory_space<vmem>>
        %dma_start3A_136 = arith.constant 0 : i32
        %dma_start3A_137 = arith.constant 0 : i32
        %dma_start3A_138 = tpu.memref_slice %arg5[%arg1, %dma_start3A_136, %dma_start3A_137] : memref<16x48x128xi32, #tpu.memory_space<hbm>> -> memref<1x48x128xi32, #tpu.memory_space<hbm>>
        %dma_start3A_139 = tpu.memref_squeeze %dma_start3A_138 : memref<1x48x128xi32, #tpu.memory_space<hbm>> -> memref<48x128xi32, #tpu.memory_space<hbm>>
        tpu.enqueue_dma source(%dma_start3A_139 : memref<48x128xi32, #tpu.memory_space<hbm>>) target(%dma_start3A_135 : memref<48x128xi32, #tpu.memory_space<vmem>>) target_semaphore(%run_scoped3A : memref<!tpu.dma_semaphore, #tpu.memory_space<semaphore_mem>>)
        %dma_wait3A_140 = arith.constant 0 : i32
        %dma_wait3A_141 = arith.constant 0 : i32
        %dma_wait3A_142 = tpu.memref_slice %arg9[%dma_wait3A_140, %dma_wait3A_141] : memref<48x128xi32, #tpu.memory_space<vmem>> -> memref<48x128xi32, #tpu.memory_space<vmem>>
        %dma_wait3A_143 = arith.constant 0 : i32
        %dma_wait3A_144 = arith.constant 0 : i32
        %dma_wait3A_145 = tpu.memref_slice %arg5[%arg1, %dma_wait3A_143, %dma_wait3A_144] : memref<16x48x128xi32, #tpu.memory_space<hbm>> -> memref<1x48x128xi32, #tpu.memory_space<hbm>>
        %dma_wait3A_146 = tpu.memref_squeeze %dma_wait3A_145 : memref<1x48x128xi32, #tpu.memory_space<hbm>> -> memref<48x128xi32, #tpu.memory_space<hbm>>
        %dma_wait3A_147 = arith.constant 0 : i32
        %dma_wait3A_148 = arith.constant 0 : i32
        %dma_wait3A_149 = tpu.memref_slice %arg9[%dma_wait3A_147, %dma_wait3A_148] : memref<48x128xi32, #tpu.memory_space<vmem>> -> memref<48x128xi32, #tpu.memory_space<vmem>>
        %dma_wait3A_150 = arith.constant 0 : i32
        %dma_wait3A_151 = arith.constant 0 : i32
        %dma_wait3A_152 = tpu.memref_slice %arg5[%arg1, %dma_wait3A_150, %dma_wait3A_151] : memref<16x48x128xi32, #tpu.memory_space<hbm>> -> memref<1x48x128xi32, #tpu.memory_space<hbm>>
        %dma_wait3A_153 = tpu.memref_squeeze %dma_wait3A_152 : memref<1x48x128xi32, #tpu.memory_space<hbm>> -> memref<48x128xi32, #tpu.memory_space<hbm>>
        tpu.wait_dma2 semaphore(%run_scoped3A : memref<!tpu.dma_semaphore, #tpu.memory_space<semaphore_mem>>) src(%dma_wait3A_153 : memref<48x128xi32, #tpu.memory_space<hbm>>) dst(%dma_wait3A_149 : memref<48x128xi32, #tpu.memory_space<vmem>>)
        tpu.yield
      }) : () -> ()
      "tpu.region"() ({
        %run_scoped3A = tpu.sem_alloc : memref<!tpu.dma_semaphore, #tpu.memory_space<semaphore_mem>>
        %dma_start3A_126 = arith.constant 0 : i32
        %dma_start3A_127 = arith.constant 0 : i32
        %dma_start3A_128 = tpu.memref_slice %arg10[%dma_start3A_126, %dma_start3A_127] : memref<48x128xi32, #tpu.memory_space<vmem>> -> memref<48x128xi32, #tpu.memory_space<vmem>>
        %dma_start3A_129 = arith.constant 0 : i32
        %dma_start3A_130 = arith.constant 0 : i32
        %dma_start3A_131 = tpu.memref_slice %arg6[%arg1, %dma_start3A_129, %dma_start3A_130] : memref<16x48x128xi32, #tpu.memory_space<hbm>> -> memref<1x48x128xi32, #tpu.memory_space<hbm>>
        %dma_start3A_132 = tpu.memref_squeeze %dma_start3A_131 : memref<1x48x128xi32, #tpu.memory_space<hbm>> -> memref<48x128xi32, #tpu.memory_space<hbm>>
        %dma_start3A_133 = arith.constant 0 : i32
        %dma_start3A_134 = arith.constant 0 : i32
        %dma_start3A_135 = tpu.memref_slice %arg10[%dma_start3A_133, %dma_start3A_134] : memref<48x128xi32, #tpu.memory_space<vmem>> -> memref<48x128xi32, #tpu.memory_space<vmem>>
        %dma_start3A_136 = arith.constant 0 : i32
        %dma_start3A_137 = arith.constant 0 : i32
        %dma_start3A_138 = tpu.memref_slice %arg6[%arg1, %dma_start3A_136, %dma_start3A_137] : memref<16x48x128xi32, #tpu.memory_space<hbm>> -> memref<1x48x128xi32, #tpu.memory_space<hbm>>
        %dma_start3A_139 = tpu.memref_squeeze %dma_start3A_138 : memref<1x48x128xi32, #tpu.memory_space<hbm>> -> memref<48x128xi32, #tpu.memory_space<hbm>>
        tpu.enqueue_dma source(%dma_start3A_139 : memref<48x128xi32, #tpu.memory_space<hbm>>) target(%dma_start3A_135 : memref<48x128xi32, #tpu.memory_space<vmem>>) target_semaphore(%run_scoped3A : memref<!tpu.dma_semaphore, #tpu.memory_space<semaphore_mem>>)
        %dma_wait3A_140 = arith.constant 0 : i32
        %dma_wait3A_141 = arith.constant 0 : i32
        %dma_wait3A_142 = tpu.memref_slice %arg10[%dma_wait3A_140, %dma_wait3A_141] : memref<48x128xi32, #tpu.memory_space<vmem>> -> memref<48x128xi32, #tpu.memory_space<vmem>>
        %dma_wait3A_143 = arith.constant 0 : i32
        %dma_wait3A_144 = arith.constant 0 : i32
        %dma_wait3A_145 = tpu.memref_slice %arg6[%arg1, %dma_wait3A_143, %dma_wait3A_144] : memref<16x48x128xi32, #tpu.memory_space<hbm>> -> memref<1x48x128xi32, #tpu.memory_space<hbm>>
        %dma_wait3A_146 = tpu.memref_squeeze %dma_wait3A_145 : memref<1x48x128xi32, #tpu.memory_space<hbm>> -> memref<48x128xi32, #tpu.memory_space<hbm>>
        %dma_wait3A_147 = arith.constant 0 : i32
        %dma_wait3A_148 = arith.constant 0 : i32
        %dma_wait3A_149 = tpu.memref_slice %arg10[%dma_wait3A_147, %dma_wait3A_148] : memref<48x128xi32, #tpu.memory_space<vmem>> -> memref<48x128xi32, #tpu.memory_space<vmem>>
        %dma_wait3A_150 = arith.constant 0 : i32
        %dma_wait3A_151 = arith.constant 0 : i32
        %dma_wait3A_152 = tpu.memref_slice %arg6[%arg1, %dma_wait3A_150, %dma_wait3A_151] : memref<16x48x128xi32, #tpu.memory_space<hbm>> -> memref<1x48x128xi32, #tpu.memory_space<hbm>>
        %dma_wait3A_153 = tpu.memref_squeeze %dma_wait3A_152 : memref<1x48x128xi32, #tpu.memory_space<hbm>> -> memref<48x128xi32, #tpu.memory_space<hbm>>
        tpu.wait_dma2 semaphore(%run_scoped3A : memref<!tpu.dma_semaphore, #tpu.memory_space<semaphore_mem>>) src(%dma_wait3A_153 : memref<48x128xi32, #tpu.memory_space<hbm>>) dst(%dma_wait3A_149 : memref<48x128xi32, #tpu.memory_space<vmem>>)
        tpu.yield
      }) : () -> ()
      %dma_start3A = arith.constant 0 : i32
      %dma_start3A_27 = arith.constant 0 : i32
      %dma_start3A_28 = arith.constant 0 : i32
      %dma_start3A_29 = arith.constant 0 : i32
      %dma_start3A_30 = tpu.memref_slice %arg11[%dma_start3A_27, %dma_start3A_28, %dma_start3A_29] : memref<8x128x16xf32, #tpu.memory_space<vmem>> -> memref<1x128x16xf32, #tpu.memory_space<vmem>>
      %dma_start3A_31 = tpu.memref_squeeze %dma_start3A_30 : memref<1x128x16xf32, #tpu.memory_space<vmem>> -> memref<128x16xf32, #tpu.memory_space<vmem>>
      %dma_start3A_32 = arith.constant 0 : i32
      %dma_start3A_33 = tpu.memref_slice %arg10[%dma_start3A, %dma_start3A_32] : memref<48x128xi32, #tpu.memory_space<vmem>> -> memref<1x128xi32, #tpu.memory_space<vmem>>
      %dma_start3A_34 = tpu.memref_squeeze %dma_start3A_33 : memref<1x128xi32, #tpu.memory_space<vmem>> -> memref<128xi32, #tpu.memory_space<vmem>>
      %dma_start3A_35 = arith.constant 0 : i32
      %dma_start3A_36 = arith.constant 0 : i32
      %dma_start3A_37 = tpu.memref_slice %arg2[%dma_start3A_35, %dma_start3A_36] : memref<10000x16xf32, #tpu.memory_space<hbm>> -> memref<10000x16xf32, #tpu.memory_space<hbm>>
      tpu.enqueue_indirect_dma source(%dma_start3A_37 : memref<10000x16xf32, #tpu.memory_space<hbm>>) target(%dma_start3A_31 : memref<128x16xf32, #tpu.memory_space<vmem>>) offsets(%dma_start3A_34 : memref<128xi32, #tpu.memory_space<vmem>>) semaphore(%arg13 : memref<!tpu.dma_semaphore, #tpu.memory_space<semaphore_mem>>)
      %dma_start3A_38 = arith.constant 1 : i32
      %dma_start3A_39 = arith.constant 1 : i32
      %dma_start3A_40 = arith.constant 0 : i32
      %dma_start3A_41 = arith.constant 0 : i32
      %dma_start3A_42 = tpu.memref_slice %arg11[%dma_start3A_39, %dma_start3A_40, %dma_start3A_41] : memref<8x128x16xf32, #tpu.memory_space<vmem>> -> memref<1x128x16xf32, #tpu.memory_space<vmem>>
      %dma_start3A_43 = tpu.memref_squeeze %dma_start3A_42 : memref<1x128x16xf32, #tpu.memory_space<vmem>> -> memref<128x16xf32, #tpu.memory_space<vmem>>
      %dma_start3A_44 = arith.constant 0 : i32
      %dma_start3A_45 = tpu.memref_slice %arg10[%dma_start3A_38, %dma_start3A_44] : memref<48x128xi32, #tpu.memory_space<vmem>> -> memref<1x128xi32, #tpu.memory_space<vmem>>
      %dma_start3A_46 = tpu.memref_squeeze %dma_start3A_45 : memref<1x128xi32, #tpu.memory_space<vmem>> -> memref<128xi32, #tpu.memory_space<vmem>>
      %dma_start3A_47 = arith.constant 0 : i32
      %dma_start3A_48 = arith.constant 0 : i32
      %dma_start3A_49 = tpu.memref_slice %arg2[%dma_start3A_47, %dma_start3A_48] : memref<10000x16xf32, #tpu.memory_space<hbm>> -> memref<10000x16xf32, #tpu.memory_space<hbm>>
      tpu.enqueue_indirect_dma source(%dma_start3A_49 : memref<10000x16xf32, #tpu.memory_space<hbm>>) target(%dma_start3A_43 : memref<128x16xf32, #tpu.memory_space<vmem>>) offsets(%dma_start3A_46 : memref<128xi32, #tpu.memory_space<vmem>>) semaphore(%arg13 : memref<!tpu.dma_semaphore, #tpu.memory_space<semaphore_mem>>)
      %dma_start3A_50 = arith.constant 2 : i32
      %dma_start3A_51 = arith.constant 2 : i32
      %dma_start3A_52 = arith.constant 0 : i32
      %dma_start3A_53 = arith.constant 0 : i32
      %dma_start3A_54 = tpu.memref_slice %arg11[%dma_start3A_51, %dma_start3A_52, %dma_start3A_53] : memref<8x128x16xf32, #tpu.memory_space<vmem>> -> memref<1x128x16xf32, #tpu.memory_space<vmem>>
      %dma_start3A_55 = tpu.memref_squeeze %dma_start3A_54 : memref<1x128x16xf32, #tpu.memory_space<vmem>> -> memref<128x16xf32, #tpu.memory_space<vmem>>
      %dma_start3A_56 = arith.constant 0 : i32
      %dma_start3A_57 = tpu.memref_slice %arg10[%dma_start3A_50, %dma_start3A_56] : memref<48x128xi32, #tpu.memory_space<vmem>> -> memref<1x128xi32, #tpu.memory_space<vmem>>
      %dma_start3A_58 = tpu.memref_squeeze %dma_start3A_57 : memref<1x128xi32, #tpu.memory_space<vmem>> -> memref<128xi32, #tpu.memory_space<vmem>>
      %dma_start3A_59 = arith.constant 0 : i32
      %dma_start3A_60 = arith.constant 0 : i32
      %dma_start3A_61 = tpu.memref_slice %arg2[%dma_start3A_59, %dma_start3A_60] : memref<10000x16xf32, #tpu.memory_space<hbm>> -> memref<10000x16xf32, #tpu.memory_space<hbm>>
      tpu.enqueue_indirect_dma source(%dma_start3A_61 : memref<10000x16xf32, #tpu.memory_space<hbm>>) target(%dma_start3A_55 : memref<128x16xf32, #tpu.memory_space<vmem>>) offsets(%dma_start3A_58 : memref<128xi32, #tpu.memory_space<vmem>>) semaphore(%arg13 : memref<!tpu.dma_semaphore, #tpu.memory_space<semaphore_mem>>)
      %dma_start3A_62 = arith.constant 3 : i32
      %dma_start3A_63 = arith.constant 3 : i32
      %dma_start3A_64 = arith.constant 0 : i32
      %dma_start3A_65 = arith.constant 0 : i32
      %dma_start3A_66 = tpu.memref_slice %arg11[%dma_start3A_63, %dma_start3A_64, %dma_start3A_65] : memref<8x128x16xf32, #tpu.memory_space<vmem>> -> memref<1x128x16xf32, #tpu.memory_space<vmem>>
      %dma_start3A_67 = tpu.memref_squeeze %dma_start3A_66 : memref<1x128x16xf32, #tpu.memory_space<vmem>> -> memref<128x16xf32, #tpu.memory_space<vmem>>
      %dma_start3A_68 = arith.constant 0 : i32
      %dma_start3A_69 = tpu.memref_slice %arg10[%dma_start3A_62, %dma_start3A_68] : memref<48x128xi32, #tpu.memory_space<vmem>> -> memref<1x128xi32, #tpu.memory_space<vmem>>
      %dma_start3A_70 = tpu.memref_squeeze %dma_start3A_69 : memref<1x128xi32, #tpu.memory_space<vmem>> -> memref<128xi32, #tpu.memory_space<vmem>>
      %dma_start3A_71 = arith.constant 0 : i32
      %dma_start3A_72 = arith.constant 0 : i32
      %dma_start3A_73 = tpu.memref_slice %arg2[%dma_start3A_71, %dma_start3A_72] : memref<10000x16xf32, #tpu.memory_space<hbm>> -> memref<10000x16xf32, #tpu.memory_space<hbm>>
      tpu.enqueue_indirect_dma source(%dma_start3A_73 : memref<10000x16xf32, #tpu.memory_space<hbm>>) target(%dma_start3A_67 : memref<128x16xf32, #tpu.memory_space<vmem>>) offsets(%dma_start3A_70 : memref<128xi32, #tpu.memory_space<vmem>>) semaphore(%arg13 : memref<!tpu.dma_semaphore, #tpu.memory_space<semaphore_mem>>)
      %scan3A = arith.constant 0 : i32
      %scan3A_74 = arith.constant 0 : i32
      %scan3A_75 = arith.constant 6 : i32
      %scan3A_76 = arith.addi %scan3A_74, %scan3A_75 : i32
      %scan3A_77 = arith.constant 1 : i32
      scf.for %scan3A_126 = %scan3A_74 to %scan3A_76 step %scan3A_77  : i32 {
        %mul3A = arith.constant 8 : i32
        %mul3A_127 = arith.muli %scan3A_126, %mul3A : i32
        %add3A = arith.constant 0 : i32
        %add3A_128 = arith.addi %mul3A_127, %add3A : i32
        %dma_wait3A_129 = arith.constant 0 : i32
        %dma_wait3A_130 = arith.constant 0 : i32
        %dma_wait3A_131 = arith.constant 0 : i32
        %dma_wait3A_132 = tpu.memref_slice %arg11[%dma_wait3A_129, %dma_wait3A_130, %dma_wait3A_131] : memref<8x128x16xf32, #tpu.memory_space<vmem>> -> memref<1x128x16xf32, #tpu.memory_space<vmem>>
        %dma_wait3A_133 = tpu.memref_squeeze %dma_wait3A_132 : memref<1x128x16xf32, #tpu.memory_space<vmem>> -> memref<128x16xf32, #tpu.memory_space<vmem>>
        %dma_wait3A_134 = arith.constant 0 : i32
        %dma_wait3A_135 = tpu.memref_slice %arg10[%add3A_128, %dma_wait3A_134] : memref<48x128xi32, #tpu.memory_space<vmem>> -> memref<1x128xi32, #tpu.memory_space<vmem>>
        %dma_wait3A_136 = tpu.memref_squeeze %dma_wait3A_135 : memref<1x128xi32, #tpu.memory_space<vmem>> -> memref<128xi32, #tpu.memory_space<vmem>>
        %dma_wait3A_137 = arith.constant 0 : i32
        %dma_wait3A_138 = arith.constant 0 : i32
        %dma_wait3A_139 = tpu.memref_slice %arg2[%dma_wait3A_137, %dma_wait3A_138] : memref<10000x16xf32, #tpu.memory_space<hbm>> -> memref<10000x16xf32, #tpu.memory_space<hbm>>
        tpu.wait_indirect_dma semaphore(%arg13 : memref<!tpu.dma_semaphore, #tpu.memory_space<semaphore_mem>>) src(%dma_wait3A_139 : memref<10000x16xf32, #tpu.memory_space<hbm>>) dst(%dma_wait3A_133 : memref<128x16xf32, #tpu.memory_space<vmem>>)
        %dma_start3A_140 = arith.constant 0 : i32
        %dma_start3A_141 = arith.constant 0 : i32
        %dma_start3A_142 = arith.constant 0 : i32
        %dma_start3A_143 = tpu.memref_slice %arg11[%dma_start3A_140, %dma_start3A_141, %dma_start3A_142] : memref<8x128x16xf32, #tpu.memory_space<vmem>> -> memref<1x128x16xf32, #tpu.memory_space<vmem>>
        %dma_start3A_144 = tpu.memref_squeeze %dma_start3A_143 : memref<1x128x16xf32, #tpu.memory_space<vmem>> -> memref<128x16xf32, #tpu.memory_space<vmem>>
        %dma_start3A_145 = arith.constant 0 : i32
        %dma_start3A_146 = tpu.memref_slice %arg9[%add3A_128, %dma_start3A_145] : memref<48x128xi32, #tpu.memory_space<vmem>> -> memref<1x128xi32, #tpu.memory_space<vmem>>
        %dma_start3A_147 = tpu.memref_squeeze %dma_start3A_146 : memref<1x128xi32, #tpu.memory_space<vmem>> -> memref<128xi32, #tpu.memory_space<vmem>>
        %dma_start3A_148 = arith.constant 0 : i32
        %dma_start3A_149 = arith.constant 0 : i32
        %dma_start3A_150 = tpu.memref_slice %arg12[%dma_start3A_148, %dma_start3A_149] : memref<10016x16xf32, #tpu.memory_space<vmem_shared>> -> memref<10016x16xf32, #tpu.memory_space<vmem_shared>>
        tpu.enqueue_indirect_dma source(%dma_start3A_144 : memref<128x16xf32, #tpu.memory_space<vmem>>) target(%dma_start3A_150 : memref<10016x16xf32, #tpu.memory_space<vmem_shared>>) offsets(%dma_start3A_147 : memref<128xi32, #tpu.memory_space<vmem>>) semaphore(%arg14 : memref<!tpu.dma_semaphore, #tpu.memory_space<semaphore_mem>>) {add = true}
        %ge3A = arith.constant 4 : i32
        %ge3A_151 = arith.cmpi sge, %add3A_128, %ge3A : i32
        %convert_element_type3A_152 = arith.extui %ge3A_151 : i1 to i32
        %cond3A_153 = arith.constant 0 : i32
        %cond3A_154 = arith.cmpi ne, %convert_element_type3A_152, %cond3A_153 : i32
        scf.if %cond3A_154 {
          %sub3A = arith.constant 4 : i32
          %sub3A_428 = arith.subi %add3A_128, %sub3A : i32
          %dma_wait3A_429 = arith.constant 4 : i32
          %dma_wait3A_430 = arith.constant 0 : i32
          %dma_wait3A_431 = arith.constant 0 : i32
          %dma_wait3A_432 = tpu.memref_slice %arg11[%dma_wait3A_429, %dma_wait3A_430, %dma_wait3A_431] : memref<8x128x16xf32, #tpu.memory_space<vmem>> -> memref<1x128x16xf32, #tpu.memory_space<vmem>>
          %dma_wait3A_433 = tpu.memref_squeeze %dma_wait3A_432 : memref<1x128x16xf32, #tpu.memory_space<vmem>> -> memref<128x16xf32, #tpu.memory_space<vmem>>
          %dma_wait3A_434 = arith.constant 0 : i32
          %dma_wait3A_435 = tpu.memref_slice %arg9[%sub3A_428, %dma_wait3A_434] : memref<48x128xi32, #tpu.memory_space<vmem>> -> memref<1x128xi32, #tpu.memory_space<vmem>>
          %dma_wait3A_436 = tpu.memref_squeeze %dma_wait3A_435 : memref<1x128xi32, #tpu.memory_space<vmem>> -> memref<128xi32, #tpu.memory_space<vmem>>
          %dma_wait3A_437 = arith.constant 0 : i32
          %dma_wait3A_438 = arith.constant 0 : i32
          %dma_wait3A_439 = tpu.memref_slice %arg12[%dma_wait3A_437, %dma_wait3A_438] : memref<10016x16xf32, #tpu.memory_space<vmem_shared>> -> memref<10016x16xf32, #tpu.memory_space<vmem_shared>>
          tpu.wait_indirect_dma semaphore(%arg14 : memref<!tpu.dma_semaphore, #tpu.memory_space<semaphore_mem>>) src(%dma_wait3A_433 : memref<128x16xf32, #tpu.memory_space<vmem>>) dst(%dma_wait3A_439 : memref<10016x16xf32, #tpu.memory_space<vmem_shared>>)
        } else {
        }
        %add3A_155 = arith.constant 4 : i32
        %add3A_156 = arith.addi %add3A_128, %add3A_155 : i32
        %lt3A_157 = arith.constant 48 : i32
        %lt3A_158 = arith.cmpi slt, %add3A_156, %lt3A_157 : i32
        %convert_element_type3A_159 = arith.extui %lt3A_158 : i1 to i32
        %cond3A_160 = arith.constant 0 : i32
        %cond3A_161 = arith.cmpi ne, %convert_element_type3A_159, %cond3A_160 : i32
        scf.if %cond3A_161 {
          %add3A_428 = arith.constant 4 : i32
          %add3A_429 = arith.addi %add3A_128, %add3A_428 : i32
          %dma_start3A_430 = arith.constant 4 : i32
          %dma_start3A_431 = arith.constant 0 : i32
          %dma_start3A_432 = arith.constant 0 : i32
          %dma_start3A_433 = tpu.memref_slice %arg11[%dma_start3A_430, %dma_start3A_431, %dma_start3A_432] : memref<8x128x16xf32, #tpu.memory_space<vmem>> -> memref<1x128x16xf32, #tpu.memory_space<vmem>>
          %dma_start3A_434 = tpu.memref_squeeze %dma_start3A_433 : memref<1x128x16xf32, #tpu.memory_space<vmem>> -> memref<128x16xf32, #tpu.memory_space<vmem>>
          %dma_start3A_435 = arith.constant 0 : i32
          %dma_start3A_436 = tpu.memref_slice %arg10[%add3A_429, %dma_start3A_435] : memref<48x128xi32, #tpu.memory_space<vmem>> -> memref<1x128xi32, #tpu.memory_space<vmem>>
          %dma_start3A_437 = tpu.memref_squeeze %dma_start3A_436 : memref<1x128xi32, #tpu.memory_space<vmem>> -> memref<128xi32, #tpu.memory_space<vmem>>
          %dma_start3A_438 = arith.constant 0 : i32
          %dma_start3A_439 = arith.constant 0 : i32
          %dma_start3A_440 = tpu.memref_slice %arg2[%dma_start3A_438, %dma_start3A_439] : memref<10000x16xf32, #tpu.memory_space<hbm>> -> memref<10000x16xf32, #tpu.memory_space<hbm>>
          tpu.enqueue_indirect_dma source(%dma_start3A_440 : memref<10000x16xf32, #tpu.memory_space<hbm>>) target(%dma_start3A_434 : memref<128x16xf32, #tpu.memory_space<vmem>>) offsets(%dma_start3A_437 : memref<128xi32, #tpu.memory_space<vmem>>) semaphore(%arg13 : memref<!tpu.dma_semaphore, #tpu.memory_space<semaphore_mem>>)
        } else {
        }
        %mul3A_162 = arith.constant 8 : i32
        %mul3A_163 = arith.muli %scan3A_126, %mul3A_162 : i32
        %add3A_164 = arith.constant 1 : i32
        %add3A_165 = arith.addi %mul3A_163, %add3A_164 : i32
        %dma_wait3A_166 = arith.constant 1 : i32
        %dma_wait3A_167 = arith.constant 0 : i32
        %dma_wait3A_168 = arith.constant 0 : i32
        %dma_wait3A_169 = tpu.memref_slice %arg11[%dma_wait3A_166, %dma_wait3A_167, %dma_wait3A_168] : memref<8x128x16xf32, #tpu.memory_space<vmem>> -> memref<1x128x16xf32, #tpu.memory_space<vmem>>
        %dma_wait3A_170 = tpu.memref_squeeze %dma_wait3A_169 : memref<1x128x16xf32, #tpu.memory_space<vmem>> -> memref<128x16xf32, #tpu.memory_space<vmem>>
        %dma_wait3A_171 = arith.constant 0 : i32
        %dma_wait3A_172 = tpu.memref_slice %arg10[%add3A_165, %dma_wait3A_171] : memref<48x128xi32, #tpu.memory_space<vmem>> -> memref<1x128xi32, #tpu.memory_space<vmem>>
        %dma_wait3A_173 = tpu.memref_squeeze %dma_wait3A_172 : memref<1x128xi32, #tpu.memory_space<vmem>> -> memref<128xi32, #tpu.memory_space<vmem>>
        %dma_wait3A_174 = arith.constant 0 : i32
        %dma_wait3A_175 = arith.constant 0 : i32
        %dma_wait3A_176 = tpu.memref_slice %arg2[%dma_wait3A_174, %dma_wait3A_175] : memref<10000x16xf32, #tpu.memory_space<hbm>> -> memref<10000x16xf32, #tpu.memory_space<hbm>>
        tpu.wait_indirect_dma semaphore(%arg13 : memref<!tpu.dma_semaphore, #tpu.memory_space<semaphore_mem>>) src(%dma_wait3A_176 : memref<10000x16xf32, #tpu.memory_space<hbm>>) dst(%dma_wait3A_170 : memref<128x16xf32, #tpu.memory_space<vmem>>)
        %dma_start3A_177 = arith.constant 1 : i32
        %dma_start3A_178 = arith.constant 0 : i32
        %dma_start3A_179 = arith.constant 0 : i32
        %dma_start3A_180 = tpu.memref_slice %arg11[%dma_start3A_177, %dma_start3A_178, %dma_start3A_179] : memref<8x128x16xf32, #tpu.memory_space<vmem>> -> memref<1x128x16xf32, #tpu.memory_space<vmem>>
        %dma_start3A_181 = tpu.memref_squeeze %dma_start3A_180 : memref<1x128x16xf32, #tpu.memory_space<vmem>> -> memref<128x16xf32, #tpu.memory_space<vmem>>
        %dma_start3A_182 = arith.constant 0 : i32
        %dma_start3A_183 = tpu.memref_slice %arg9[%add3A_165, %dma_start3A_182] : memref<48x128xi32, #tpu.memory_space<vmem>> -> memref<1x128xi32, #tpu.memory_space<vmem>>
        %dma_start3A_184 = tpu.memref_squeeze %dma_start3A_183 : memref<1x128xi32, #tpu.memory_space<vmem>> -> memref<128xi32, #tpu.memory_space<vmem>>
        %dma_start3A_185 = arith.constant 0 : i32
        %dma_start3A_186 = arith.constant 0 : i32
        %dma_start3A_187 = tpu.memref_slice %arg12[%dma_start3A_185, %dma_start3A_186] : memref<10016x16xf32, #tpu.memory_space<vmem_shared>> -> memref<10016x16xf32, #tpu.memory_space<vmem_shared>>
        tpu.enqueue_indirect_dma source(%dma_start3A_181 : memref<128x16xf32, #tpu.memory_space<vmem>>) target(%dma_start3A_187 : memref<10016x16xf32, #tpu.memory_space<vmem_shared>>) offsets(%dma_start3A_184 : memref<128xi32, #tpu.memory_space<vmem>>) semaphore(%arg14 : memref<!tpu.dma_semaphore, #tpu.memory_space<semaphore_mem>>) {add = true}
        %ge3A_188 = arith.constant 4 : i32
        %ge3A_189 = arith.cmpi sge, %add3A_165, %ge3A_188 : i32
        %convert_element_type3A_190 = arith.extui %ge3A_189 : i1 to i32
        %cond3A_191 = arith.constant 0 : i32
        %cond3A_192 = arith.cmpi ne, %convert_element_type3A_190, %cond3A_191 : i32
        scf.if %cond3A_192 {
          %sub3A = arith.constant 4 : i32
          %sub3A_428 = arith.subi %add3A_165, %sub3A : i32
          %dma_wait3A_429 = arith.constant 5 : i32
          %dma_wait3A_430 = arith.constant 0 : i32
          %dma_wait3A_431 = arith.constant 0 : i32
          %dma_wait3A_432 = tpu.memref_slice %arg11[%dma_wait3A_429, %dma_wait3A_430, %dma_wait3A_431] : memref<8x128x16xf32, #tpu.memory_space<vmem>> -> memref<1x128x16xf32, #tpu.memory_space<vmem>>
          %dma_wait3A_433 = tpu.memref_squeeze %dma_wait3A_432 : memref<1x128x16xf32, #tpu.memory_space<vmem>> -> memref<128x16xf32, #tpu.memory_space<vmem>>
          %dma_wait3A_434 = arith.constant 0 : i32
          %dma_wait3A_435 = tpu.memref_slice %arg9[%sub3A_428, %dma_wait3A_434] : memref<48x128xi32, #tpu.memory_space<vmem>> -> memref<1x128xi32, #tpu.memory_space<vmem>>
          %dma_wait3A_436 = tpu.memref_squeeze %dma_wait3A_435 : memref<1x128xi32, #tpu.memory_space<vmem>> -> memref<128xi32, #tpu.memory_space<vmem>>
          %dma_wait3A_437 = arith.constant 0 : i32
          %dma_wait3A_438 = arith.constant 0 : i32
          %dma_wait3A_439 = tpu.memref_slice %arg12[%dma_wait3A_437, %dma_wait3A_438] : memref<10016x16xf32, #tpu.memory_space<vmem_shared>> -> memref<10016x16xf32, #tpu.memory_space<vmem_shared>>
          tpu.wait_indirect_dma semaphore(%arg14 : memref<!tpu.dma_semaphore, #tpu.memory_space<semaphore_mem>>) src(%dma_wait3A_433 : memref<128x16xf32, #tpu.memory_space<vmem>>) dst(%dma_wait3A_439 : memref<10016x16xf32, #tpu.memory_space<vmem_shared>>)
        } else {
        }
        %add3A_193 = arith.constant 4 : i32
        %add3A_194 = arith.addi %add3A_165, %add3A_193 : i32
        %lt3A_195 = arith.constant 48 : i32
        %lt3A_196 = arith.cmpi slt, %add3A_194, %lt3A_195 : i32
        %convert_element_type3A_197 = arith.extui %lt3A_196 : i1 to i32
        %cond3A_198 = arith.constant 0 : i32
        %cond3A_199 = arith.cmpi ne, %convert_element_type3A_197, %cond3A_198 : i32
        scf.if %cond3A_199 {
          %add3A_428 = arith.constant 4 : i32
          %add3A_429 = arith.addi %add3A_165, %add3A_428 : i32
          %dma_start3A_430 = arith.constant 5 : i32
          %dma_start3A_431 = arith.constant 0 : i32
          %dma_start3A_432 = arith.constant 0 : i32
          %dma_start3A_433 = tpu.memref_slice %arg11[%dma_start3A_430, %dma_start3A_431, %dma_start3A_432] : memref<8x128x16xf32, #tpu.memory_space<vmem>> -> memref<1x128x16xf32, #tpu.memory_space<vmem>>
          %dma_start3A_434 = tpu.memref_squeeze %dma_start3A_433 : memref<1x128x16xf32, #tpu.memory_space<vmem>> -> memref<128x16xf32, #tpu.memory_space<vmem>>
          %dma_start3A_435 = arith.constant 0 : i32
          %dma_start3A_436 = tpu.memref_slice %arg10[%add3A_429, %dma_start3A_435] : memref<48x128xi32, #tpu.memory_space<vmem>> -> memref<1x128xi32, #tpu.memory_space<vmem>>
          %dma_start3A_437 = tpu.memref_squeeze %dma_start3A_436 : memref<1x128xi32, #tpu.memory_space<vmem>> -> memref<128xi32, #tpu.memory_space<vmem>>
          %dma_start3A_438 = arith.constant 0 : i32
          %dma_start3A_439 = arith.constant 0 : i32
          %dma_start3A_440 = tpu.memref_slice %arg2[%dma_start3A_438, %dma_start3A_439] : memref<10000x16xf32, #tpu.memory_space<hbm>> -> memref<10000x16xf32, #tpu.memory_space<hbm>>
          tpu.enqueue_indirect_dma source(%dma_start3A_440 : memref<10000x16xf32, #tpu.memory_space<hbm>>) target(%dma_start3A_434 : memref<128x16xf32, #tpu.memory_space<vmem>>) offsets(%dma_start3A_437 : memref<128xi32, #tpu.memory_space<vmem>>) semaphore(%arg13 : memref<!tpu.dma_semaphore, #tpu.memory_space<semaphore_mem>>)
        } else {
        }
        %mul3A_200 = arith.constant 8 : i32
        %mul3A_201 = arith.muli %scan3A_126, %mul3A_200 : i32
        %add3A_202 = arith.constant 2 : i32
        %add3A_203 = arith.addi %mul3A_201, %add3A_202 : i32
        %dma_wait3A_204 = arith.constant 2 : i32
        %dma_wait3A_205 = arith.constant 0 : i32
        %dma_wait3A_206 = arith.constant 0 : i32
        %dma_wait3A_207 = tpu.memref_slice %arg11[%dma_wait3A_204, %dma_wait3A_205, %dma_wait3A_206] : memref<8x128x16xf32, #tpu.memory_space<vmem>> -> memref<1x128x16xf32, #tpu.memory_space<vmem>>
        %dma_wait3A_208 = tpu.memref_squeeze %dma_wait3A_207 : memref<1x128x16xf32, #tpu.memory_space<vmem>> -> memref<128x16xf32, #tpu.memory_space<vmem>>
        %dma_wait3A_209 = arith.constant 0 : i32
        %dma_wait3A_210 = tpu.memref_slice %arg10[%add3A_203, %dma_wait3A_209] : memref<48x128xi32, #tpu.memory_space<vmem>> -> memref<1x128xi32, #tpu.memory_space<vmem>>
        %dma_wait3A_211 = tpu.memref_squeeze %dma_wait3A_210 : memref<1x128xi32, #tpu.memory_space<vmem>> -> memref<128xi32, #tpu.memory_space<vmem>>
        %dma_wait3A_212 = arith.constant 0 : i32
        %dma_wait3A_213 = arith.constant 0 : i32
        %dma_wait3A_214 = tpu.memref_slice %arg2[%dma_wait3A_212, %dma_wait3A_213] : memref<10000x16xf32, #tpu.memory_space<hbm>> -> memref<10000x16xf32, #tpu.memory_space<hbm>>
        tpu.wait_indirect_dma semaphore(%arg13 : memref<!tpu.dma_semaphore, #tpu.memory_space<semaphore_mem>>) src(%dma_wait3A_214 : memref<10000x16xf32, #tpu.memory_space<hbm>>) dst(%dma_wait3A_208 : memref<128x16xf32, #tpu.memory_space<vmem>>)
        %dma_start3A_215 = arith.constant 2 : i32
        %dma_start3A_216 = arith.constant 0 : i32
        %dma_start3A_217 = arith.constant 0 : i32
        %dma_start3A_218 = tpu.memref_slice %arg11[%dma_start3A_215, %dma_start3A_216, %dma_start3A_217] : memref<8x128x16xf32, #tpu.memory_space<vmem>> -> memref<1x128x16xf32, #tpu.memory_space<vmem>>
        %dma_start3A_219 = tpu.memref_squeeze %dma_start3A_218 : memref<1x128x16xf32, #tpu.memory_space<vmem>> -> memref<128x16xf32, #tpu.memory_space<vmem>>
        %dma_start3A_220 = arith.constant 0 : i32
        %dma_start3A_221 = tpu.memref_slice %arg9[%add3A_203, %dma_start3A_220] : memref<48x128xi32, #tpu.memory_space<vmem>> -> memref<1x128xi32, #tpu.memory_space<vmem>>
        %dma_start3A_222 = tpu.memref_squeeze %dma_start3A_221 : memref<1x128xi32, #tpu.memory_space<vmem>> -> memref<128xi32, #tpu.memory_space<vmem>>
        %dma_start3A_223 = arith.constant 0 : i32
        %dma_start3A_224 = arith.constant 0 : i32
        %dma_start3A_225 = tpu.memref_slice %arg12[%dma_start3A_223, %dma_start3A_224] : memref<10016x16xf32, #tpu.memory_space<vmem_shared>> -> memref<10016x16xf32, #tpu.memory_space<vmem_shared>>
        tpu.enqueue_indirect_dma source(%dma_start3A_219 : memref<128x16xf32, #tpu.memory_space<vmem>>) target(%dma_start3A_225 : memref<10016x16xf32, #tpu.memory_space<vmem_shared>>) offsets(%dma_start3A_222 : memref<128xi32, #tpu.memory_space<vmem>>) semaphore(%arg14 : memref<!tpu.dma_semaphore, #tpu.memory_space<semaphore_mem>>) {add = true}
        %ge3A_226 = arith.constant 4 : i32
        %ge3A_227 = arith.cmpi sge, %add3A_203, %ge3A_226 : i32
        %convert_element_type3A_228 = arith.extui %ge3A_227 : i1 to i32
        %cond3A_229 = arith.constant 0 : i32
        %cond3A_230 = arith.cmpi ne, %convert_element_type3A_228, %cond3A_229 : i32
        scf.if %cond3A_230 {
          %sub3A = arith.constant 4 : i32
          %sub3A_428 = arith.subi %add3A_203, %sub3A : i32
          %dma_wait3A_429 = arith.constant 6 : i32
          %dma_wait3A_430 = arith.constant 0 : i32
          %dma_wait3A_431 = arith.constant 0 : i32
          %dma_wait3A_432 = tpu.memref_slice %arg11[%dma_wait3A_429, %dma_wait3A_430, %dma_wait3A_431] : memref<8x128x16xf32, #tpu.memory_space<vmem>> -> memref<1x128x16xf32, #tpu.memory_space<vmem>>
          %dma_wait3A_433 = tpu.memref_squeeze %dma_wait3A_432 : memref<1x128x16xf32, #tpu.memory_space<vmem>> -> memref<128x16xf32, #tpu.memory_space<vmem>>
          %dma_wait3A_434 = arith.constant 0 : i32
          %dma_wait3A_435 = tpu.memref_slice %arg9[%sub3A_428, %dma_wait3A_434] : memref<48x128xi32, #tpu.memory_space<vmem>> -> memref<1x128xi32, #tpu.memory_space<vmem>>
          %dma_wait3A_436 = tpu.memref_squeeze %dma_wait3A_435 : memref<1x128xi32, #tpu.memory_space<vmem>> -> memref<128xi32, #tpu.memory_space<vmem>>
          %dma_wait3A_437 = arith.constant 0 : i32
          %dma_wait3A_438 = arith.constant 0 : i32
          %dma_wait3A_439 = tpu.memref_slice %arg12[%dma_wait3A_437, %dma_wait3A_438] : memref<10016x16xf32, #tpu.memory_space<vmem_shared>> -> memref<10016x16xf32, #tpu.memory_space<vmem_shared>>
          tpu.wait_indirect_dma semaphore(%arg14 : memref<!tpu.dma_semaphore, #tpu.memory_space<semaphore_mem>>) src(%dma_wait3A_433 : memref<128x16xf32, #tpu.memory_space<vmem>>) dst(%dma_wait3A_439 : memref<10016x16xf32, #tpu.memory_space<vmem_shared>>)
        } else {
        }
        %add3A_231 = arith.constant 4 : i32
        %add3A_232 = arith.addi %add3A_203, %add3A_231 : i32
        %lt3A_233 = arith.constant 48 : i32
        %lt3A_234 = arith.cmpi slt, %add3A_232, %lt3A_233 : i32
        %convert_element_type3A_235 = arith.extui %lt3A_234 : i1 to i32
        %cond3A_236 = arith.constant 0 : i32
        %cond3A_237 = arith.cmpi ne, %convert_element_type3A_235, %cond3A_236 : i32
        scf.if %cond3A_237 {
          %add3A_428 = arith.constant 4 : i32
          %add3A_429 = arith.addi %add3A_203, %add3A_428 : i32
          %dma_start3A_430 = arith.constant 6 : i32
          %dma_start3A_431 = arith.constant 0 : i32
          %dma_start3A_432 = arith.constant 0 : i32
          %dma_start3A_433 = tpu.memref_slice %arg11[%dma_start3A_430, %dma_start3A_431, %dma_start3A_432] : memref<8x128x16xf32, #tpu.memory_space<vmem>> -> memref<1x128x16xf32, #tpu.memory_space<vmem>>
          %dma_start3A_434 = tpu.memref_squeeze %dma_start3A_433 : memref<1x128x16xf32, #tpu.memory_space<vmem>> -> memref<128x16xf32, #tpu.memory_space<vmem>>
          %dma_start3A_435 = arith.constant 0 : i32
          %dma_start3A_436 = tpu.memref_slice %arg10[%add3A_429, %dma_start3A_435] : memref<48x128xi32, #tpu.memory_space<vmem>> -> memref<1x128xi32, #tpu.memory_space<vmem>>
          %dma_start3A_437 = tpu.memref_squeeze %dma_start3A_436 : memref<1x128xi32, #tpu.memory_space<vmem>> -> memref<128xi32, #tpu.memory_space<vmem>>
          %dma_start3A_438 = arith.constant 0 : i32
          %dma_start3A_439 = arith.constant 0 : i32
          %dma_start3A_440 = tpu.memref_slice %arg2[%dma_start3A_438, %dma_start3A_439] : memref<10000x16xf32, #tpu.memory_space<hbm>> -> memref<10000x16xf32, #tpu.memory_space<hbm>>
          tpu.enqueue_indirect_dma source(%dma_start3A_440 : memref<10000x16xf32, #tpu.memory_space<hbm>>) target(%dma_start3A_434 : memref<128x16xf32, #tpu.memory_space<vmem>>) offsets(%dma_start3A_437 : memref<128xi32, #tpu.memory_space<vmem>>) semaphore(%arg13 : memref<!tpu.dma_semaphore, #tpu.memory_space<semaphore_mem>>)
        } else {
        }
        %mul3A_238 = arith.constant 8 : i32
        %mul3A_239 = arith.muli %scan3A_126, %mul3A_238 : i32
        %add3A_240 = arith.constant 3 : i32
        %add3A_241 = arith.addi %mul3A_239, %add3A_240 : i32
        %dma_wait3A_242 = arith.constant 3 : i32
        %dma_wait3A_243 = arith.constant 0 : i32
        %dma_wait3A_244 = arith.constant 0 : i32
        %dma_wait3A_245 = tpu.memref_slice %arg11[%dma_wait3A_242, %dma_wait3A_243, %dma_wait3A_244] : memref<8x128x16xf32, #tpu.memory_space<vmem>> -> memref<1x128x16xf32, #tpu.memory_space<vmem>>
        %dma_wait3A_246 = tpu.memref_squeeze %dma_wait3A_245 : memref<1x128x16xf32, #tpu.memory_space<vmem>> -> memref<128x16xf32, #tpu.memory_space<vmem>>
        %dma_wait3A_247 = arith.constant 0 : i32
        %dma_wait3A_248 = tpu.memref_slice %arg10[%add3A_241, %dma_wait3A_247] : memref<48x128xi32, #tpu.memory_space<vmem>> -> memref<1x128xi32, #tpu.memory_space<vmem>>
        %dma_wait3A_249 = tpu.memref_squeeze %dma_wait3A_248 : memref<1x128xi32, #tpu.memory_space<vmem>> -> memref<128xi32, #tpu.memory_space<vmem>>
        %dma_wait3A_250 = arith.constant 0 : i32
        %dma_wait3A_251 = arith.constant 0 : i32
        %dma_wait3A_252 = tpu.memref_slice %arg2[%dma_wait3A_250, %dma_wait3A_251] : memref<10000x16xf32, #tpu.memory_space<hbm>> -> memref<10000x16xf32, #tpu.memory_space<hbm>>
        tpu.wait_indirect_dma semaphore(%arg13 : memref<!tpu.dma_semaphore, #tpu.memory_space<semaphore_mem>>) src(%dma_wait3A_252 : memref<10000x16xf32, #tpu.memory_space<hbm>>) dst(%dma_wait3A_246 : memref<128x16xf32, #tpu.memory_space<vmem>>)
        %dma_start3A_253 = arith.constant 3 : i32
        %dma_start3A_254 = arith.constant 0 : i32
        %dma_start3A_255 = arith.constant 0 : i32
        %dma_start3A_256 = tpu.memref_slice %arg11[%dma_start3A_253, %dma_start3A_254, %dma_start3A_255] : memref<8x128x16xf32, #tpu.memory_space<vmem>> -> memref<1x128x16xf32, #tpu.memory_space<vmem>>
        %dma_start3A_257 = tpu.memref_squeeze %dma_start3A_256 : memref<1x128x16xf32, #tpu.memory_space<vmem>> -> memref<128x16xf32, #tpu.memory_space<vmem>>
        %dma_start3A_258 = arith.constant 0 : i32
        %dma_start3A_259 = tpu.memref_slice %arg9[%add3A_241, %dma_start3A_258] : memref<48x128xi32, #tpu.memory_space<vmem>> -> memref<1x128xi32, #tpu.memory_space<vmem>>
        %dma_start3A_260 = tpu.memref_squeeze %dma_start3A_259 : memref<1x128xi32, #tpu.memory_space<vmem>> -> memref<128xi32, #tpu.memory_space<vmem>>
        %dma_start3A_261 = arith.constant 0 : i32
        %dma_start3A_262 = arith.constant 0 : i32
        %dma_start3A_263 = tpu.memref_slice %arg12[%dma_start3A_261, %dma_start3A_262] : memref<10016x16xf32, #tpu.memory_space<vmem_shared>> -> memref<10016x16xf32, #tpu.memory_space<vmem_shared>>
        tpu.enqueue_indirect_dma source(%dma_start3A_257 : memref<128x16xf32, #tpu.memory_space<vmem>>) target(%dma_start3A_263 : memref<10016x16xf32, #tpu.memory_space<vmem_shared>>) offsets(%dma_start3A_260 : memref<128xi32, #tpu.memory_space<vmem>>) semaphore(%arg14 : memref<!tpu.dma_semaphore, #tpu.memory_space<semaphore_mem>>) {add = true}
        %ge3A_264 = arith.constant 4 : i32
        %ge3A_265 = arith.cmpi sge, %add3A_241, %ge3A_264 : i32
        %convert_element_type3A_266 = arith.extui %ge3A_265 : i1 to i32
        %cond3A_267 = arith.constant 0 : i32
        %cond3A_268 = arith.cmpi ne, %convert_element_type3A_266, %cond3A_267 : i32
        scf.if %cond3A_268 {
          %sub3A = arith.constant 4 : i32
          %sub3A_428 = arith.subi %add3A_241, %sub3A : i32
          %dma_wait3A_429 = arith.constant 7 : i32
          %dma_wait3A_430 = arith.constant 0 : i32
          %dma_wait3A_431 = arith.constant 0 : i32
          %dma_wait3A_432 = tpu.memref_slice %arg11[%dma_wait3A_429, %dma_wait3A_430, %dma_wait3A_431] : memref<8x128x16xf32, #tpu.memory_space<vmem>> -> memref<1x128x16xf32, #tpu.memory_space<vmem>>
          %dma_wait3A_433 = tpu.memref_squeeze %dma_wait3A_432 : memref<1x128x16xf32, #tpu.memory_space<vmem>> -> memref<128x16xf32, #tpu.memory_space<vmem>>
          %dma_wait3A_434 = arith.constant 0 : i32
          %dma_wait3A_435 = tpu.memref_slice %arg9[%sub3A_428, %dma_wait3A_434] : memref<48x128xi32, #tpu.memory_space<vmem>> -> memref<1x128xi32, #tpu.memory_space<vmem>>
          %dma_wait3A_436 = tpu.memref_squeeze %dma_wait3A_435 : memref<1x128xi32, #tpu.memory_space<vmem>> -> memref<128xi32, #tpu.memory_space<vmem>>
          %dma_wait3A_437 = arith.constant 0 : i32
          %dma_wait3A_438 = arith.constant 0 : i32
          %dma_wait3A_439 = tpu.memref_slice %arg12[%dma_wait3A_437, %dma_wait3A_438] : memref<10016x16xf32, #tpu.memory_space<vmem_shared>> -> memref<10016x16xf32, #tpu.memory_space<vmem_shared>>
          tpu.wait_indirect_dma semaphore(%arg14 : memref<!tpu.dma_semaphore, #tpu.memory_space<semaphore_mem>>) src(%dma_wait3A_433 : memref<128x16xf32, #tpu.memory_space<vmem>>) dst(%dma_wait3A_439 : memref<10016x16xf32, #tpu.memory_space<vmem_shared>>)
        } else {
        }
        %add3A_269 = arith.constant 4 : i32
        %add3A_270 = arith.addi %add3A_241, %add3A_269 : i32
        %lt3A_271 = arith.constant 48 : i32
        %lt3A_272 = arith.cmpi slt, %add3A_270, %lt3A_271 : i32
        %convert_element_type3A_273 = arith.extui %lt3A_272 : i1 to i32
        %cond3A_274 = arith.constant 0 : i32
        %cond3A_275 = arith.cmpi ne, %convert_element_type3A_273, %cond3A_274 : i32
        scf.if %cond3A_275 {
          %add3A_428 = arith.constant 4 : i32
          %add3A_429 = arith.addi %add3A_241, %add3A_428 : i32
          %dma_start3A_430 = arith.constant 7 : i32
          %dma_start3A_431 = arith.constant 0 : i32
          %dma_start3A_432 = arith.constant 0 : i32
          %dma_start3A_433 = tpu.memref_slice %arg11[%dma_start3A_430, %dma_start3A_431, %dma_start3A_432] : memref<8x128x16xf32, #tpu.memory_space<vmem>> -> memref<1x128x16xf32, #tpu.memory_space<vmem>>
          %dma_start3A_434 = tpu.memref_squeeze %dma_start3A_433 : memref<1x128x16xf32, #tpu.memory_space<vmem>> -> memref<128x16xf32, #tpu.memory_space<vmem>>
          %dma_start3A_435 = arith.constant 0 : i32
          %dma_start3A_436 = tpu.memref_slice %arg10[%add3A_429, %dma_start3A_435] : memref<48x128xi32, #tpu.memory_space<vmem>> -> memref<1x128xi32, #tpu.memory_space<vmem>>
          %dma_start3A_437 = tpu.memref_squeeze %dma_start3A_436 : memref<1x128xi32, #tpu.memory_space<vmem>> -> memref<128xi32, #tpu.memory_space<vmem>>
          %dma_start3A_438 = arith.constant 0 : i32
          %dma_start3A_439 = arith.constant 0 : i32
          %dma_start3A_440 = tpu.memref_slice %arg2[%dma_start3A_438, %dma_start3A_439] : memref<10000x16xf32, #tpu.memory_space<hbm>> -> memref<10000x16xf32, #tpu.memory_space<hbm>>
          tpu.enqueue_indirect_dma source(%dma_start3A_440 : memref<10000x16xf32, #tpu.memory_space<hbm>>) target(%dma_start3A_434 : memref<128x16xf32, #tpu.memory_space<vmem>>) offsets(%dma_start3A_437 : memref<128xi32, #tpu.memory_space<vmem>>) semaphore(%arg13 : memref<!tpu.dma_semaphore, #tpu.memory_space<semaphore_mem>>)
        } else {
        }
        %mul3A_276 = arith.constant 8 : i32
        %mul3A_277 = arith.muli %scan3A_126, %mul3A_276 : i32
        %add3A_278 = arith.constant 4 : i32
        %add3A_279 = arith.addi %mul3A_277, %add3A_278 : i32
        %dma_wait3A_280 = arith.constant 4 : i32
        %dma_wait3A_281 = arith.constant 0 : i32
        %dma_wait3A_282 = arith.constant 0 : i32
        %dma_wait3A_283 = tpu.memref_slice %arg11[%dma_wait3A_280, %dma_wait3A_281, %dma_wait3A_282] : memref<8x128x16xf32, #tpu.memory_space<vmem>> -> memref<1x128x16xf32, #tpu.memory_space<vmem>>
        %dma_wait3A_284 = tpu.memref_squeeze %dma_wait3A_283 : memref<1x128x16xf32, #tpu.memory_space<vmem>> -> memref<128x16xf32, #tpu.memory_space<vmem>>
        %dma_wait3A_285 = arith.constant 0 : i32
        %dma_wait3A_286 = tpu.memref_slice %arg10[%add3A_279, %dma_wait3A_285] : memref<48x128xi32, #tpu.memory_space<vmem>> -> memref<1x128xi32, #tpu.memory_space<vmem>>
        %dma_wait3A_287 = tpu.memref_squeeze %dma_wait3A_286 : memref<1x128xi32, #tpu.memory_space<vmem>> -> memref<128xi32, #tpu.memory_space<vmem>>
        %dma_wait3A_288 = arith.constant 0 : i32
        %dma_wait3A_289 = arith.constant 0 : i32
        %dma_wait3A_290 = tpu.memref_slice %arg2[%dma_wait3A_288, %dma_wait3A_289] : memref<10000x16xf32, #tpu.memory_space<hbm>> -> memref<10000x16xf32, #tpu.memory_space<hbm>>
        tpu.wait_indirect_dma semaphore(%arg13 : memref<!tpu.dma_semaphore, #tpu.memory_space<semaphore_mem>>) src(%dma_wait3A_290 : memref<10000x16xf32, #tpu.memory_space<hbm>>) dst(%dma_wait3A_284 : memref<128x16xf32, #tpu.memory_space<vmem>>)
        %dma_start3A_291 = arith.constant 4 : i32
        %dma_start3A_292 = arith.constant 0 : i32
        %dma_start3A_293 = arith.constant 0 : i32
        %dma_start3A_294 = tpu.memref_slice %arg11[%dma_start3A_291, %dma_start3A_292, %dma_start3A_293] : memref<8x128x16xf32, #tpu.memory_space<vmem>> -> memref<1x128x16xf32, #tpu.memory_space<vmem>>
        %dma_start3A_295 = tpu.memref_squeeze %dma_start3A_294 : memref<1x128x16xf32, #tpu.memory_space<vmem>> -> memref<128x16xf32, #tpu.memory_space<vmem>>
        %dma_start3A_296 = arith.constant 0 : i32
        %dma_start3A_297 = tpu.memref_slice %arg9[%add3A_279, %dma_start3A_296] : memref<48x128xi32, #tpu.memory_space<vmem>> -> memref<1x128xi32, #tpu.memory_space<vmem>>
        %dma_start3A_298 = tpu.memref_squeeze %dma_start3A_297 : memref<1x128xi32, #tpu.memory_space<vmem>> -> memref<128xi32, #tpu.memory_space<vmem>>
        %dma_start3A_299 = arith.constant 0 : i32
        %dma_start3A_300 = arith.constant 0 : i32
        %dma_start3A_301 = tpu.memref_slice %arg12[%dma_start3A_299, %dma_start3A_300] : memref<10016x16xf32, #tpu.memory_space<vmem_shared>> -> memref<10016x16xf32, #tpu.memory_space<vmem_shared>>
        tpu.enqueue_indirect_dma source(%dma_start3A_295 : memref<128x16xf32, #tpu.memory_space<vmem>>) target(%dma_start3A_301 : memref<10016x16xf32, #tpu.memory_space<vmem_shared>>) offsets(%dma_start3A_298 : memref<128xi32, #tpu.memory_space<vmem>>) semaphore(%arg14 : memref<!tpu.dma_semaphore, #tpu.memory_space<semaphore_mem>>) {add = true}
        %ge3A_302 = arith.constant 4 : i32
        %ge3A_303 = arith.cmpi sge, %add3A_279, %ge3A_302 : i32
        %convert_element_type3A_304 = arith.extui %ge3A_303 : i1 to i32
        %cond3A_305 = arith.constant 0 : i32
        %cond3A_306 = arith.cmpi ne, %convert_element_type3A_304, %cond3A_305 : i32
        scf.if %cond3A_306 {
          %sub3A = arith.constant 4 : i32
          %sub3A_428 = arith.subi %add3A_279, %sub3A : i32
          %dma_wait3A_429 = arith.constant 0 : i32
          %dma_wait3A_430 = arith.constant 0 : i32
          %dma_wait3A_431 = arith.constant 0 : i32
          %dma_wait3A_432 = tpu.memref_slice %arg11[%dma_wait3A_429, %dma_wait3A_430, %dma_wait3A_431] : memref<8x128x16xf32, #tpu.memory_space<vmem>> -> memref<1x128x16xf32, #tpu.memory_space<vmem>>
          %dma_wait3A_433 = tpu.memref_squeeze %dma_wait3A_432 : memref<1x128x16xf32, #tpu.memory_space<vmem>> -> memref<128x16xf32, #tpu.memory_space<vmem>>
          %dma_wait3A_434 = arith.constant 0 : i32
          %dma_wait3A_435 = tpu.memref_slice %arg9[%sub3A_428, %dma_wait3A_434] : memref<48x128xi32, #tpu.memory_space<vmem>> -> memref<1x128xi32, #tpu.memory_space<vmem>>
          %dma_wait3A_436 = tpu.memref_squeeze %dma_wait3A_435 : memref<1x128xi32, #tpu.memory_space<vmem>> -> memref<128xi32, #tpu.memory_space<vmem>>
          %dma_wait3A_437 = arith.constant 0 : i32
          %dma_wait3A_438 = arith.constant 0 : i32
          %dma_wait3A_439 = tpu.memref_slice %arg12[%dma_wait3A_437, %dma_wait3A_438] : memref<10016x16xf32, #tpu.memory_space<vmem_shared>> -> memref<10016x16xf32, #tpu.memory_space<vmem_shared>>
          tpu.wait_indirect_dma semaphore(%arg14 : memref<!tpu.dma_semaphore, #tpu.memory_space<semaphore_mem>>) src(%dma_wait3A_433 : memref<128x16xf32, #tpu.memory_space<vmem>>) dst(%dma_wait3A_439 : memref<10016x16xf32, #tpu.memory_space<vmem_shared>>)
        } else {
        }
        %add3A_307 = arith.constant 4 : i32
        %add3A_308 = arith.addi %add3A_279, %add3A_307 : i32
        %lt3A_309 = arith.constant 48 : i32
        %lt3A_310 = arith.cmpi slt, %add3A_308, %lt3A_309 : i32
        %convert_element_type3A_311 = arith.extui %lt3A_310 : i1 to i32
        %cond3A_312 = arith.constant 0 : i32
        %cond3A_313 = arith.cmpi ne, %convert_element_type3A_311, %cond3A_312 : i32
        scf.if %cond3A_313 {
          %add3A_428 = arith.constant 4 : i32
          %add3A_429 = arith.addi %add3A_279, %add3A_428 : i32
          %dma_start3A_430 = arith.constant 0 : i32
          %dma_start3A_431 = arith.constant 0 : i32
          %dma_start3A_432 = arith.constant 0 : i32
          %dma_start3A_433 = tpu.memref_slice %arg11[%dma_start3A_430, %dma_start3A_431, %dma_start3A_432] : memref<8x128x16xf32, #tpu.memory_space<vmem>> -> memref<1x128x16xf32, #tpu.memory_space<vmem>>
          %dma_start3A_434 = tpu.memref_squeeze %dma_start3A_433 : memref<1x128x16xf32, #tpu.memory_space<vmem>> -> memref<128x16xf32, #tpu.memory_space<vmem>>
          %dma_start3A_435 = arith.constant 0 : i32
          %dma_start3A_436 = tpu.memref_slice %arg10[%add3A_429, %dma_start3A_435] : memref<48x128xi32, #tpu.memory_space<vmem>> -> memref<1x128xi32, #tpu.memory_space<vmem>>
          %dma_start3A_437 = tpu.memref_squeeze %dma_start3A_436 : memref<1x128xi32, #tpu.memory_space<vmem>> -> memref<128xi32, #tpu.memory_space<vmem>>
          %dma_start3A_438 = arith.constant 0 : i32
          %dma_start3A_439 = arith.constant 0 : i32
          %dma_start3A_440 = tpu.memref_slice %arg2[%dma_start3A_438, %dma_start3A_439] : memref<10000x16xf32, #tpu.memory_space<hbm>> -> memref<10000x16xf32, #tpu.memory_space<hbm>>
          tpu.enqueue_indirect_dma source(%dma_start3A_440 : memref<10000x16xf32, #tpu.memory_space<hbm>>) target(%dma_start3A_434 : memref<128x16xf32, #tpu.memory_space<vmem>>) offsets(%dma_start3A_437 : memref<128xi32, #tpu.memory_space<vmem>>) semaphore(%arg13 : memref<!tpu.dma_semaphore, #tpu.memory_space<semaphore_mem>>)
        } else {
        }
        %mul3A_314 = arith.constant 8 : i32
        %mul3A_315 = arith.muli %scan3A_126, %mul3A_314 : i32
        %add3A_316 = arith.constant 5 : i32
        %add3A_317 = arith.addi %mul3A_315, %add3A_316 : i32
        %dma_wait3A_318 = arith.constant 5 : i32
        %dma_wait3A_319 = arith.constant 0 : i32
        %dma_wait3A_320 = arith.constant 0 : i32
        %dma_wait3A_321 = tpu.memref_slice %arg11[%dma_wait3A_318, %dma_wait3A_319, %dma_wait3A_320] : memref<8x128x16xf32, #tpu.memory_space<vmem>> -> memref<1x128x16xf32, #tpu.memory_space<vmem>>
        %dma_wait3A_322 = tpu.memref_squeeze %dma_wait3A_321 : memref<1x128x16xf32, #tpu.memory_space<vmem>> -> memref<128x16xf32, #tpu.memory_space<vmem>>
        %dma_wait3A_323 = arith.constant 0 : i32
        %dma_wait3A_324 = tpu.memref_slice %arg10[%add3A_317, %dma_wait3A_323] : memref<48x128xi32, #tpu.memory_space<vmem>> -> memref<1x128xi32, #tpu.memory_space<vmem>>
        %dma_wait3A_325 = tpu.memref_squeeze %dma_wait3A_324 : memref<1x128xi32, #tpu.memory_space<vmem>> -> memref<128xi32, #tpu.memory_space<vmem>>
        %dma_wait3A_326 = arith.constant 0 : i32
        %dma_wait3A_327 = arith.constant 0 : i32
        %dma_wait3A_328 = tpu.memref_slice %arg2[%dma_wait3A_326, %dma_wait3A_327] : memref<10000x16xf32, #tpu.memory_space<hbm>> -> memref<10000x16xf32, #tpu.memory_space<hbm>>
        tpu.wait_indirect_dma semaphore(%arg13 : memref<!tpu.dma_semaphore, #tpu.memory_space<semaphore_mem>>) src(%dma_wait3A_328 : memref<10000x16xf32, #tpu.memory_space<hbm>>) dst(%dma_wait3A_322 : memref<128x16xf32, #tpu.memory_space<vmem>>)
        %dma_start3A_329 = arith.constant 5 : i32
        %dma_start3A_330 = arith.constant 0 : i32
        %dma_start3A_331 = arith.constant 0 : i32
        %dma_start3A_332 = tpu.memref_slice %arg11[%dma_start3A_329, %dma_start3A_330, %dma_start3A_331] : memref<8x128x16xf32, #tpu.memory_space<vmem>> -> memref<1x128x16xf32, #tpu.memory_space<vmem>>
        %dma_start3A_333 = tpu.memref_squeeze %dma_start3A_332 : memref<1x128x16xf32, #tpu.memory_space<vmem>> -> memref<128x16xf32, #tpu.memory_space<vmem>>
        %dma_start3A_334 = arith.constant 0 : i32
        %dma_start3A_335 = tpu.memref_slice %arg9[%add3A_317, %dma_start3A_334] : memref<48x128xi32, #tpu.memory_space<vmem>> -> memref<1x128xi32, #tpu.memory_space<vmem>>
        %dma_start3A_336 = tpu.memref_squeeze %dma_start3A_335 : memref<1x128xi32, #tpu.memory_space<vmem>> -> memref<128xi32, #tpu.memory_space<vmem>>
        %dma_start3A_337 = arith.constant 0 : i32
        %dma_start3A_338 = arith.constant 0 : i32
        %dma_start3A_339 = tpu.memref_slice %arg12[%dma_start3A_337, %dma_start3A_338] : memref<10016x16xf32, #tpu.memory_space<vmem_shared>> -> memref<10016x16xf32, #tpu.memory_space<vmem_shared>>
        tpu.enqueue_indirect_dma source(%dma_start3A_333 : memref<128x16xf32, #tpu.memory_space<vmem>>) target(%dma_start3A_339 : memref<10016x16xf32, #tpu.memory_space<vmem_shared>>) offsets(%dma_start3A_336 : memref<128xi32, #tpu.memory_space<vmem>>) semaphore(%arg14 : memref<!tpu.dma_semaphore, #tpu.memory_space<semaphore_mem>>) {add = true}
        %ge3A_340 = arith.constant 4 : i32
        %ge3A_341 = arith.cmpi sge, %add3A_317, %ge3A_340 : i32
        %convert_element_type3A_342 = arith.extui %ge3A_341 : i1 to i32
        %cond3A_343 = arith.constant 0 : i32
        %cond3A_344 = arith.cmpi ne, %convert_element_type3A_342, %cond3A_343 : i32
        scf.if %cond3A_344 {
          %sub3A = arith.constant 4 : i32
          %sub3A_428 = arith.subi %add3A_317, %sub3A : i32
          %dma_wait3A_429 = arith.constant 1 : i32
          %dma_wait3A_430 = arith.constant 0 : i32
          %dma_wait3A_431 = arith.constant 0 : i32
          %dma_wait3A_432 = tpu.memref_slice %arg11[%dma_wait3A_429, %dma_wait3A_430, %dma_wait3A_431] : memref<8x128x16xf32, #tpu.memory_space<vmem>> -> memref<1x128x16xf32, #tpu.memory_space<vmem>>
          %dma_wait3A_433 = tpu.memref_squeeze %dma_wait3A_432 : memref<1x128x16xf32, #tpu.memory_space<vmem>> -> memref<128x16xf32, #tpu.memory_space<vmem>>
          %dma_wait3A_434 = arith.constant 0 : i32
          %dma_wait3A_435 = tpu.memref_slice %arg9[%sub3A_428, %dma_wait3A_434] : memref<48x128xi32, #tpu.memory_space<vmem>> -> memref<1x128xi32, #tpu.memory_space<vmem>>
          %dma_wait3A_436 = tpu.memref_squeeze %dma_wait3A_435 : memref<1x128xi32, #tpu.memory_space<vmem>> -> memref<128xi32, #tpu.memory_space<vmem>>
          %dma_wait3A_437 = arith.constant 0 : i32
          %dma_wait3A_438 = arith.constant 0 : i32
          %dma_wait3A_439 = tpu.memref_slice %arg12[%dma_wait3A_437, %dma_wait3A_438] : memref<10016x16xf32, #tpu.memory_space<vmem_shared>> -> memref<10016x16xf32, #tpu.memory_space<vmem_shared>>
          tpu.wait_indirect_dma semaphore(%arg14 : memref<!tpu.dma_semaphore, #tpu.memory_space<semaphore_mem>>) src(%dma_wait3A_433 : memref<128x16xf32, #tpu.memory_space<vmem>>) dst(%dma_wait3A_439 : memref<10016x16xf32, #tpu.memory_space<vmem_shared>>)
        } else {
        }
        %add3A_345 = arith.constant 4 : i32
        %add3A_346 = arith.addi %add3A_317, %add3A_345 : i32
        %lt3A_347 = arith.constant 48 : i32
        %lt3A_348 = arith.cmpi slt, %add3A_346, %lt3A_347 : i32
        %convert_element_type3A_349 = arith.extui %lt3A_348 : i1 to i32
        %cond3A_350 = arith.constant 0 : i32
        %cond3A_351 = arith.cmpi ne, %convert_element_type3A_349, %cond3A_350 : i32
        scf.if %cond3A_351 {
          %add3A_428 = arith.constant 4 : i32
          %add3A_429 = arith.addi %add3A_317, %add3A_428 : i32
          %dma_start3A_430 = arith.constant 1 : i32
          %dma_start3A_431 = arith.constant 0 : i32
          %dma_start3A_432 = arith.constant 0 : i32
          %dma_start3A_433 = tpu.memref_slice %arg11[%dma_start3A_430, %dma_start3A_431, %dma_start3A_432] : memref<8x128x16xf32, #tpu.memory_space<vmem>> -> memref<1x128x16xf32, #tpu.memory_space<vmem>>
          %dma_start3A_434 = tpu.memref_squeeze %dma_start3A_433 : memref<1x128x16xf32, #tpu.memory_space<vmem>> -> memref<128x16xf32, #tpu.memory_space<vmem>>
          %dma_start3A_435 = arith.constant 0 : i32
          %dma_start3A_436 = tpu.memref_slice %arg10[%add3A_429, %dma_start3A_435] : memref<48x128xi32, #tpu.memory_space<vmem>> -> memref<1x128xi32, #tpu.memory_space<vmem>>
          %dma_start3A_437 = tpu.memref_squeeze %dma_start3A_436 : memref<1x128xi32, #tpu.memory_space<vmem>> -> memref<128xi32, #tpu.memory_space<vmem>>
          %dma_start3A_438 = arith.constant 0 : i32
          %dma_start3A_439 = arith.constant 0 : i32
          %dma_start3A_440 = tpu.memref_slice %arg2[%dma_start3A_438, %dma_start3A_439] : memref<10000x16xf32, #tpu.memory_space<hbm>> -> memref<10000x16xf32, #tpu.memory_space<hbm>>
          tpu.enqueue_indirect_dma source(%dma_start3A_440 : memref<10000x16xf32, #tpu.memory_space<hbm>>) target(%dma_start3A_434 : memref<128x16xf32, #tpu.memory_space<vmem>>) offsets(%dma_start3A_437 : memref<128xi32, #tpu.memory_space<vmem>>) semaphore(%arg13 : memref<!tpu.dma_semaphore, #tpu.memory_space<semaphore_mem>>)
        } else {
        }
        %mul3A_352 = arith.constant 8 : i32
        %mul3A_353 = arith.muli %scan3A_126, %mul3A_352 : i32
        %add3A_354 = arith.constant 6 : i32
        %add3A_355 = arith.addi %mul3A_353, %add3A_354 : i32
        %dma_wait3A_356 = arith.constant 6 : i32
        %dma_wait3A_357 = arith.constant 0 : i32
        %dma_wait3A_358 = arith.constant 0 : i32
        %dma_wait3A_359 = tpu.memref_slice %arg11[%dma_wait3A_356, %dma_wait3A_357, %dma_wait3A_358] : memref<8x128x16xf32, #tpu.memory_space<vmem>> -> memref<1x128x16xf32, #tpu.memory_space<vmem>>
        %dma_wait3A_360 = tpu.memref_squeeze %dma_wait3A_359 : memref<1x128x16xf32, #tpu.memory_space<vmem>> -> memref<128x16xf32, #tpu.memory_space<vmem>>
        %dma_wait3A_361 = arith.constant 0 : i32
        %dma_wait3A_362 = tpu.memref_slice %arg10[%add3A_355, %dma_wait3A_361] : memref<48x128xi32, #tpu.memory_space<vmem>> -> memref<1x128xi32, #tpu.memory_space<vmem>>
        %dma_wait3A_363 = tpu.memref_squeeze %dma_wait3A_362 : memref<1x128xi32, #tpu.memory_space<vmem>> -> memref<128xi32, #tpu.memory_space<vmem>>
        %dma_wait3A_364 = arith.constant 0 : i32
        %dma_wait3A_365 = arith.constant 0 : i32
        %dma_wait3A_366 = tpu.memref_slice %arg2[%dma_wait3A_364, %dma_wait3A_365] : memref<10000x16xf32, #tpu.memory_space<hbm>> -> memref<10000x16xf32, #tpu.memory_space<hbm>>
        tpu.wait_indirect_dma semaphore(%arg13 : memref<!tpu.dma_semaphore, #tpu.memory_space<semaphore_mem>>) src(%dma_wait3A_366 : memref<10000x16xf32, #tpu.memory_space<hbm>>) dst(%dma_wait3A_360 : memref<128x16xf32, #tpu.memory_space<vmem>>)
        %dma_start3A_367 = arith.constant 6 : i32
        %dma_start3A_368 = arith.constant 0 : i32
        %dma_start3A_369 = arith.constant 0 : i32
        %dma_start3A_370 = tpu.memref_slice %arg11[%dma_start3A_367, %dma_start3A_368, %dma_start3A_369] : memref<8x128x16xf32, #tpu.memory_space<vmem>> -> memref<1x128x16xf32, #tpu.memory_space<vmem>>
        %dma_start3A_371 = tpu.memref_squeeze %dma_start3A_370 : memref<1x128x16xf32, #tpu.memory_space<vmem>> -> memref<128x16xf32, #tpu.memory_space<vmem>>
        %dma_start3A_372 = arith.constant 0 : i32
        %dma_start3A_373 = tpu.memref_slice %arg9[%add3A_355, %dma_start3A_372] : memref<48x128xi32, #tpu.memory_space<vmem>> -> memref<1x128xi32, #tpu.memory_space<vmem>>
        %dma_start3A_374 = tpu.memref_squeeze %dma_start3A_373 : memref<1x128xi32, #tpu.memory_space<vmem>> -> memref<128xi32, #tpu.memory_space<vmem>>
        %dma_start3A_375 = arith.constant 0 : i32
        %dma_start3A_376 = arith.constant 0 : i32
        %dma_start3A_377 = tpu.memref_slice %arg12[%dma_start3A_375, %dma_start3A_376] : memref<10016x16xf32, #tpu.memory_space<vmem_shared>> -> memref<10016x16xf32, #tpu.memory_space<vmem_shared>>
        tpu.enqueue_indirect_dma source(%dma_start3A_371 : memref<128x16xf32, #tpu.memory_space<vmem>>) target(%dma_start3A_377 : memref<10016x16xf32, #tpu.memory_space<vmem_shared>>) offsets(%dma_start3A_374 : memref<128xi32, #tpu.memory_space<vmem>>) semaphore(%arg14 : memref<!tpu.dma_semaphore, #tpu.memory_space<semaphore_mem>>) {add = true}
        %ge3A_378 = arith.constant 4 : i32
        %ge3A_379 = arith.cmpi sge, %add3A_355, %ge3A_378 : i32
        %convert_element_type3A_380 = arith.extui %ge3A_379 : i1 to i32
        %cond3A_381 = arith.constant 0 : i32
        %cond3A_382 = arith.cmpi ne, %convert_element_type3A_380, %cond3A_381 : i32
        scf.if %cond3A_382 {
          %sub3A = arith.constant 4 : i32
          %sub3A_428 = arith.subi %add3A_355, %sub3A : i32
          %dma_wait3A_429 = arith.constant 2 : i32
          %dma_wait3A_430 = arith.constant 0 : i32
          %dma_wait3A_431 = arith.constant 0 : i32
          %dma_wait3A_432 = tpu.memref_slice %arg11[%dma_wait3A_429, %dma_wait3A_430, %dma_wait3A_431] : memref<8x128x16xf32, #tpu.memory_space<vmem>> -> memref<1x128x16xf32, #tpu.memory_space<vmem>>
          %dma_wait3A_433 = tpu.memref_squeeze %dma_wait3A_432 : memref<1x128x16xf32, #tpu.memory_space<vmem>> -> memref<128x16xf32, #tpu.memory_space<vmem>>
          %dma_wait3A_434 = arith.constant 0 : i32
          %dma_wait3A_435 = tpu.memref_slice %arg9[%sub3A_428, %dma_wait3A_434] : memref<48x128xi32, #tpu.memory_space<vmem>> -> memref<1x128xi32, #tpu.memory_space<vmem>>
          %dma_wait3A_436 = tpu.memref_squeeze %dma_wait3A_435 : memref<1x128xi32, #tpu.memory_space<vmem>> -> memref<128xi32, #tpu.memory_space<vmem>>
          %dma_wait3A_437 = arith.constant 0 : i32
          %dma_wait3A_438 = arith.constant 0 : i32
          %dma_wait3A_439 = tpu.memref_slice %arg12[%dma_wait3A_437, %dma_wait3A_438] : memref<10016x16xf32, #tpu.memory_space<vmem_shared>> -> memref<10016x16xf32, #tpu.memory_space<vmem_shared>>
          tpu.wait_indirect_dma semaphore(%arg14 : memref<!tpu.dma_semaphore, #tpu.memory_space<semaphore_mem>>) src(%dma_wait3A_433 : memref<128x16xf32, #tpu.memory_space<vmem>>) dst(%dma_wait3A_439 : memref<10016x16xf32, #tpu.memory_space<vmem_shared>>)
        } else {
        }
        %add3A_383 = arith.constant 4 : i32
        %add3A_384 = arith.addi %add3A_355, %add3A_383 : i32
        %lt3A_385 = arith.constant 48 : i32
        %lt3A_386 = arith.cmpi slt, %add3A_384, %lt3A_385 : i32
        %convert_element_type3A_387 = arith.extui %lt3A_386 : i1 to i32
        %cond3A_388 = arith.constant 0 : i32
        %cond3A_389 = arith.cmpi ne, %convert_element_type3A_387, %cond3A_388 : i32
        scf.if %cond3A_389 {
          %add3A_428 = arith.constant 4 : i32
          %add3A_429 = arith.addi %add3A_355, %add3A_428 : i32
          %dma_start3A_430 = arith.constant 2 : i32
          %dma_start3A_431 = arith.constant 0 : i32
          %dma_start3A_432 = arith.constant 0 : i32
          %dma_start3A_433 = tpu.memref_slice %arg11[%dma_start3A_430, %dma_start3A_431, %dma_start3A_432] : memref<8x128x16xf32, #tpu.memory_space<vmem>> -> memref<1x128x16xf32, #tpu.memory_space<vmem>>
          %dma_start3A_434 = tpu.memref_squeeze %dma_start3A_433 : memref<1x128x16xf32, #tpu.memory_space<vmem>> -> memref<128x16xf32, #tpu.memory_space<vmem>>
          %dma_start3A_435 = arith.constant 0 : i32
          %dma_start3A_436 = tpu.memref_slice %arg10[%add3A_429, %dma_start3A_435] : memref<48x128xi32, #tpu.memory_space<vmem>> -> memref<1x128xi32, #tpu.memory_space<vmem>>
          %dma_start3A_437 = tpu.memref_squeeze %dma_start3A_436 : memref<1x128xi32, #tpu.memory_space<vmem>> -> memref<128xi32, #tpu.memory_space<vmem>>
          %dma_start3A_438 = arith.constant 0 : i32
          %dma_start3A_439 = arith.constant 0 : i32
          %dma_start3A_440 = tpu.memref_slice %arg2[%dma_start3A_438, %dma_start3A_439] : memref<10000x16xf32, #tpu.memory_space<hbm>> -> memref<10000x16xf32, #tpu.memory_space<hbm>>
          tpu.enqueue_indirect_dma source(%dma_start3A_440 : memref<10000x16xf32, #tpu.memory_space<hbm>>) target(%dma_start3A_434 : memref<128x16xf32, #tpu.memory_space<vmem>>) offsets(%dma_start3A_437 : memref<128xi32, #tpu.memory_space<vmem>>) semaphore(%arg13 : memref<!tpu.dma_semaphore, #tpu.memory_space<semaphore_mem>>)
        } else {
        }
        %mul3A_390 = arith.constant 8 : i32
        %mul3A_391 = arith.muli %scan3A_126, %mul3A_390 : i32
        %add3A_392 = arith.constant 7 : i32
        %add3A_393 = arith.addi %mul3A_391, %add3A_392 : i32
        %dma_wait3A_394 = arith.constant 7 : i32
        %dma_wait3A_395 = arith.constant 0 : i32
        %dma_wait3A_396 = arith.constant 0 : i32
        %dma_wait3A_397 = tpu.memref_slice %arg11[%dma_wait3A_394, %dma_wait3A_395, %dma_wait3A_396] : memref<8x128x16xf32, #tpu.memory_space<vmem>> -> memref<1x128x16xf32, #tpu.memory_space<vmem>>
        %dma_wait3A_398 = tpu.memref_squeeze %dma_wait3A_397 : memref<1x128x16xf32, #tpu.memory_space<vmem>> -> memref<128x16xf32, #tpu.memory_space<vmem>>
        %dma_wait3A_399 = arith.constant 0 : i32
        %dma_wait3A_400 = tpu.memref_slice %arg10[%add3A_393, %dma_wait3A_399] : memref<48x128xi32, #tpu.memory_space<vmem>> -> memref<1x128xi32, #tpu.memory_space<vmem>>
        %dma_wait3A_401 = tpu.memref_squeeze %dma_wait3A_400 : memref<1x128xi32, #tpu.memory_space<vmem>> -> memref<128xi32, #tpu.memory_space<vmem>>
        %dma_wait3A_402 = arith.constant 0 : i32
        %dma_wait3A_403 = arith.constant 0 : i32
        %dma_wait3A_404 = tpu.memref_slice %arg2[%dma_wait3A_402, %dma_wait3A_403] : memref<10000x16xf32, #tpu.memory_space<hbm>> -> memref<10000x16xf32, #tpu.memory_space<hbm>>
        tpu.wait_indirect_dma semaphore(%arg13 : memref<!tpu.dma_semaphore, #tpu.memory_space<semaphore_mem>>) src(%dma_wait3A_404 : memref<10000x16xf32, #tpu.memory_space<hbm>>) dst(%dma_wait3A_398 : memref<128x16xf32, #tpu.memory_space<vmem>>)
        %dma_start3A_405 = arith.constant 7 : i32
        %dma_start3A_406 = arith.constant 0 : i32
        %dma_start3A_407 = arith.constant 0 : i32
        %dma_start3A_408 = tpu.memref_slice %arg11[%dma_start3A_405, %dma_start3A_406, %dma_start3A_407] : memref<8x128x16xf32, #tpu.memory_space<vmem>> -> memref<1x128x16xf32, #tpu.memory_space<vmem>>
        %dma_start3A_409 = tpu.memref_squeeze %dma_start3A_408 : memref<1x128x16xf32, #tpu.memory_space<vmem>> -> memref<128x16xf32, #tpu.memory_space<vmem>>
        %dma_start3A_410 = arith.constant 0 : i32
        %dma_start3A_411 = tpu.memref_slice %arg9[%add3A_393, %dma_start3A_410] : memref<48x128xi32, #tpu.memory_space<vmem>> -> memref<1x128xi32, #tpu.memory_space<vmem>>
        %dma_start3A_412 = tpu.memref_squeeze %dma_start3A_411 : memref<1x128xi32, #tpu.memory_space<vmem>> -> memref<128xi32, #tpu.memory_space<vmem>>
        %dma_start3A_413 = arith.constant 0 : i32
        %dma_start3A_414 = arith.constant 0 : i32
        %dma_start3A_415 = tpu.memref_slice %arg12[%dma_start3A_413, %dma_start3A_414] : memref<10016x16xf32, #tpu.memory_space<vmem_shared>> -> memref<10016x16xf32, #tpu.memory_space<vmem_shared>>
        tpu.enqueue_indirect_dma source(%dma_start3A_409 : memref<128x16xf32, #tpu.memory_space<vmem>>) target(%dma_start3A_415 : memref<10016x16xf32, #tpu.memory_space<vmem_shared>>) offsets(%dma_start3A_412 : memref<128xi32, #tpu.memory_space<vmem>>) semaphore(%arg14 : memref<!tpu.dma_semaphore, #tpu.memory_space<semaphore_mem>>) {add = true}
        %ge3A_416 = arith.constant 4 : i32
        %ge3A_417 = arith.cmpi sge, %add3A_393, %ge3A_416 : i32
        %convert_element_type3A_418 = arith.extui %ge3A_417 : i1 to i32
        %cond3A_419 = arith.constant 0 : i32
        %cond3A_420 = arith.cmpi ne, %convert_element_type3A_418, %cond3A_419 : i32
        scf.if %cond3A_420 {
          %sub3A = arith.constant 4 : i32
          %sub3A_428 = arith.subi %add3A_393, %sub3A : i32
          %dma_wait3A_429 = arith.constant 3 : i32
          %dma_wait3A_430 = arith.constant 0 : i32
          %dma_wait3A_431 = arith.constant 0 : i32
          %dma_wait3A_432 = tpu.memref_slice %arg11[%dma_wait3A_429, %dma_wait3A_430, %dma_wait3A_431] : memref<8x128x16xf32, #tpu.memory_space<vmem>> -> memref<1x128x16xf32, #tpu.memory_space<vmem>>
          %dma_wait3A_433 = tpu.memref_squeeze %dma_wait3A_432 : memref<1x128x16xf32, #tpu.memory_space<vmem>> -> memref<128x16xf32, #tpu.memory_space<vmem>>
          %dma_wait3A_434 = arith.constant 0 : i32
          %dma_wait3A_435 = tpu.memref_slice %arg9[%sub3A_428, %dma_wait3A_434] : memref<48x128xi32, #tpu.memory_space<vmem>> -> memref<1x128xi32, #tpu.memory_space<vmem>>
          %dma_wait3A_436 = tpu.memref_squeeze %dma_wait3A_435 : memref<1x128xi32, #tpu.memory_space<vmem>> -> memref<128xi32, #tpu.memory_space<vmem>>
          %dma_wait3A_437 = arith.constant 0 : i32
          %dma_wait3A_438 = arith.constant 0 : i32
          %dma_wait3A_439 = tpu.memref_slice %arg12[%dma_wait3A_437, %dma_wait3A_438] : memref<10016x16xf32, #tpu.memory_space<vmem_shared>> -> memref<10016x16xf32, #tpu.memory_space<vmem_shared>>
          tpu.wait_indirect_dma semaphore(%arg14 : memref<!tpu.dma_semaphore, #tpu.memory_space<semaphore_mem>>) src(%dma_wait3A_433 : memref<128x16xf32, #tpu.memory_space<vmem>>) dst(%dma_wait3A_439 : memref<10016x16xf32, #tpu.memory_space<vmem_shared>>)
        } else {
        }
        %add3A_421 = arith.constant 4 : i32
        %add3A_422 = arith.addi %add3A_393, %add3A_421 : i32
        %lt3A_423 = arith.constant 48 : i32
        %lt3A_424 = arith.cmpi slt, %add3A_422, %lt3A_423 : i32
        %convert_element_type3A_425 = arith.extui %lt3A_424 : i1 to i32
        %cond3A_426 = arith.constant 0 : i32
        %cond3A_427 = arith.cmpi ne, %convert_element_type3A_425, %cond3A_426 : i32
        scf.if %cond3A_427 {
          %add3A_428 = arith.constant 4 : i32
          %add3A_429 = arith.addi %add3A_393, %add3A_428 : i32
          %dma_start3A_430 = arith.constant 3 : i32
          %dma_start3A_431 = arith.constant 0 : i32
          %dma_start3A_432 = arith.constant 0 : i32
          %dma_start3A_433 = tpu.memref_slice %arg11[%dma_start3A_430, %dma_start3A_431, %dma_start3A_432] : memref<8x128x16xf32, #tpu.memory_space<vmem>> -> memref<1x128x16xf32, #tpu.memory_space<vmem>>
          %dma_start3A_434 = tpu.memref_squeeze %dma_start3A_433 : memref<1x128x16xf32, #tpu.memory_space<vmem>> -> memref<128x16xf32, #tpu.memory_space<vmem>>
          %dma_start3A_435 = arith.constant 0 : i32
          %dma_start3A_436 = tpu.memref_slice %arg10[%add3A_429, %dma_start3A_435] : memref<48x128xi32, #tpu.memory_space<vmem>> -> memref<1x128xi32, #tpu.memory_space<vmem>>
          %dma_start3A_437 = tpu.memref_squeeze %dma_start3A_436 : memref<1x128xi32, #tpu.memory_space<vmem>> -> memref<128xi32, #tpu.memory_space<vmem>>
          %dma_start3A_438 = arith.constant 0 : i32
          %dma_start3A_439 = arith.constant 0 : i32
          %dma_start3A_440 = tpu.memref_slice %arg2[%dma_start3A_438, %dma_start3A_439] : memref<10000x16xf32, #tpu.memory_space<hbm>> -> memref<10000x16xf32, #tpu.memory_space<hbm>>
          tpu.enqueue_indirect_dma source(%dma_start3A_440 : memref<10000x16xf32, #tpu.memory_space<hbm>>) target(%dma_start3A_434 : memref<128x16xf32, #tpu.memory_space<vmem>>) offsets(%dma_start3A_437 : memref<128xi32, #tpu.memory_space<vmem>>) semaphore(%arg13 : memref<!tpu.dma_semaphore, #tpu.memory_space<semaphore_mem>>)
        } else {
        }
      }
      %scan3A_78 = arith.constant 6 : i32
      %dma_wait3A = arith.constant 4 : i32
      %dma_wait3A_79 = arith.constant 44 : i32
      %dma_wait3A_80 = arith.constant 0 : i32
      %dma_wait3A_81 = arith.constant 0 : i32
      %dma_wait3A_82 = tpu.memref_slice %arg11[%dma_wait3A, %dma_wait3A_80, %dma_wait3A_81] : memref<8x128x16xf32, #tpu.memory_space<vmem>> -> memref<1x128x16xf32, #tpu.memory_space<vmem>>
      %dma_wait3A_83 = tpu.memref_squeeze %dma_wait3A_82 : memref<1x128x16xf32, #tpu.memory_space<vmem>> -> memref<128x16xf32, #tpu.memory_space<vmem>>
      %dma_wait3A_84 = arith.constant 0 : i32
      %dma_wait3A_85 = tpu.memref_slice %arg9[%dma_wait3A_79, %dma_wait3A_84] : memref<48x128xi32, #tpu.memory_space<vmem>> -> memref<1x128xi32, #tpu.memory_space<vmem>>
      %dma_wait3A_86 = tpu.memref_squeeze %dma_wait3A_85 : memref<1x128xi32, #tpu.memory_space<vmem>> -> memref<128xi32, #tpu.memory_space<vmem>>
      %dma_wait3A_87 = arith.constant 0 : i32
      %dma_wait3A_88 = arith.constant 0 : i32
      %dma_wait3A_89 = tpu.memref_slice %arg12[%dma_wait3A_87, %dma_wait3A_88] : memref<10016x16xf32, #tpu.memory_space<vmem_shared>> -> memref<10016x16xf32, #tpu.memory_space<vmem_shared>>
      tpu.wait_indirect_dma semaphore(%arg14 : memref<!tpu.dma_semaphore, #tpu.memory_space<semaphore_mem>>) src(%dma_wait3A_83 : memref<128x16xf32, #tpu.memory_space<vmem>>) dst(%dma_wait3A_89 : memref<10016x16xf32, #tpu.memory_space<vmem_shared>>)
      %dma_wait3A_90 = arith.constant 5 : i32
      %dma_wait3A_91 = arith.constant 45 : i32
      %dma_wait3A_92 = arith.constant 0 : i32
      %dma_wait3A_93 = arith.constant 0 : i32
      %dma_wait3A_94 = tpu.memref_slice %arg11[%dma_wait3A_90, %dma_wait3A_92, %dma_wait3A_93] : memref<8x128x16xf32, #tpu.memory_space<vmem>> -> memref<1x128x16xf32, #tpu.memory_space<vmem>>
      %dma_wait3A_95 = tpu.memref_squeeze %dma_wait3A_94 : memref<1x128x16xf32, #tpu.memory_space<vmem>> -> memref<128x16xf32, #tpu.memory_space<vmem>>
      %dma_wait3A_96 = arith.constant 0 : i32
      %dma_wait3A_97 = tpu.memref_slice %arg9[%dma_wait3A_91, %dma_wait3A_96] : memref<48x128xi32, #tpu.memory_space<vmem>> -> memref<1x128xi32, #tpu.memory_space<vmem>>
      %dma_wait3A_98 = tpu.memref_squeeze %dma_wait3A_97 : memref<1x128xi32, #tpu.memory_space<vmem>> -> memref<128xi32, #tpu.memory_space<vmem>>
      %dma_wait3A_99 = arith.constant 0 : i32
      %dma_wait3A_100 = arith.constant 0 : i32
      %dma_wait3A_101 = tpu.memref_slice %arg12[%dma_wait3A_99, %dma_wait3A_100] : memref<10016x16xf32, #tpu.memory_space<vmem_shared>> -> memref<10016x16xf32, #tpu.memory_space<vmem_shared>>
      tpu.wait_indirect_dma semaphore(%arg14 : memref<!tpu.dma_semaphore, #tpu.memory_space<semaphore_mem>>) src(%dma_wait3A_95 : memref<128x16xf32, #tpu.memory_space<vmem>>) dst(%dma_wait3A_101 : memref<10016x16xf32, #tpu.memory_space<vmem_shared>>)
      %dma_wait3A_102 = arith.constant 6 : i32
      %dma_wait3A_103 = arith.constant 46 : i32
      %dma_wait3A_104 = arith.constant 0 : i32
      %dma_wait3A_105 = arith.constant 0 : i32
      %dma_wait3A_106 = tpu.memref_slice %arg11[%dma_wait3A_102, %dma_wait3A_104, %dma_wait3A_105] : memref<8x128x16xf32, #tpu.memory_space<vmem>> -> memref<1x128x16xf32, #tpu.memory_space<vmem>>
      %dma_wait3A_107 = tpu.memref_squeeze %dma_wait3A_106 : memref<1x128x16xf32, #tpu.memory_space<vmem>> -> memref<128x16xf32, #tpu.memory_space<vmem>>
      %dma_wait3A_108 = arith.constant 0 : i32
      %dma_wait3A_109 = tpu.memref_slice %arg9[%dma_wait3A_103, %dma_wait3A_108] : memref<48x128xi32, #tpu.memory_space<vmem>> -> memref<1x128xi32, #tpu.memory_space<vmem>>
      %dma_wait3A_110 = tpu.memref_squeeze %dma_wait3A_109 : memref<1x128xi32, #tpu.memory_space<vmem>> -> memref<128xi32, #tpu.memory_space<vmem>>
      %dma_wait3A_111 = arith.constant 0 : i32
      %dma_wait3A_112 = arith.constant 0 : i32
      %dma_wait3A_113 = tpu.memref_slice %arg12[%dma_wait3A_111, %dma_wait3A_112] : memref<10016x16xf32, #tpu.memory_space<vmem_shared>> -> memref<10016x16xf32, #tpu.memory_space<vmem_shared>>
      tpu.wait_indirect_dma semaphore(%arg14 : memref<!tpu.dma_semaphore, #tpu.memory_space<semaphore_mem>>) src(%dma_wait3A_107 : memref<128x16xf32, #tpu.memory_space<vmem>>) dst(%dma_wait3A_113 : memref<10016x16xf32, #tpu.memory_space<vmem_shared>>)
      %dma_wait3A_114 = arith.constant 7 : i32
      %dma_wait3A_115 = arith.constant 47 : i32
      %dma_wait3A_116 = arith.constant 0 : i32
      %dma_wait3A_117 = arith.constant 0 : i32
      %dma_wait3A_118 = tpu.memref_slice %arg11[%dma_wait3A_114, %dma_wait3A_116, %dma_wait3A_117] : memref<8x128x16xf32, #tpu.memory_space<vmem>> -> memref<1x128x16xf32, #tpu.memory_space<vmem>>
      %dma_wait3A_119 = tpu.memref_squeeze %dma_wait3A_118 : memref<1x128x16xf32, #tpu.memory_space<vmem>> -> memref<128x16xf32, #tpu.memory_space<vmem>>
      %dma_wait3A_120 = arith.constant 0 : i32
      %dma_wait3A_121 = tpu.memref_slice %arg9[%dma_wait3A_115, %dma_wait3A_120] : memref<48x128xi32, #tpu.memory_space<vmem>> -> memref<1x128xi32, #tpu.memory_space<vmem>>
      %dma_wait3A_122 = tpu.memref_squeeze %dma_wait3A_121 : memref<1x128xi32, #tpu.memory_space<vmem>> -> memref<128xi32, #tpu.memory_space<vmem>>
      %dma_wait3A_123 = arith.constant 0 : i32
      %dma_wait3A_124 = arith.constant 0 : i32
      %dma_wait3A_125 = tpu.memref_slice %arg12[%dma_wait3A_123, %dma_wait3A_124] : memref<10016x16xf32, #tpu.memory_space<vmem_shared>> -> memref<10016x16xf32, #tpu.memory_space<vmem_shared>>
      tpu.wait_indirect_dma semaphore(%arg14 : memref<!tpu.dma_semaphore, #tpu.memory_space<semaphore_mem>>) src(%dma_wait3A_119 : memref<128x16xf32, #tpu.memory_space<vmem>>) dst(%dma_wait3A_125 : memref<10016x16xf32, #tpu.memory_space<vmem_shared>>)
    } else {
    }
    %barrier3A_16 = arith.constant 0 : index
    tpu.barrier barrier_id(%barrier3A_16)
    %lt3A_17 = arith.constant 15 : i32
    %lt3A_18 = arith.cmpi slt, %arg1, %lt3A_17 : i32
    %convert_element_type3A_19 = arith.extui %lt3A_18 : i1 to i32
    %cond3A_20 = arith.constant 0 : i32
    %cond3A_21 = arith.cmpi ne, %convert_element_type3A_19, %cond3A_20 : i32
    scf.if %cond3A_21 {
      %mul3A = arith.constant 624 : i32
      %mul3A_27 = arith.muli %arg1, %mul3A : i32
      %mul3A_28 = arith.constant 10000 : i32
      %mul3A_29 = arith.muli %arg0, %mul3A_28 : i32
      %mul3A_30 = arith.constant 624 : i32
      %mul3A_31 = arith.muli %arg1, %mul3A_30 : i32
      %add3A = arith.addi %mul3A_29, %mul3A_31 : i32
      "tpu.region"() ({
        %run_scoped3A = tpu.sem_alloc : memref<!tpu.dma_semaphore, #tpu.memory_space<semaphore_mem>>
        %dma_start3A = arith.constant 0 : i32
        %dma_start3A_32 = tpu.memref_slice %arg8[%add3A, %dma_start3A] : memref<20000x16xf32, #tpu.memory_space<hbm>> -> memref<624x16xf32, #tpu.memory_space<hbm>>
        %dma_start3A_33 = arith.constant 0 : i32
        %dma_start3A_34 = tpu.memref_slice %arg12[%mul3A_27, %dma_start3A_33] : memref<10016x16xf32, #tpu.memory_space<vmem_shared>> -> memref<624x16xf32, #tpu.memory_space<vmem_shared>>
        tpu.enqueue_dma source(%dma_start3A_34 : memref<624x16xf32, #tpu.memory_space<vmem_shared>>) target(%dma_start3A_32 : memref<624x16xf32, #tpu.memory_space<hbm>>) target_semaphore(%run_scoped3A : memref<!tpu.dma_semaphore, #tpu.memory_space<semaphore_mem>>)
        %dma_wait3A = arith.constant 0 : i32
        %dma_wait3A_35 = tpu.memref_slice %arg8[%add3A, %dma_wait3A] : memref<20000x16xf32, #tpu.memory_space<hbm>> -> memref<624x16xf32, #tpu.memory_space<hbm>>
        %dma_wait3A_36 = arith.constant 0 : i32
        %dma_wait3A_37 = tpu.memref_slice %arg12[%mul3A_27, %dma_wait3A_36] : memref<10016x16xf32, #tpu.memory_space<vmem_shared>> -> memref<624x16xf32, #tpu.memory_space<vmem_shared>>
        tpu.wait_dma2 semaphore(%run_scoped3A : memref<!tpu.dma_semaphore, #tpu.memory_space<semaphore_mem>>) src(%dma_wait3A_37 : memref<624x16xf32, #tpu.memory_space<vmem_shared>>) dst(%dma_wait3A_35 : memref<624x16xf32, #tpu.memory_space<hbm>>)
        tpu.yield
      }) : () -> ()
    } else {
    }
    %eq3A_22 = arith.constant 15 : i32
    %eq3A_23 = arith.cmpi eq, %arg1, %eq3A_22 : i32
    %convert_element_type3A_24 = arith.extui %eq3A_23 : i1 to i32
    %cond3A_25 = arith.constant 0 : i32
    %cond3A_26 = arith.cmpi ne, %convert_element_type3A_24, %cond3A_25 : i32
    scf.if %cond3A_26 {
      %mul3A = arith.constant 10000 : i32
      %mul3A_27 = arith.muli %arg0, %mul3A : i32
      %add3A = arith.constant 9360 : i32
      %add3A_28 = arith.addi %mul3A_27, %add3A : i32
      "tpu.region"() ({
        %run_scoped3A = tpu.sem_alloc : memref<!tpu.dma_semaphore, #tpu.memory_space<semaphore_mem>>
        %dma_start3A = arith.constant 0 : i32
        %dma_start3A_29 = tpu.memref_slice %arg8[%add3A_28, %dma_start3A] : memref<20000x16xf32, #tpu.memory_space<hbm>> -> memref<640x16xf32, #tpu.memory_space<hbm>>
        %dma_start3A_30 = arith.constant 9360 : i32
        %dma_start3A_31 = arith.constant 0 : i32
        %dma_start3A_32 = tpu.memref_slice %arg12[%dma_start3A_30, %dma_start3A_31] : memref<10016x16xf32, #tpu.memory_space<vmem_shared>> -> memref<640x16xf32, #tpu.memory_space<vmem_shared>>
        tpu.enqueue_dma source(%dma_start3A_32 : memref<640x16xf32, #tpu.memory_space<vmem_shared>>) target(%dma_start3A_29 : memref<640x16xf32, #tpu.memory_space<hbm>>) target_semaphore(%run_scoped3A : memref<!tpu.dma_semaphore, #tpu.memory_space<semaphore_mem>>)
        %dma_wait3A = arith.constant 0 : i32
        %dma_wait3A_33 = tpu.memref_slice %arg8[%add3A_28, %dma_wait3A] : memref<20000x16xf32, #tpu.memory_space<hbm>> -> memref<640x16xf32, #tpu.memory_space<hbm>>
        %dma_wait3A_34 = arith.constant 9360 : i32
        %dma_wait3A_35 = arith.constant 0 : i32
        %dma_wait3A_36 = tpu.memref_slice %arg12[%dma_wait3A_34, %dma_wait3A_35] : memref<10016x16xf32, #tpu.memory_space<vmem_shared>> -> memref<640x16xf32, #tpu.memory_space<vmem_shared>>
        tpu.wait_dma2 semaphore(%run_scoped3A : memref<!tpu.dma_semaphore, #tpu.memory_space<semaphore_mem>>) src(%dma_wait3A_36 : memref<640x16xf32, #tpu.memory_space<vmem_shared>>) dst(%dma_wait3A_33 : memref<640x16xf32, #tpu.memory_space<hbm>>)
        tpu.yield
      }) : () -> ()
    } else {
    }
    return
  }
}

module attributes {stable_mosaic.version = 14 : i64} {
  func.func @_pool_body(%arg0: i32, %arg1: memref<1x8x1250x128xf32, #tpu.memory_space<vmem>>, %arg2: memref<1x8x16x128xf32, #tpu.memory_space<vmem>>, %arg3: memref<1x8x1250x16xf32, #tpu.memory_space<vmem>>, %arg4: memref<1x8x16x1250xf32, #tpu.memory_space<vmem>>) attributes {dimension_semantics = [#tpu.dimension_semantics<arbitrary>], iteration_bounds = array<i64: 1>, scalar_prefetch = 0 : i64, scratch_operands = 0 : i64, tpu.core_type = #tpu.core_type<tc>, window_params = [{transform_indices = @transform_0, window_bounds = array<i64: 1, 8, 1250, 128>}, {transform_indices = @transform_1, window_bounds = array<i64: 1, 8, 16, 128>}, {transform_indices = @transform_2, window_bounds = array<i64: 1, 8, 1250, 16>}, {transform_indices = @transform_3, window_bounds = array<i64: 1, 8, 16, 1250>}]} {
    %get3A = arith.constant 0 : index
    %get3A_0 = arith.constant 0 : index
    %get3A_1 = arith.constant 0 : index
    %get3A_2 = arith.constant 0 : index
    %get3A_3 = vector.load %arg1[%get3A, %get3A_0, %get3A_1, %get3A_2] : memref<1x8x1250x128xf32, #tpu.memory_space<vmem>>, vector<1x8x1250x128xf32>
    %get3A_4 = vector.shape_cast %get3A_3 : vector<1x8x1250x128xf32> to vector<8x1250x128xf32>
    %slice3A = vector.extract_strided_slice %get3A_4 {offsets = [0, 0, 0], sizes = [8, 1250, 3], strides = [1, 1, 1]} : vector<8x1250x128xf32> to vector<8x1250x3xf32>
    %transpose3A = tpu.transpose %slice3A, [0, 2, 1] : vector<8x1250x3xf32> -> vector<8x3x1250xf32>
    %slice3A_5 = vector.extract_strided_slice %get3A_4 {offsets = [0, 0, 0], sizes = [8, 16, 3], strides = [1, 1, 1]} : vector<8x1250x128xf32> to vector<8x16x3xf32>
    %iota3A = tpu.iota {dimensions = array<i32: 1>} : vector<8x16x1250xi32>
    %scan3A = arith.constant 0 : i32
    %scan3A_6 = arith.constant 20 : i32
    %scan3A_7 = arith.addi %scan3A, %scan3A_6 : i32
    %scan3A_8 = arith.constant 1 : i32
    %scan3A_9 = scf.for %scan3A_58 = %scan3A to %scan3A_7 step %scan3A_8 iter_args(%scan3A_59 = %slice3A_5) -> (vector<8x16x3xf32>)  : i32 {
      %slice3A_60 = vector.extract_strided_slice %transpose3A {offsets = [0, 0, 0], sizes = [8, 1, 1250], strides = [1, 1, 1]} : vector<8x3x1250xf32> to vector<8x1x1250xf32>
      %slice3A_61 = vector.extract_strided_slice %scan3A_59 {offsets = [0, 0, 0], sizes = [8, 16, 1], strides = [1, 1, 1]} : vector<8x16x3xf32> to vector<8x16x1xf32>
      %sub3A_62 = vector.broadcast %slice3A_60 : vector<8x1x1250xf32> to vector<8x16x1250xf32>
      %sub3A_63 = vector.broadcast %slice3A_61 : vector<8x16x1xf32> to vector<8x16x1250xf32>
      %sub3A_64 = arith.subf %sub3A_62, %sub3A_63 : vector<8x16x1250xf32>
      %mul3A_65 = arith.mulf %sub3A_64, %sub3A_64 : vector<8x16x1250xf32>
      %slice3A_66 = vector.extract_strided_slice %transpose3A {offsets = [0, 1, 0], sizes = [8, 1, 1250], strides = [1, 1, 1]} : vector<8x3x1250xf32> to vector<8x1x1250xf32>
      %slice3A_67 = vector.extract_strided_slice %scan3A_59 {offsets = [0, 0, 1], sizes = [8, 16, 1], strides = [1, 1, 1]} : vector<8x16x3xf32> to vector<8x16x1xf32>
      %sub3A_68 = vector.broadcast %slice3A_66 : vector<8x1x1250xf32> to vector<8x16x1250xf32>
      %sub3A_69 = vector.broadcast %slice3A_67 : vector<8x16x1xf32> to vector<8x16x1250xf32>
      %sub3A_70 = arith.subf %sub3A_68, %sub3A_69 : vector<8x16x1250xf32>
      %mul3A_71 = arith.mulf %sub3A_70, %sub3A_70 : vector<8x16x1250xf32>
      %add3A_72 = arith.addf %mul3A_65, %mul3A_71 : vector<8x16x1250xf32>
      %slice3A_73 = vector.extract_strided_slice %transpose3A {offsets = [0, 2, 0], sizes = [8, 1, 1250], strides = [1, 1, 1]} : vector<8x3x1250xf32> to vector<8x1x1250xf32>
      %slice3A_74 = vector.extract_strided_slice %scan3A_59 {offsets = [0, 0, 2], sizes = [8, 16, 1], strides = [1, 1, 1]} : vector<8x16x3xf32> to vector<8x16x1xf32>
      %sub3A_75 = vector.broadcast %slice3A_73 : vector<8x1x1250xf32> to vector<8x16x1250xf32>
      %sub3A_76 = vector.broadcast %slice3A_74 : vector<8x16x1xf32> to vector<8x16x1250xf32>
      %sub3A_77 = arith.subf %sub3A_75, %sub3A_76 : vector<8x16x1250xf32>
      %mul3A_78 = arith.mulf %sub3A_77, %sub3A_77 : vector<8x16x1250xf32>
      %add3A_79 = arith.addf %add3A_72, %mul3A_78 : vector<8x16x1250xf32>
      %reduce_min3A = arith.constant dense<0x7F800000> : vector<8x1250xf32>
      %reduce_min3A_80 = vector.multi_reduction <minimumf>, %add3A_79, %reduce_min3A [1] : vector<8x16x1250xf32> to vector<8x1250xf32>
      %broadcast_in_dim3A_81 = vector.shape_cast %reduce_min3A_80 : vector<8x1250xf32> to vector<8x1x1250xf32>
      %eq3A = vector.broadcast %broadcast_in_dim3A_81 : vector<8x1x1250xf32> to vector<8x16x1250xf32>
      %eq3A_82 = arith.cmpf oeq, %add3A_79, %eq3A : vector<8x16x1250xf32>
      %jit3A = arith.constant 16 : i32
      %broadcast_in_dim3A_83 = vector.broadcast %jit3A : i32 to vector<8x16x1250xi32>
      %select_n3A = arith.select %eq3A_82, %iota3A, %broadcast_in_dim3A_83 : vector<8x16x1250xi1>, vector<8x16x1250xi32>
      %reduce_min3A_84 = arith.constant dense<2147483647> : vector<8x1250xi32>
      %reduce_min3A_85 = vector.multi_reduction <minsi>, %select_n3A, %reduce_min3A_84 [1] : vector<8x16x1250xi32> to vector<8x1250xi32>
      %broadcast_in_dim3A_86 = vector.shape_cast %reduce_min3A_85 : vector<8x1250xi32> to vector<8x1x1250xi32>
      %eq3A_87 = vector.broadcast %broadcast_in_dim3A_86 : vector<8x1x1250xi32> to vector<8x16x1250xi32>
      %eq3A_88 = arith.cmpi eq, %iota3A, %eq3A_87 : vector<8x16x1250xi32>
      %convert_element_type3A = arith.extui %eq3A_88 : vector<8x16x1250xi1> to vector<8x16x1250xi32>
      %convert_element_type3A_89 = arith.sitofp %convert_element_type3A : vector<8x16x1250xi32> to vector<8x16x1250xf32>
      %dot_general3A_90 = arith.constant dense<0.000000e+00> : vector<8x16x3xf32>
      %dot_general3A_91 = tpu.matmul %convert_element_type3A_89, %transpose3A, %dot_general3A_90 {dimension_numbers = #tpu.dot_dimension_numbers<[2], [2], [1], [1], [0, 0, 0, 1, 1, 1], [0], [0]>, precision = #tpu.contract_precision<fp32>, transpose_lhs_hint = false} : vector<8x16x1250xf32>, vector<8x3x1250xf32>, vector<8x16x3xf32> -> vector<8x16x3xf32>
      %reduce_sum3A_92 = arith.constant dense<0.000000e+00> : vector<8x16xf32>
      %reduce_sum3A_93 = vector.multi_reduction <add>, %convert_element_type3A_89, %reduce_sum3A_92 [2] : vector<8x16x1250xf32> to vector<8x16xf32>
      %broadcast_in_dim3A_94 = vector.shape_cast %reduce_sum3A_93 : vector<8x16xf32> to vector<8x16x1xf32>
      %max3A = arith.constant 1.000000e+00 : f32
      %max3A_95 = vector.broadcast %max3A : f32 to vector<8x16x1xf32>
      %max3A_96 = arith.maximumf %broadcast_in_dim3A_94, %max3A_95 : vector<8x16x1xf32>
      %div3A_97 = vector.broadcast %max3A_96 : vector<8x16x1xf32> to vector<8x16x3xf32>
      %div3A_98 = arith.divf %dot_general3A_91, %div3A_97 : vector<8x16x3xf32>
      %gt3A = arith.constant 0.000000e+00 : f32
      %gt3A_99 = vector.broadcast %gt3A : f32 to vector<8x16x1xf32>
      %gt3A_100 = arith.cmpf ogt, %broadcast_in_dim3A_94, %gt3A_99 : vector<8x16x1xf32>
      %broadcast_in_dim3A_101 = vector.shape_cast %gt3A_100 : vector<8x16x1xi1> to vector<8x16x1xi1>
      %broadcast_in_dim3A_102 = vector.broadcast %broadcast_in_dim3A_101 : vector<8x16x1xi1> to vector<8x16x3xi1>
      %select_n3A_103 = arith.select %broadcast_in_dim3A_102, %div3A_98, %scan3A_59 : vector<8x16x3xi1>, vector<8x16x3xf32>
      scf.yield %select_n3A_103 : vector<8x16x3xf32>
    }
    %slice3A_10 = vector.extract_strided_slice %transpose3A {offsets = [0, 0, 0], sizes = [8, 1, 1250], strides = [1, 1, 1]} : vector<8x3x1250xf32> to vector<8x1x1250xf32>
    %slice3A_11 = vector.extract_strided_slice %scan3A_9 {offsets = [0, 0, 0], sizes = [8, 16, 1], strides = [1, 1, 1]} : vector<8x16x3xf32> to vector<8x16x1xf32>
    %sub3A = vector.broadcast %slice3A_10 : vector<8x1x1250xf32> to vector<8x16x1250xf32>
    %sub3A_12 = vector.broadcast %slice3A_11 : vector<8x16x1xf32> to vector<8x16x1250xf32>
    %sub3A_13 = arith.subf %sub3A, %sub3A_12 : vector<8x16x1250xf32>
    %mul3A = arith.mulf %sub3A_13, %sub3A_13 : vector<8x16x1250xf32>
    %slice3A_14 = vector.extract_strided_slice %transpose3A {offsets = [0, 1, 0], sizes = [8, 1, 1250], strides = [1, 1, 1]} : vector<8x3x1250xf32> to vector<8x1x1250xf32>
    %slice3A_15 = vector.extract_strided_slice %scan3A_9 {offsets = [0, 0, 1], sizes = [8, 16, 1], strides = [1, 1, 1]} : vector<8x16x3xf32> to vector<8x16x1xf32>
    %sub3A_16 = vector.broadcast %slice3A_14 : vector<8x1x1250xf32> to vector<8x16x1250xf32>
    %sub3A_17 = vector.broadcast %slice3A_15 : vector<8x16x1xf32> to vector<8x16x1250xf32>
    %sub3A_18 = arith.subf %sub3A_16, %sub3A_17 : vector<8x16x1250xf32>
    %mul3A_19 = arith.mulf %sub3A_18, %sub3A_18 : vector<8x16x1250xf32>
    %add3A = arith.addf %mul3A, %mul3A_19 : vector<8x16x1250xf32>
    %slice3A_20 = vector.extract_strided_slice %transpose3A {offsets = [0, 2, 0], sizes = [8, 1, 1250], strides = [1, 1, 1]} : vector<8x3x1250xf32> to vector<8x1x1250xf32>
    %slice3A_21 = vector.extract_strided_slice %scan3A_9 {offsets = [0, 0, 2], sizes = [8, 16, 1], strides = [1, 1, 1]} : vector<8x16x3xf32> to vector<8x16x1xf32>
    %sub3A_22 = vector.broadcast %slice3A_20 : vector<8x1x1250xf32> to vector<8x16x1250xf32>
    %sub3A_23 = vector.broadcast %slice3A_21 : vector<8x16x1xf32> to vector<8x16x1250xf32>
    %sub3A_24 = arith.subf %sub3A_22, %sub3A_23 : vector<8x16x1250xf32>
    %mul3A_25 = arith.mulf %sub3A_24, %sub3A_24 : vector<8x16x1250xf32>
    %add3A_26 = arith.addf %add3A, %mul3A_25 : vector<8x16x1250xf32>
    %neg3A = arith.constant 0.000000e+00 : f32
    %neg3A_27 = vector.broadcast %neg3A : f32 to vector<8x16x1250xf32>
    %neg3A_28 = arith.subf %neg3A_27, %add3A_26 : vector<8x16x1250xf32>
    %reduce_max3A = arith.constant dense<0xFF800000> : vector<8x1250xf32>
    %reduce_max3A_29 = vector.multi_reduction <maximumf>, %neg3A_28, %reduce_max3A [1] : vector<8x16x1250xf32> to vector<8x1250xf32>
    %broadcast_in_dim3A = vector.shape_cast %reduce_max3A_29 : vector<8x1250xf32> to vector<8x1x1250xf32>
    %sub3A_30 = vector.broadcast %broadcast_in_dim3A : vector<8x1x1250xf32> to vector<8x16x1250xf32>
    %sub3A_31 = arith.subf %neg3A_28, %sub3A_30 : vector<8x16x1250xf32>
    %exp3A = math.exp %sub3A_31 : vector<8x16x1250xf32>
    %reduce_sum3A = arith.constant dense<0.000000e+00> : vector<8x1250xf32>
    %reduce_sum3A_32 = vector.multi_reduction <add>, %exp3A, %reduce_sum3A [1] : vector<8x16x1250xf32> to vector<8x1250xf32>
    %broadcast_in_dim3A_33 = vector.shape_cast %reduce_sum3A_32 : vector<8x1250xf32> to vector<8x1x1250xf32>
    %div3A = vector.broadcast %broadcast_in_dim3A_33 : vector<8x1x1250xf32> to vector<8x16x1250xf32>
    %div3A_34 = arith.divf %exp3A, %div3A : vector<8x16x1250xf32>
    %slice3A_35 = vector.extract_strided_slice %get3A_4 {offsets = [0, 0, 3], sizes = [8, 1250, 125], strides = [1, 1, 1]} : vector<8x1250x128xf32> to vector<8x1250x125xf32>
    %dot_general3A = arith.constant dense<0.000000e+00> : vector<8x16x125xf32>
    %dot_general3A_36 = tpu.matmul %div3A_34, %slice3A_35, %dot_general3A {dimension_numbers = #tpu.dot_dimension_numbers<[2], [1], [1], [2], [0, 0, 0, 1, 1, 2], [0], [0]>, precision = #tpu.contract_precision<fp32>, transpose_lhs_hint = false} : vector<8x16x1250xf32>, vector<8x1250x125xf32>, vector<8x16x125xf32> -> vector<8x16x125xf32>
    %concatenate3A = tpu.concatenate %scan3A_9, %dot_general3A_36 in 2 : vector<8x16x3xf32>, vector<8x16x125xf32> -> vector<8x16x128xf32>
    %swap3A = arith.constant 0 : index
    %swap3A_37 = arith.constant 0 : index
    %swap3A_38 = arith.constant 0 : index
    %swap3A_39 = arith.constant 0 : index
    %swap3A_40 = vector.load %arg2[%swap3A, %swap3A_37, %swap3A_38, %swap3A_39] : memref<1x8x16x128xf32, #tpu.memory_space<vmem>>, vector<1x8x16x128xf32>
    %swap3A_41 = vector.shape_cast %swap3A_40 : vector<1x8x16x128xf32> to vector<8x16x128xf32>
    %swap3A_42 = vector.shape_cast %concatenate3A : vector<8x16x128xf32> to vector<1x8x16x128xf32>
    tpu.vector_store %arg2[%swap3A, %swap3A_37, %swap3A_38, %swap3A_39], %swap3A_42 {strides = array<i32>} : memref<1x8x16x128xf32, #tpu.memory_space<vmem>>, vector<1x8x16x128xf32>,
    %swap3A_43 = arith.constant 0 : index
    %swap3A_44 = arith.constant 0 : index
    %swap3A_45 = arith.constant 0 : index
    %swap3A_46 = arith.constant 0 : index
    %swap3A_47 = vector.load %arg4[%swap3A_43, %swap3A_44, %swap3A_45, %swap3A_46] : memref<1x8x16x1250xf32, #tpu.memory_space<vmem>>, vector<1x8x16x1250xf32>
    %swap3A_48 = vector.shape_cast %swap3A_47 : vector<1x8x16x1250xf32> to vector<8x16x1250xf32>
    %swap3A_49 = vector.shape_cast %div3A_34 : vector<8x16x1250xf32> to vector<1x8x16x1250xf32>
    tpu.vector_store %arg4[%swap3A_43, %swap3A_44, %swap3A_45, %swap3A_46], %swap3A_49 {strides = array<i32>} : memref<1x8x16x1250xf32, #tpu.memory_space<vmem>>, vector<1x8x16x1250xf32>,
    %transpose3A_50 = tpu.transpose %div3A_34, [0, 2, 1] : vector<8x16x1250xf32> -> vector<8x1250x16xf32>
    %swap3A_51 = arith.constant 0 : index
    %swap3A_52 = arith.constant 0 : index
    %swap3A_53 = arith.constant 0 : index
    %swap3A_54 = arith.constant 0 : index
    %swap3A_55 = vector.load %arg3[%swap3A_51, %swap3A_52, %swap3A_53, %swap3A_54] : memref<1x8x1250x16xf32, #tpu.memory_space<vmem>>, vector<1x8x1250x16xf32>
    %swap3A_56 = vector.shape_cast %swap3A_55 : vector<1x8x1250x16xf32> to vector<8x1250x16xf32>
    %swap3A_57 = vector.shape_cast %transpose3A_50 : vector<8x1250x16xf32> to vector<1x8x1250x16xf32>
    tpu.vector_store %arg3[%swap3A_51, %swap3A_52, %swap3A_53, %swap3A_54], %swap3A_57 {strides = array<i32>} : memref<1x8x1250x16xf32, #tpu.memory_space<vmem>>, vector<1x8x1250x16xf32>,
    return
  }
  func.func @transform_0(%arg0: i32) -> (i32, i32, i32, i32) {
    %c0_i32 = arith.constant 0 : i32
    %c0_i32_0 = arith.constant 0 : i32
    %c0_i32_1 = arith.constant 0 : i32
    %c0_i32_2 = arith.constant 0 : i32
    return %arg0, %c0_i32, %c0_i32_0, %c0_i32_1 : i32, i32, i32, i32
  }
  func.func @transform_1(%arg0: i32) -> (i32, i32, i32, i32) {
    %c0_i32 = arith.constant 0 : i32
    %c0_i32_0 = arith.constant 0 : i32
    %c0_i32_1 = arith.constant 0 : i32
    %c0_i32_2 = arith.constant 0 : i32
    return %arg0, %c0_i32, %c0_i32_0, %c0_i32_1 : i32, i32, i32, i32
  }
  func.func @transform_2(%arg0: i32) -> (i32, i32, i32, i32) {
    %c0_i32 = arith.constant 0 : i32
    %c0_i32_0 = arith.constant 0 : i32
    %c0_i32_1 = arith.constant 0 : i32
    %c0_i32_2 = arith.constant 0 : i32
    return %arg0, %c0_i32, %c0_i32_0, %c0_i32_1 : i32, i32, i32, i32
  }
  func.func @transform_3(%arg0: i32) -> (i32, i32, i32, i32) {
    %c0_i32 = arith.constant 0 : i32
    %c0_i32_0 = arith.constant 0 : i32
    %c0_i32_1 = arith.constant 0 : i32
    %c0_i32_2 = arith.constant 0 : i32
    return %arg0, %c0_i32, %c0_i32_0, %c0_i32_1 : i32, i32, i32, i32
  }
}

module attributes {stable_mosaic.version = 14 : i64} {
  func.func @_amm_body(%arg0: memref<8x16x1250xf32, #tpu.memory_space<vmem>>, %arg1: memref<2x8x1250x16xf32, #tpu.memory_space<vmem>>, %arg2: memref<8x16x4xi32, #tpu.memory_space<vmem>>) attributes {dimension_semantics = [], scalar_prefetch = 0 : i64, scratch_operands = 0 : i64, tpu.core_type = #tpu.core_type<tc>} {
    %get3A = arith.constant 0 : index
    %get3A_0 = arith.constant 0 : index
    %get3A_1 = arith.constant 0 : index
    %get3A_2 = vector.load %arg0[%get3A, %get3A_0, %get3A_1] : memref<8x16x1250xf32, #tpu.memory_space<vmem>>, vector<8x16x1250xf32>
    %get3A_3 = arith.constant 0 : index
    %get3A_4 = arith.constant 0 : index
    %get3A_5 = arith.constant 0 : index
    %get3A_6 = arith.constant 0 : index
    %get3A_7 = vector.load %arg1[%get3A_3, %get3A_4, %get3A_5, %get3A_6] : memref<2x8x1250x16xf32, #tpu.memory_space<vmem>>, vector<1x8x1250x16xf32>
    %get3A_8 = vector.shape_cast %get3A_7 : vector<1x8x1250x16xf32> to vector<8x1250x16xf32>
    %get3A_9 = arith.constant 1 : index
    %get3A_10 = arith.constant 0 : index
    %get3A_11 = arith.constant 0 : index
    %get3A_12 = arith.constant 0 : index
    %get3A_13 = vector.load %arg1[%get3A_9, %get3A_10, %get3A_11, %get3A_12] : memref<2x8x1250x16xf32, #tpu.memory_space<vmem>>, vector<1x8x1250x16xf32>
    %get3A_14 = vector.shape_cast %get3A_13 : vector<1x8x1250x16xf32> to vector<8x1250x16xf32>
    %add3A = arith.addf %get3A_8, %get3A_14 : vector<8x1250x16xf32>
    %dot_general3A = arith.constant dense<0.000000e+00> : vector<8x16x16xf32>
    %dot_general3A_15 = tpu.matmul %get3A_2, %add3A, %dot_general3A {dimension_numbers = #tpu.dot_dimension_numbers<[2], [1], [1], [2], [0, 0, 0, 1, 1, 2], [0], [0]>, precision = #tpu.contract_precision<fp32>, transpose_lhs_hint = false} : vector<8x16x1250xf32>, vector<8x1250x16xf32>, vector<8x16x16xf32> -> vector<8x16x16xf32>
    %iota3A = tpu.iota {dimensions = array<i32: 2>} : vector<8x16x16xi32>
    %reduce_max3A = arith.constant dense<0xFF800000> : vector<8x16xf32>
    %reduce_max3A_16 = vector.multi_reduction <maximumf>, %dot_general3A_15, %reduce_max3A [2] : vector<8x16x16xf32> to vector<8x16xf32>
    %broadcast_in_dim3A = vector.shape_cast %reduce_max3A_16 : vector<8x16xf32> to vector<8x16x1xf32>
    %eq3A = vector.broadcast %broadcast_in_dim3A : vector<8x16x1xf32> to vector<8x16x16xf32>
    %eq3A_17 = arith.cmpf oeq, %dot_general3A_15, %eq3A : vector<8x16x16xf32>
    %jit3A = arith.constant 16 : i32
    %broadcast_in_dim3A_18 = vector.broadcast %jit3A : i32 to vector<8x16x16xi32>
    %select_n3A = arith.select %eq3A_17, %iota3A, %broadcast_in_dim3A_18 : vector<8x16x16xi1>, vector<8x16x16xi32>
    %reduce_min3A = arith.constant dense<2147483647> : vector<8x16xi32>
    %reduce_min3A_19 = vector.multi_reduction <minsi>, %select_n3A, %reduce_min3A [2] : vector<8x16x16xi32> to vector<8x16xi32>
    %broadcast_in_dim3A_20 = vector.shape_cast %reduce_min3A_19 : vector<8x16xi32> to vector<8x16x1xi32>
    %eq3A_21 = vector.broadcast %broadcast_in_dim3A_20 : vector<8x16x1xi32> to vector<8x16x16xi32>
    %eq3A_22 = arith.cmpi eq, %iota3A, %eq3A_21 : vector<8x16x16xi32>
    %jit3A_23 = arith.constant 0xFF800000 : f32
    %broadcast_in_dim3A_24 = vector.broadcast %jit3A_23 : f32 to vector<8x16x16xf32>
    %select_n3A_25 = arith.select %eq3A_22, %broadcast_in_dim3A_24, %dot_general3A_15 : vector<8x16x16xi1>, vector<8x16x16xf32>
    %reduce_max3A_26 = arith.constant dense<0xFF800000> : vector<8x16xf32>
    %reduce_max3A_27 = vector.multi_reduction <maximumf>, %select_n3A_25, %reduce_max3A_26 [2] : vector<8x16x16xf32> to vector<8x16xf32>
    %broadcast_in_dim3A_28 = vector.shape_cast %reduce_max3A_27 : vector<8x16xf32> to vector<8x16x1xf32>
    %eq3A_29 = vector.broadcast %broadcast_in_dim3A_28 : vector<8x16x1xf32> to vector<8x16x16xf32>
    %eq3A_30 = arith.cmpf oeq, %select_n3A_25, %eq3A_29 : vector<8x16x16xf32>
    %jit3A_31 = arith.constant 16 : i32
    %broadcast_in_dim3A_32 = vector.broadcast %jit3A_31 : i32 to vector<8x16x16xi32>
    %select_n3A_33 = arith.select %eq3A_30, %iota3A, %broadcast_in_dim3A_32 : vector<8x16x16xi1>, vector<8x16x16xi32>
    %reduce_min3A_34 = arith.constant dense<2147483647> : vector<8x16xi32>
    %reduce_min3A_35 = vector.multi_reduction <minsi>, %select_n3A_33, %reduce_min3A_34 [2] : vector<8x16x16xi32> to vector<8x16xi32>
    %broadcast_in_dim3A_36 = vector.shape_cast %reduce_min3A_35 : vector<8x16xi32> to vector<8x16x1xi32>
    %eq3A_37 = vector.broadcast %broadcast_in_dim3A_36 : vector<8x16x1xi32> to vector<8x16x16xi32>
    %eq3A_38 = arith.cmpi eq, %iota3A, %eq3A_37 : vector<8x16x16xi32>
    %jit3A_39 = arith.constant 0xFF800000 : f32
    %broadcast_in_dim3A_40 = vector.broadcast %jit3A_39 : f32 to vector<8x16x16xf32>
    %select_n3A_41 = arith.select %eq3A_38, %broadcast_in_dim3A_40, %select_n3A_25 : vector<8x16x16xi1>, vector<8x16x16xf32>
    %reduce_max3A_42 = arith.constant dense<0xFF800000> : vector<8x16xf32>
    %reduce_max3A_43 = vector.multi_reduction <maximumf>, %select_n3A_41, %reduce_max3A_42 [2] : vector<8x16x16xf32> to vector<8x16xf32>
    %broadcast_in_dim3A_44 = vector.shape_cast %reduce_max3A_43 : vector<8x16xf32> to vector<8x16x1xf32>
    %eq3A_45 = vector.broadcast %broadcast_in_dim3A_44 : vector<8x16x1xf32> to vector<8x16x16xf32>
    %eq3A_46 = arith.cmpf oeq, %select_n3A_41, %eq3A_45 : vector<8x16x16xf32>
    %jit3A_47 = arith.constant 16 : i32
    %broadcast_in_dim3A_48 = vector.broadcast %jit3A_47 : i32 to vector<8x16x16xi32>
    %select_n3A_49 = arith.select %eq3A_46, %iota3A, %broadcast_in_dim3A_48 : vector<8x16x16xi1>, vector<8x16x16xi32>
    %reduce_min3A_50 = arith.constant dense<2147483647> : vector<8x16xi32>
    %reduce_min3A_51 = vector.multi_reduction <minsi>, %select_n3A_49, %reduce_min3A_50 [2] : vector<8x16x16xi32> to vector<8x16xi32>
    %broadcast_in_dim3A_52 = vector.shape_cast %reduce_min3A_51 : vector<8x16xi32> to vector<8x16x1xi32>
    %eq3A_53 = vector.broadcast %broadcast_in_dim3A_52 : vector<8x16x1xi32> to vector<8x16x16xi32>
    %eq3A_54 = arith.cmpi eq, %iota3A, %eq3A_53 : vector<8x16x16xi32>
    %jit3A_55 = arith.constant 0xFF800000 : f32
    %broadcast_in_dim3A_56 = vector.broadcast %jit3A_55 : f32 to vector<8x16x16xf32>
    %select_n3A_57 = arith.select %eq3A_54, %broadcast_in_dim3A_56, %select_n3A_41 : vector<8x16x16xi1>, vector<8x16x16xf32>
    %reduce_max3A_58 = arith.constant dense<0xFF800000> : vector<8x16xf32>
    %reduce_max3A_59 = vector.multi_reduction <maximumf>, %select_n3A_57, %reduce_max3A_58 [2] : vector<8x16x16xf32> to vector<8x16xf32>
    %broadcast_in_dim3A_60 = vector.shape_cast %reduce_max3A_59 : vector<8x16xf32> to vector<8x16x1xf32>
    %eq3A_61 = vector.broadcast %broadcast_in_dim3A_60 : vector<8x16x1xf32> to vector<8x16x16xf32>
    %eq3A_62 = arith.cmpf oeq, %select_n3A_57, %eq3A_61 : vector<8x16x16xf32>
    %jit3A_63 = arith.constant 16 : i32
    %broadcast_in_dim3A_64 = vector.broadcast %jit3A_63 : i32 to vector<8x16x16xi32>
    %select_n3A_65 = arith.select %eq3A_62, %iota3A, %broadcast_in_dim3A_64 : vector<8x16x16xi1>, vector<8x16x16xi32>
    %reduce_min3A_66 = arith.constant dense<2147483647> : vector<8x16xi32>
    %reduce_min3A_67 = vector.multi_reduction <minsi>, %select_n3A_65, %reduce_min3A_66 [2] : vector<8x16x16xi32> to vector<8x16xi32>
    %broadcast_in_dim3A_68 = vector.shape_cast %reduce_min3A_67 : vector<8x16xi32> to vector<8x16x1xi32>
    %concatenate3A = tpu.concatenate %broadcast_in_dim3A_20, %broadcast_in_dim3A_36, %broadcast_in_dim3A_52, %broadcast_in_dim3A_68 in 2 : vector<8x16x1xi32>, vector<8x16x1xi32>, vector<8x16x1xi32>, vector<8x16x1xi32> -> vector<8x16x4xi32>
    %swap3A = arith.constant 0 : index
    %swap3A_69 = arith.constant 0 : index
    %swap3A_70 = arith.constant 0 : index
    %swap3A_71 = vector.load %arg2[%swap3A, %swap3A_69, %swap3A_70] : memref<8x16x4xi32, #tpu.memory_space<vmem>>, vector<8x16x4xi32>
    tpu.vector_store %arg2[%swap3A, %swap3A_69, %swap3A_70], %concatenate3A {strides = array<i32>} : memref<8x16x4xi32, #tpu.memory_space<vmem>>, vector<8x16x4xi32>,
    return
  }
}

</mosaic_0001>

<sc_bundles>
// kernel: kernel.5.cloned.1.call-start
scs
__scs_entry_jumppad:
0x0: {  	(pc) =	sbr.rel $0x88, $3  }
0x1: {  	(tag) =	ssettag $0x0;
	lr =	simm.s32 $0x1  }
0x2: {  	[smem:$0x3F9F] =	sst lr;
	_ =	strace $0xD0000000  }
0x3: {  	_ = 	snop  }
0x4: {  	_ = 	snop  }
0x5: {  	_ = 	snop  }
0x6: {  	_ = 	snop  }
0x7: {  	_ = 	snop  }
__scs_overlays_trampoline_lowered:
0x8: {  	[smem:$0x3FAE] =	sst s0  }
0x9: {  	[smem:$0x3FAF] =	sst s1  }
0xa: {  	[smem:$0x3FB0] =	sst s2  }
0xb: {  	[smem:$0x3FB1] =	sst s3  }
0xc: {  	[smem:$0x3FB2] =	sst s4  }
0xd: {  	[smem:$0x3FB3] =	sst s5  }
0xe: {  	[smem:$0x3FB4] =	sst s6  }
0xf: {  	[smem:$0x3FB5] =	sst s7  }
0x10: {  	[smem:$0x3FB6] =	sst s8  }
0x11: {  	[smem:$0x3FB7] =	sst s9;
	s0 =	simm.s32 @!p0 $0x0  }
0x12: {  	s1 =	sld [smem:$0x3F9D];
	s0 =	simm.s32 @p0 $0x1  }
0x13: {  	[smem:$0x3FB8] =	sst s0;
	s0 =	simm.s32 @!p1 $0x0  }
0x14: {  	s2 =	sld [smem:$0x3F9C];
	s0 =	simm.s32 @p1 $0x1  }
0x15: {  	[smem:$0x3FB9] =	sst s0;
	s0 =	simm.s32 @!p2 $0x0  }
0x16: {  	s3 =	sld [smem:$0x3FDB];
	s0 =	simm.s32 @p2 $0x1  }
0x17: {  	s4 =	simm.s32 $0x1BF5;
	[smem:$0x3FBB] =	sst s0  }
0x18: {  	s0 =	sld [smem:$0x3F9E];
	_ =	swait.ge [sflag:s4], $0x0  }
0x19: {  	s7 =	sld [smem:$0x3F9F]  }
0x1a: {  	s8 =	sadd.s32 $0xFFFFE003, lr  }
0x1b: {  	s9 =	sadd.s32 $0xFFFFFEF7, lr;
	s5 =	simm.s32 $0xFFFFFFFF;
	p2 =	slt.u32 s8, $0xFFFFF086  }
0x1c: {  	p1 =	slt.u32 s9, $0xF7A;
	s5 =	simm.s32 @!p2 $0x0  }
0x1d: {  	s5 =	simm.s32 @p1 $0x1;
	p0 =	seq.s32 s7, s2  }
0x1e: {  	s7 =	smul.u32 @!p0 $0xF7A, s2;
	p2 =	seq.s32 @!p0 s5, $0x0  }
0x1f: {  	s9 =	smul.u32 $0xF7A, s1;
	s8 =	simm.s32 @!p0 $0x1BF5;
	p2 =	por !p2, p0  }
0x20: {  	[sflag:s8] =	ssyncset.s32 @!p0 $0xFFFFF086;
	s6 =	sadd.s32 @!p0 s3, s7;
	s7 =	simm.s32 @!p0 $0x108  }
0x21: {  	s3 =	sadd.s32 s3, s9;
	s6 =	sadd.s32 @!p0 $0x88, s6;
	s7 =	simm.s32 @p2 $0x1082  }
0x22: {  	[simem:s7], [sflag:s8] =	dma.local @!p0 [hbm:s6], $0xF7A  }
0x23: {  	s9 =	sor.u32 $0xD0000000, s2;
	s6 =	simm.s32 $0x108;
	_ =	swait.ge @!p0 [sflag:s8], $0x0  }
0x24: {  	s3 =	sadd.s32 $0x88, s3;
	s6 =	simm.s32 @!p1 $0x1082;
	[sflag:s4] =	ssyncset.s32 $0xFFFFF086  }
0x25: {  	[simem:s6], [sflag:s4] =	dma.local [hbm:s3], $0xF7A  }
0x26: {  	[smem:$0x3F9F] =	sst s1;
	(tag) =	ssettag s2;
	_ =	strace s9  }
0x27: {  	s1 =	sld [smem:$0x3FAF]  }
0x28: {  	s2 =	sld [smem:$0x3FB0]  }
0x29: {  	s4 =	sld [smem:$0x3FB2]  }
0x2a: {  	p0 =	seq.s32 s5, $0x0;
	s5 =	sld [smem:$0x3FB3]  }
0x2b: {  	s6 =	sld [smem:$0x3FB4]  }
0x2c: {  	s7 =	sld [smem:$0x3FB5]  }
0x2d: {  	s3 =	simm.s32 $0x108;
	s8 =	sld [smem:$0x3FB6]  }
0x2e: {  	s3 =	simm.s32 @!p0 $0x1082;
	s9 =	sld [smem:$0x3FB7]  }
0x2f: {  	lr =	sadd.s32 s0, s3;
	s0 =	sld [smem:$0x3FAE]  }
0x30: {  	s3 =	sld [smem:$0x3FB1]  }
0x31: {  	[smem:$0x3FBA] =	sst s10  }
0x32: {  	s10 =	sld [smem:$0x3FB8];
	_ =	sdelay $0x3  }
0x33: {  	p0 =	seq.s32 s10, $0x1;
	s10 =	sld [smem:$0x3FBA];
	_ =	sdelay $0x3  }
0x34: {  	[smem:$0x3FBA] =	sst s10  }
0x35: {  	s10 =	sld [smem:$0x3FB9];
	_ =	sdelay $0x3  }
0x36: {  	p1 =	seq.s32 s10, $0x1;
	s10 =	sld [smem:$0x3FBA];
	_ =	sdelay $0x3  }
0x37: {  	[smem:$0x3FBA] =	sst s10  }
0x38: {  	s10 =	sld [smem:$0x3FBB]  }
0x39: {  	_ = 	snop;
	(pc) =	sbr.ind lr, $3  }
0x3a: {  	_ = 	snop  }
0x3b: {  	_ = 	snop  }
0x3c: {  	p2 =	seq.s32 s10, $0x1;
	s10 =	sld [smem:$0x3FBA]  }
0x3d: {  	_ =	shalt  }
0x3e: {  	_ =	shalt  }
0x3f: {  	_ =	shalt  }
0x40: {  	_ =	shalt  }
0x41: {  	_ =	shalt  }
0x42: {  	_ =	shalt  }
0x43: {  	_ =	shalt  }
0x44: {  	_ =	shalt  }
0x45: {  	_ =	shalt  }
0x46: {  	_ =	shalt  }
0x47: {  	_ =	shalt  }
0x48: {  	_ =	shalt  }
0x49: {  	_ =	shalt  }
0x4a: {  	_ =	shalt  }
0x4b: {  	_ =	shalt  }
0x4c: {  	_ =	shalt  }
0x4d: {  	_ =	shalt  }
0x4e: {  	_ =	shalt  }
0x4f: {  	_ =	shalt  }
0x50: {  	_ =	shalt  }
0x51: {  	_ =	shalt  }
0x52: {  	_ =	shalt  }
0x53: {  	_ =	shalt  }
0x54: {  	_ =	shalt  }
0x55: {  	_ =	shalt  }
0x56: {  	_ =	shalt  }
0x57: {  	_ =	shalt  }
0x58: {  	_ =	shalt  }
0x59: {  	_ =	shalt  }
0x5a: {  	_ =	shalt  }
0x5b: {  	_ =	shalt  }
0x5c: {  	_ =	shalt  }
0x5d: {  	_ =	shalt  }
0x5e: {  	_ =	shalt  }
0x5f: {  	_ =	shalt  }
0x60: {  	_ =	shalt  }
0x61: {  	_ =	shalt  }
0x62: {  	_ =	shalt  }
0x63: {  	_ =	shalt  }
0x64: {  	_ =	shalt  }
0x65: {  	_ =	shalt  }
0x66: {  	_ =	shalt  }
0x67: {  	_ =	shalt  }
0x68: {  	_ =	shalt  }
0x69: {  	_ =	shalt  }
0x6a: {  	_ =	shalt  }
0x6b: {  	_ =	shalt  }
0x6c: {  	_ =	shalt  }
0x6d: {  	_ =	shalt  }
0x6e: {  	_ =	shalt  }
0x6f: {  	_ =	shalt  }
0x70: {  	_ =	shalt  }
0x71: {  	_ =	shalt  }
0x72: {  	_ =	shalt  }
0x73: {  	_ =	shalt  }
0x74: {  	_ =	shalt  }
0x75: {  	_ =	shalt  }
0x76: {  	_ =	shalt  }
0x77: {  	_ =	shalt  }
0x78: {  	_ =	shalt  }
0x79: {  	_ =	shalt  }
0x7a: {  	_ =	shalt  }
0x7b: {  	_ =	shalt  }
0x7c: {  	_ =	shalt  }
0x7d: {  	_ =	shalt  }
0x7e: {  	_ =	shalt  }
0x7f: {  	_ =	shalt  }
0x80: {  	_ =	shalt  }
0x81: {  	_ =	shalt  }
0x82: {  	_ =	shalt  }
0x83: {  	_ =	shalt  }
0x84: {  	_ =	shalt  }
0x85: {  	_ =	shalt  }
0x86: {  	_ =	shalt  }
0x87: {  	_ =	shalt  }
.Lfunc_end0:
.L_simem_size_0:
called_computation_lowered:
.L_overlay_start_0:
0x88: {  	s2 =	sld [smem:$0x3FD9]  }
0x89: {  	s3 =	sld [smem:$0x3FFE];
	_ =	sdelay $0x1  }
0x8a: {  	s1 =	srdreg.scid  }
0x8b: {  	s0 =	sand.u32 $0x1, s1  }
0x8c: {  	s16 =	sshll.u32 s0, $0xA;
	s2 =	sadd.s32 s3, s2  }
0x8d: {  	s2 =	sadd.s32 s2, s16  }
0x8e: {  	[smem:$0x3FC6] =	sst s2  }
0x8f: {  	_ = 	snop  }
0x90: {  	(tm) =	ssettm $0x1  }
0x91: {  	s17 =	sld [smem:$0x3FFB];
	_ =	sdelay $0x3  }
0x92: {  	_ =	strace s17  }
0x93: {  	s2 =	sld [smem:$0x3FFC];
	_ =	sdelay $0x3  }
0x94: {  	_ =	strace s2  }
0x95: {  	s2 =	sld [smem:$0x3FFD];
	_ =	sdelay $0x3  }
0x96: {  	_ =	strace s2  }
0x97: {  	_ =	strace $0x8FFFFFFF  }
0x98: {  	s18 =	sld [smem:$0x3FDB];
	_ =	sdelay $0x1  }
0x99: {  	s19 =	simm.s32 $_scs_section_size  }
0x9a: {  	s4 =	simm.s32 $_size__tile_overlayer_lowered;
	s5 =	simm.s32 $_tile_overlayer_lowered  }
0x9b: {  	s22 =	simm.s32 $0x1BFF;
	s21 =	sshll.u32 s5, $0x1;
	s2 =	sadd.s32 s19, s18  }
0x9c: {  	s6 =	simm.s32 $0x0;
	s20 =	sshll.u32 s4, $0x1;
	s4 =	sadd.s32 s21, s2  }
0x9d: {  	[timem:s6], [sflag:s22] =	dma.local [hbm:s4], s20  }
0x9e: {  	_ =	swait.ge [sflag:s22], s20  }
0x9f: {  	s3 =	ssub.s32 $0x0, s20;
	[sflag:s22] =	ssyncset.done $0x0  }
0xa0: {  	[sflag:s22] =	ssyncadd.s32 s3;
	_ =	sdelay $0x1  }
0xa1: {  	s23 =	simm.s32 $0x1B8B  }
0xa2: {  	_ =	swait.ge [sflag:s23], $0x1  }
0xa3: {  	[sflag:s23] =	ssyncset.done $0x0  }
0xa4: {  	s25 =	simm.s32 $0x1B8E;
	s24 =	sld [smem:$0x3FFE];
	[sflag:s23] =	ssyncadd.s32 $0xFFFFFFFF  }
0xa5: {  	s26 =	simm.s32 $execute0_lowered;
	[smem:$0x3FD2] =	sst s25  }
0xa6: {  	s4 =	sshll.u32 s26, $0x1;
	_ =	strace $0x80000046;
	[dreg:$0x1] =	wrdreg $0xFFFFFFFF  }
0xa7: {  	s28 =	simm.s32 $_size_execute0_lowered;
	s2 =	sadd.s32 s2, s4;
	[dreg:$0x0] =	wrdreg $0x0  }
0xa8: {  	s4 =	sshll.u32 s28, $0x1;
	[dreg:$0x2] =	wrdreg s2  }
0xa9: {  	[dreg:$0x3] =	wrdreg s4  }
0xaa: {  	[dreg:$0x4] =	wrdreg $0xC0  }
0xab: {  	_ =	task [dreg:s6], $0x5FFFF  }
0xac: {  	[dreg:$0x1] =	wrdreg $0xFFFFFFFF  }
0xad: {  	[dreg:$0x0] =	wrdreg $0x60  }
0xae: {  	[dreg:$0x2] =	wrdreg s24  }
0xaf: {  	[dreg:$0x3] =	wrdreg $0x70000  }
0xb0: {  	[dreg:$0x4] =	wrdreg $0x9  }
0xb1: {  	_ =	task.clear_ibuf [dreg:s6], $0x5FFFF;
	_ =	strace $0x90000046  }
0xb2: {  	s29 =	simm.s32 $0x9;
	_ =	strace $0x80000048  }
0xb3: {  	_ =	swait.ge [sflag:s29], $0x1  }
0xb4: {  	[sflag:s29] =	ssyncadd.s32 $0xFFFFFFFF  }
0xb5: {  	_ =	strace $0x90000048  }
0xb6: {  	_ =	sfence  }
0xb7: {  	s30 =	sld [smem:$0x0];
	_ =	sdelay $0x2  }
0xb8: {  	s31 =	sshll.u32 s1, $0xD;
	s1 =	sshrl.u32 s1, $0x2  }
0xb9: {  	s3 =	sand.u32 $0x4000, s31;
	s1 =	sadd.s32 s1, s30  }
0xba: {  	s0 =	sor.u32 s3, s0;
	s1 =	sshll.u32 s1, $0x11  }
0xbb: {  	s0 =	sor.u32 s1, s0  }
0xbc: {  	s0 =	sadd.s32 $0x8F2B, s0  }
0xbd: {  	[sflag:s0] =	ssyncadd.remote.s32 $0x1  }
0xbe: {  	_ =	sfence.sel $0xFFFF  }
0xbf: {  	[dreg:$0x0] =	wrdreg $0xFFFFFFFF;
	(pc) =	sbr.abs _section_cstart, $3  }
0xc0: {  	[dreg:$0x1] =	wrdreg $0xFFFFFFFF  }
0xc1: {  	_ =	task.clear_ibuf [dreg:s6], $0x2FFFF;
	_ =	strace $0x9FFFFFFF  }
0xc2: {  	(tm) =	ssettm $0x7FFFFFFF  }
0xc3: {  	_ =	shalt  }
tec
execute0_lowered:
.L_overlay_start_1:
0x0: {  	(tag) =	ssettag $0x1  }
0x1: {  	s0 =	rddreg [dreg:$0x0]  }
0x2: {  	s1 =	rddreg [dreg:$0x1];
	s3 =	simm.s32 $0x0;
	s14 =	stileid.u32  }
0x3: {  	s6 =	srdreg.scid;
	s16 =	simm.s32 $0x3;
	s17 =	simm.s32 $0x1800  }
0x4: {  	s18 =	simm.s32 $0x80;
	s19 =	simm.s32 $0x3000;
	s28 =	simm.s32 $0x5000  }
0x5: {  	s29 =	simm.s32 $0x5800;
	s30 =	simm.s32 $0x6000;
	s31 =	simm.s32 $0x6800  }
0x6: {  	[smem:$0x7FF] =	sst s3;
	s2 =	sshll.u32 s14, $0x9;
	s5 =	smul.u32 $0x300, s14  }
0x7: {  	s4 =	sadd.s32 $0x4400, s0;
	s6 =	sand.u32 $0x1, s6;
	s8 =	smul.u32 $0x9C00, s14  }
0x8: {  	s13 =	sadd.s32 $0x24900, s1;
	s23 =	smul.u32 $0x4E0, s14;
	p1 =	seq.s32 s14, $0xF  }
0x9: {  	_ =	strace $0x80000047;
	s2 =	sadd.s32 s2, s0;
	s21 =	smul.u32 $0x4E20, s6  }
0xa: {  	s7 =	ssub.s32 $0x2, s6;
	s11 =	smul.u32 $0x27100, s6;
	p0 =	seq.s32 s6, $0x1  }
0xb: {  	s13 =	sshrl.u32 @p1 s13, $0x3;
	s9 =	sadd.s32 s5, s0;
	s5 =	sadd.s32 $0xF400, s0  }
0xc: {  	s0 =	sadd.s32 $0xFA00, s0;
	s10 =	sshrl.u32 s7, $0x1;
	s22 =	sadd.s32 $0x2400, s2  }
0xd: {  	s20 =	sshrl.u32 s8, $0x2;
	s2 =	sadd.s32 $0x400, s2;
	[dreg:$0x3] =	wrdreg s22  }
0xe: {  	s12 =	ssub.s32 s7, s10;
	s15 =	sadd.s32 s20, s1;
	[dreg:$0x4] =	wrdreg s2  }
0xf: {  	s24 =	sadd.s32 $0xC400, s9;
	s25 =	sshrl.u32 s11, $0x3;
	s26 =	sadd.s32 $0x9400, s9  }
0x10: {  	s6 =	sadd.s32 s23, s21;
	s21 =	simm.s32 $0x3800;
	s22 =	simm.s32 $0x1900  }
.Ltmp0:
0x11: {  	s23 =	simm.s32 $0x4000;
	[dreg:$0x5] =	wrdreg s24;
	(pc) =	sbr.rel .LBB2_1-.Ltmp0, $4  }
0x12: {  	[dreg:$0x6] =	wrdreg s26;
	s2 =	sadd.s32 s0, s25;
	s10 =	sadd.s32 s0, s6  }
0x13: {  	s12 =	smax.u32 s12, $0x1;
	s0 =	sshll.u32 @!p1 s14, $0x6;
	s15 =	sshrl.u32 @!p1 s15, $0x3  }
0x14: {  	s24 =	simm.s32 $0x1980;
	s25 =	simm.s32 $0x4800;
	s26 =	simm.s32 $0x1  }
0x15: {  	s11 =	sadd.s32 $0x4920, s2;
	s14 =	sor.u32 @!p1 $0x1C03, s0;
	s0 =	simm.s32 $0x2  }
.LBB2_9:
0x16: {  	s2 =	sadd.s32 $0xE00, s2  }
.LBB2_10:
0x17: {  	_ =	swait.ge [sflag:s26], $0x800  }
0x18: {  	[sflag:s26] =	ssyncset.done $0x0  }
0x19: {  	s2 =	sshra.s32 s2, $0x2;
	[sflag:s26] =	ssyncadd.s32 $0xFFFFF800  }
0x1a: {  	[spmem:s1] =	stream.indirect.scatter.add.f32 [tilespmem:s31], [sflag:$0x2], $0x10, s2, s18, $0xb8;
	[tilespmem:$0x9720] =	vst v63  }
0x1b: {  	_ =	swait.ge [sflag:s0], $0x800  }
0x1c: {  	[sflag:s0] =	ssyncset.done $0x0  }
0x1d: {  	[sflag:s0] =	ssyncadd.s32 $0xFFFFF800  }
0x1e: {  	_ =	swait.ge [sflag:s0], $0x800  }
0x1f: {  	[sflag:s0] =	ssyncset.done $0x0  }
0x20: {  	[sflag:s0] =	ssyncadd.s32 $0xFFFFF800  }
0x21: {  	_ =	swait.ge [sflag:s0], $0x800  }
0x22: {  	[sflag:s0] =	ssyncset.done $0x0  }
0x23: {  	[sflag:s0] =	ssyncadd.s32 $0xFFFFF800  }
0x24: {  	_ =	swait.ge [sflag:s0], $0x800  }
0x25: {  	[sflag:s0] =	ssyncset.done $0x0  }
0x26: {  	[sflag:s0] =	ssyncadd.s32 $0xFFFFF800  }
0x27: {  	_ =	swait.ge [sflag:s0], $0x800  }
0x28: {  	[sflag:s0] =	ssyncset.done $0x0  }
0x29: {  	[sflag:s0] =	ssyncadd.s32 $0xFFFFF800  }
0x2a: {  	s2 =	simm.s32 @p1 $0x1FC3;
	[bflag:$0x0] =	sbarrier.arrive $0xFFFF  }
0x2b: {  	[hbm:s11], [sflag:s2] =	dma.local @p1 [spmem:s13], $0x500  }
0x2c: {  	s2 =	simm.s32 @p1 $0x3  }
0x2d: {  	s3 =	sadd.s32 $0x1, s3;
	_ =	swait.ge @p1 [sflag:s2], $0x500  }
0x2e: {  	p2 =	sne.s32 s3, s12;
	[sflag:s2] =	ssyncset.done @p1 $0x0  }
.Ltmp1:
0x2f: {  	[sflag:s2] =	ssyncadd.s32 @p1 $0xFFFFFB00;
	s2 =	simm.s32 @!p1 $0x3;
	(pc) =	sbr.rel @!p2 .LBB2_11-.Ltmp1, $4  }
0x30: {  	[hbm:s10], [sflag:s14] =	dma.local @!p1 [spmem:s15], $0x4E0  }
0x31: {  	_ =	swait.ge @!p1 [sflag:s2], $0x4E0  }
0x32: {  	[sflag:s2] =	ssyncset.done @!p1 $0x0  }
0x33: {  	[sflag:s2] =	ssyncadd.s32 @!p1 $0xFFFFFB20  }
.LBB2_1:
0x34: {  	s2 =	simm.s32 @p1 $0x1FC3  }
0x35: {  	[spmem:s13], [sflag:s2] =	dma.local @p1 [hbm:s5], $0x520  }
0x36: {  	s2 =	simm.s32 @p1 $0x3  }
0x37: {  	_ =	swait.ge @p1 [sflag:s2], $0x520  }
0x38: {  	[sflag:s2] =	ssyncset.done @p1 $0x0  }
0x39: {  	[sflag:s2] =	ssyncadd.s32 @p1 $0xFFFFFAE0;
	s2 =	simm.s32 @!p1 $0x3  }
0x3a: {  	[spmem:s15], [sflag:s14] =	dma.local @!p1 [hbm:s5], $0x4E0  }
.Ltmp2:
0x3b: {  	_ =	swait.ge @!p1 [sflag:s2], $0x4E0;
	(pc) =	sbr.rel @!p0 .LBB2_2-.Ltmp2, $4  }
0x3c: {  	[sflag:s2] =	ssyncset.done @!p1 $0x0  }
0x3d: {  	[sflag:s2] =	ssyncadd.s32 @!p1 $0xFFFFFB20  }
0x3e: {  	[bflag:$0x0] =	sbarrier.arrive $0xFFFF  }
0x3f: {  	s2 =	simm.s32 $0x0  }
0x40: {  	s6 =	rddreg [dreg:$0x5]  }
0x41: {  	[tilespmem:s2], [sflag:$0x3] =	stream.linear.gather [hbm4b:s6+s2], $0x1800, $0x38;
	[tilespmem:$0x9720] =	vst v63  }
0x42: {  	_ =	swait.ge [sflag:s16], $0x1800  }
0x43: {  	[sflag:s16] =	ssyncset.done $0x0  }
0x44: {  	s9 =	rddreg [dreg:$0x6];
	[sflag:s16] =	ssyncadd.s32 $0xFFFFE800  }
0x45: {  	[tilespmem:s17], [sflag:$0x3] =	stream.linear.gather [hbm4b:s9+s2], $0x1800, $0x38;
	[tilespmem:$0x9720] =	vst v63  }
0x46: {  	_ =	swait.ge [sflag:s16], $0x1800  }
0x47: {  	[sflag:s16] =	ssyncset.done $0x0  }
0x48: {  	[sflag:s16] =	ssyncadd.s32 $0xFFFFE800  }
0x49: {  	[tilespmem:s19], [sflag:$0x1] =	stream.indirect.gather [hbm4b:s4+s18], $0x10, s17, s18, $0xb8;
	[tilespmem:$0x9720] =	vst v63  }
0x4a: {  	s20 =	simm.s32 $0x1880  }
0x4b: {  	[tilespmem:s21], [sflag:$0x1] =	stream.indirect.gather [hbm4b:s4+s18], $0x10, s20, s18, $0xb8;
	[tilespmem:$0x9720] =	vst v63  }
0x4c: {  	_ = 	snop  }
0x4d: {  	[tilespmem:s23], [sflag:$0x1] =	stream.indirect.gather [hbm4b:s4+s18], $0x10, s22, s18, $0xb8;
	[tilespmem:$0x9720] =	vst v63  }
0x4e: {  	_ = 	snop  }
0x4f: {  	[tilespmem:s25], [sflag:$0x1] =	stream.indirect.gather [hbm4b:s4+s18], $0x10, s24, s18, $0xb8;
	[tilespmem:$0x9720] =	vst v63  }
.LBB2_6:
0x50: {  	_ =	swait.ge [sflag:s26], $0x800  }
0x51: {  	p2 =	seq.s32 s2, $0x0;
	[sflag:s26] =	ssyncset.done $0x0  }
0x52: {  	s6 =	sshra.s32 s2, $0x2;
	s7 =	simm.s32 @!p2 $0x2;
	[sflag:s26] =	ssyncadd.s32 $0xFFFFF800  }
0x53: {  	[spmem:s1] =	stream.indirect.scatter.add.f32 [tilespmem:s19], [sflag:$0x2], $0x10, s6, s18, $0xb8;
	[tilespmem:$0x9720] =	vst v63  }
0x54: {  	_ =	swait.ge @!p2 [sflag:s7], $0x800  }
0x55: {  	[sflag:s7] =	ssyncset.done @!p2 $0x0  }
0x56: {  	s8 =	sadd.s32 $0x1A00, s6;
	[sflag:s7] =	ssyncadd.s32 @!p2 $0xFFFFF800  }
0x57: {  	[tilespmem:s28], [sflag:$0x1] =	stream.indirect.gather [hbm4b:s4+s18], $0x10, s8, s18, $0xb8;
	[tilespmem:$0x9720] =	vst v63  }
0x58: {  	_ =	swait.ge [sflag:s26], $0x800  }
0x59: {  	[sflag:s26] =	ssyncset.done $0x0  }
0x5a: {  	s20 =	sadd.s32 $0x80, s6;
	[sflag:s26] =	ssyncadd.s32 $0xFFFFF800  }
0x5b: {  	[spmem:s1] =	stream.indirect.scatter.add.f32 [tilespmem:s21], [sflag:$0x2], $0x10, s20, s18, $0xb8;
	[tilespmem:$0x9720] =	vst v63  }
0x5c: {  	_ =	swait.ge @!p2 [sflag:s7], $0x800  }
0x5d: {  	[sflag:s7] =	ssyncset.done @!p2 $0x0  }
0x5e: {  	s9 =	sadd.s32 $0x1A80, s6;
	[sflag:s7] =	ssyncadd.s32 @!p2 $0xFFFFF800  }
0x5f: {  	[tilespmem:s29], [sflag:$0x1] =	stream.indirect.gather [hbm4b:s4+s18], $0x10, s9, s18, $0xb8;
	[tilespmem:$0x9720] =	vst v63  }
0x60: {  	_ =	swait.ge [sflag:s26], $0x800  }
0x61: {  	[sflag:s26] =	ssyncset.done $0x0  }
0x62: {  	s20 =	sadd.s32 $0x100, s6;
	[sflag:s26] =	ssyncadd.s32 $0xFFFFF800  }
0x63: {  	[spmem:s1] =	stream.indirect.scatter.add.f32 [tilespmem:s23], [sflag:$0x2], $0x10, s20, s18, $0xb8;
	[tilespmem:$0x9720] =	vst v63  }
0x64: {  	_ =	swait.ge @!p2 [sflag:s7], $0x800  }
0x65: {  	[sflag:s7] =	ssyncset.done @!p2 $0x0  }
0x66: {  	s9 =	sadd.s32 $0x1B00, s6;
	[sflag:s7] =	ssyncadd.s32 @!p2 $0xFFFFF800  }
0x67: {  	[tilespmem:s30], [sflag:$0x1] =	stream.indirect.gather [hbm4b:s4+s18], $0x10, s9, s18, $0xb8;
	[tilespmem:$0x9720] =	vst v63  }
0x68: {  	_ =	swait.ge [sflag:s26], $0x800  }
0x69: {  	[sflag:s26] =	ssyncset.done $0x0  }
0x6a: {  	s20 =	sadd.s32 $0x180, s6;
	[sflag:s26] =	ssyncadd.s32 $0xFFFFF800  }
0x6b: {  	[spmem:s1] =	stream.indirect.scatter.add.f32 [tilespmem:s25], [sflag:$0x2], $0x10, s20, s18, $0xb8;
	[tilespmem:$0x9720] =	vst v63  }
0x6c: {  	_ =	swait.ge @!p2 [sflag:s7], $0x800  }
0x6d: {  	[sflag:s7] =	ssyncset.done @!p2 $0x0  }
0x6e: {  	s8 =	sadd.s32 $0x1B80, s6;
	[sflag:s7] =	ssyncadd.s32 @!p2 $0xFFFFF800  }
0x6f: {  	[tilespmem:s31], [sflag:$0x1] =	stream.indirect.gather [hbm4b:s4+s18], $0x10, s8, s18, $0xb8;
	[tilespmem:$0x9720] =	vst v63  }
0x70: {  	_ =	swait.ge [sflag:s26], $0x800  }
0x71: {  	[sflag:s26] =	ssyncset.done $0x0  }
0x72: {  	s9 =	sadd.s32 $0x200, s6;
	[sflag:s26] =	ssyncadd.s32 $0xFFFFF800  }
0x73: {  	[spmem:s1] =	stream.indirect.scatter.add.f32 [tilespmem:s28], [sflag:$0x2], $0x10, s9, s18, $0xb8;
	[tilespmem:$0x9720] =	vst v63  }
0x74: {  	_ =	swait.ge [sflag:s0], $0x800  }
0x75: {  	p2 =	seq.s32 s2, $0x5000;
	[sflag:s0] =	ssyncset.done $0x0  }
0x76: {  	s7 =	simm.s32 @p2 $0x1;
	[sflag:s0] =	ssyncadd.s32 $0xFFFFF800  }
0x77: {  	_ =	swait.ge @p2 [sflag:s7], $0x800  }
0x78: {  	[sflag:s7] =	ssyncset.done @p2 $0x0  }
0x79: {  	[sflag:s7] =	ssyncadd.s32 @p2 $0xFFFFF800;
	s7 =	sshra.s32 @p2 s2, $0x2  }
0x7a: {  	s8 =	simm.s32 @p2 $0x80;
	s9 =	simm.s32 @p2 $0x5800;
	s7 =	sadd.s32 @p2 $0x280, s7  }
0x7b: {  	[spmem:s1] =	stream.indirect.scatter.add.f32 @p2 [tilespmem:s9], [sflag:$0x2], $0x10, s7, s8, $0xb8;
	[tilespmem:$0x9720] =	vst v63  }
0x7c: {  	s7 =	simm.s32 @p2 $0x2  }
0x7d: {  	_ =	swait.ge @p2 [sflag:s7], $0x800  }
0x7e: {  	[sflag:s7] =	ssyncset.done @p2 $0x0  }
0x7f: {  	[sflag:s7] =	ssyncadd.s32 @p2 $0xFFFFF800;
	s7 =	sshra.s32 @!p2 s2, $0x2  }
0x80: {  	s20 =	simm.s32 @!p2 $0x3000;
	s9 =	simm.s32 @!p2 $0x80;
	s8 =	sadd.s32 @!p2 $0x1C00, s7  }
0x81: {  	[tilespmem:s20], [sflag:$0x1] =	stream.indirect.gather @!p2 [hbm4b:s4+s9], $0x10, s8, s9, $0xb8;
	[tilespmem:$0x9720] =	vst v63  }
0x82: {  	s8 =	simm.s32 @!p2 $0x1  }
0x83: {  	_ =	swait.ge @!p2 [sflag:s8], $0x800  }
0x84: {  	[sflag:s8] =	ssyncset.done @!p2 $0x0  }
0x85: {  	s20 =	simm.s32 @!p2 $0x5800;
	[sflag:s8] =	ssyncadd.s32 @!p2 $0xFFFFF800;
	s8 =	sadd.s32 @!p2 $0x280, s7  }
0x86: {  	[spmem:s1] =	stream.indirect.scatter.add.f32 @!p2 [tilespmem:s20], [sflag:$0x2], $0x10, s8, s9, $0xb8;
	[tilespmem:$0x9720] =	vst v63  }
0x87: {  	s8 =	simm.s32 @!p2 $0x2  }
0x88: {  	_ =	swait.ge @!p2 [sflag:s8], $0x800  }
0x89: {  	[sflag:s8] =	ssyncset.done @!p2 $0x0  }
0x8a: {  	s7 =	sadd.s32 @!p2 $0x1C80, s7;
	[sflag:s8] =	ssyncadd.s32 @!p2 $0xFFFFF800;
	s8 =	simm.s32 @!p2 $0x3800  }
0x8b: {  	[tilespmem:s8], [sflag:$0x1] =	stream.indirect.gather @!p2 [hbm4b:s4+s9], $0x10, s7, s9, $0xb8;
	[tilespmem:$0x9720] =	vst v63  }
0x8c: {  	_ =	swait.ge [sflag:s26], $0x800  }
0x8d: {  	[sflag:s26] =	ssyncset.done $0x0  }
.Ltmp3:
0x8e: {  	s20 =	sadd.s32 $0x300, s6;
	[sflag:s26] =	ssyncadd.s32 $0xFFFFF800;
	(pc) =	sbr.rel @p2 .LBB2_8-.Ltmp3, $4  }
0x8f: {  	[spmem:s1] =	stream.indirect.scatter.add.f32 [tilespmem:s30], [sflag:$0x2], $0x10, s20, s18, $0xb8;
	[tilespmem:$0x9720] =	vst v63  }
0x90: {  	_ =	swait.ge [sflag:s0], $0x800  }
0x91: {  	[sflag:s0] =	ssyncset.done $0x0  }
0x92: {  	[sflag:s0] =	ssyncadd.s32 $0xFFFFF800  }
0x93: {  	s7 =	sadd.s32 $0x1D00, s6  }
0x94: {  	[tilespmem:s23], [sflag:$0x1] =	stream.indirect.gather [hbm4b:s4+s18], $0x10, s7, s18, $0xb8;
	[tilespmem:$0x9720] =	vst v63  }
0x95: {  	_ =	swait.ge [sflag:s26], $0x800  }
0x96: {  	[sflag:s26] =	ssyncset.done $0x0  }
0x97: {  	s9 =	sadd.s32 $0x380, s6;
	[sflag:s26] =	ssyncadd.s32 $0xFFFFF800  }
0x98: {  	[spmem:s1] =	stream.indirect.scatter.add.f32 [tilespmem:s31], [sflag:$0x2], $0x10, s9, s18, $0xb8;
	[tilespmem:$0x9720] =	vst v63  }
.Ltmp4:
0x99: {  	_ = 	snop;
	(pc) =	sbr.rel .LBB2_6-.Ltmp4, $4  }
0x9a: {  	_ =	swait.ge [sflag:s0], $0x800  }
0x9b: {  	[sflag:s0] =	ssyncset.done $0x0  }
0x9c: {  	s20 =	sadd.s32 $0x1D80, s6;
	s2 =	sadd.s32 $0x1000, s2;
	[sflag:s0] =	ssyncadd.s32 $0xFFFFF800  }
0x9d: {  	[tilespmem:s25], [sflag:$0x1] =	stream.indirect.gather [hbm4b:s4+s18], $0x10, s20, s18, $0xb8;
	[tilespmem:$0x9720] =	vst v63  }
.LBB2_2:
0x9e: {  	s6 =	rddreg [dreg:$0x3]  }
0x9f: {  	[tilespmem:s2], [sflag:$0x3] =	stream.linear.gather [hbm4b:s6+s2], $0x1000, $0x38;
	[tilespmem:$0x9720] =	vst v63  }
0xa0: {  	_ =	swait.ge [sflag:s16], $0x1000  }
0xa1: {  	[sflag:s16] =	ssyncset.done $0x0  }
0xa2: {  	s9 =	rddreg [dreg:$0x4];
	[sflag:s16] =	ssyncadd.s32 $0xFFFFF000  }
0xa3: {  	[tilespmem:s17], [sflag:$0x3] =	stream.linear.gather [hbm4b:s9+s2], $0x1000, $0x38;
	[tilespmem:$0x9720] =	vst v63  }
0xa4: {  	_ =	swait.ge [sflag:s16], $0x1000  }
0xa5: {  	[sflag:s16] =	ssyncset.done $0x0  }
0xa6: {  	[sflag:s16] =	ssyncadd.s32 $0xFFFFF000  }
0xa7: {  	[tilespmem:s19], [sflag:$0x1] =	stream.indirect.gather [hbm4b:s4+s18], $0x10, s17, s18, $0xb8;
	[tilespmem:$0x9720] =	vst v63  }
0xa8: {  	s20 =	simm.s32 $0x1880  }
0xa9: {  	[tilespmem:s21], [sflag:$0x1] =	stream.indirect.gather [hbm4b:s4+s18], $0x10, s20, s18, $0xb8;
	[tilespmem:$0x9720] =	vst v63  }
0xaa: {  	_ = 	snop  }
0xab: {  	[tilespmem:s23], [sflag:$0x1] =	stream.indirect.gather [hbm4b:s4+s18], $0x10, s22, s18, $0xb8;
	[tilespmem:$0x9720] =	vst v63  }
0xac: {  	_ = 	snop  }
0xad: {  	[tilespmem:s25], [sflag:$0x1] =	stream.indirect.gather [hbm4b:s4+s18], $0x10, s24, s18, $0xb8;
	[tilespmem:$0x9720] =	vst v63  }
.LBB2_3:
0xae: {  	_ =	swait.ge [sflag:s26], $0x800  }
0xaf: {  	p2 =	seq.s32 s2, $0x0;
	[sflag:s26] =	ssyncset.done $0x0  }
0xb0: {  	s6 =	sshra.s32 s2, $0x2;
	s7 =	simm.s32 @!p2 $0x2;
	[sflag:s26] =	ssyncadd.s32 $0xFFFFF800  }
0xb1: {  	[spmem:s1] =	stream.indirect.scatter.add.f32 [tilespmem:s19], [sflag:$0x2], $0x10, s6, s18, $0xb8;
	[tilespmem:$0x9720] =	vst v63  }
0xb2: {  	_ =	swait.ge @!p2 [sflag:s7], $0x800  }
0xb3: {  	[sflag:s7] =	ssyncset.done @!p2 $0x0  }
0xb4: {  	s8 =	sadd.s32 $0x1A00, s6;
	[sflag:s7] =	ssyncadd.s32 @!p2 $0xFFFFF800  }
0xb5: {  	[tilespmem:s28], [sflag:$0x1] =	stream.indirect.gather [hbm4b:s4+s18], $0x10, s8, s18, $0xb8;
	[tilespmem:$0x9720] =	vst v63  }
0xb6: {  	_ =	swait.ge [sflag:s26], $0x800  }
0xb7: {  	[sflag:s26] =	ssyncset.done $0x0  }
0xb8: {  	s20 =	sadd.s32 $0x80, s6;
	[sflag:s26] =	ssyncadd.s32 $0xFFFFF800  }
0xb9: {  	[spmem:s1] =	stream.indirect.scatter.add.f32 [tilespmem:s21], [sflag:$0x2], $0x10, s20, s18, $0xb8;
	[tilespmem:$0x9720] =	vst v63  }
0xba: {  	_ =	swait.ge @!p2 [sflag:s7], $0x800  }
0xbb: {  	[sflag:s7] =	ssyncset.done @!p2 $0x0  }
0xbc: {  	s9 =	sadd.s32 $0x1A80, s6;
	[sflag:s7] =	ssyncadd.s32 @!p2 $0xFFFFF800  }
0xbd: {  	[tilespmem:s29], [sflag:$0x1] =	stream.indirect.gather [hbm4b:s4+s18], $0x10, s9, s18, $0xb8;
	[tilespmem:$0x9720] =	vst v63  }
0xbe: {  	_ =	swait.ge [sflag:s26], $0x800  }
0xbf: {  	[sflag:s26] =	ssyncset.done $0x0  }
0xc0: {  	s20 =	sadd.s32 $0x100, s6;
	[sflag:s26] =	ssyncadd.s32 $0xFFFFF800  }
0xc1: {  	[spmem:s1] =	stream.indirect.scatter.add.f32 [tilespmem:s23], [sflag:$0x2], $0x10, s20, s18, $0xb8;
	[tilespmem:$0x9720] =	vst v63  }
0xc2: {  	_ =	swait.ge @!p2 [sflag:s7], $0x800  }
0xc3: {  	[sflag:s7] =	ssyncset.done @!p2 $0x0  }
0xc4: {  	s9 =	sadd.s32 $0x1B00, s6;
	[sflag:s7] =	ssyncadd.s32 @!p2 $0xFFFFF800  }
0xc5: {  	[tilespmem:s30], [sflag:$0x1] =	stream.indirect.gather [hbm4b:s4+s18], $0x10, s9, s18, $0xb8;
	[tilespmem:$0x9720] =	vst v63  }
0xc6: {  	_ =	swait.ge [sflag:s26], $0x800  }
0xc7: {  	[sflag:s26] =	ssyncset.done $0x0  }
0xc8: {  	s20 =	sadd.s32 $0x180, s6;
	[sflag:s26] =	ssyncadd.s32 $0xFFFFF800  }
0xc9: {  	[spmem:s1] =	stream.indirect.scatter.add.f32 [tilespmem:s25], [sflag:$0x2], $0x10, s20, s18, $0xb8;
	[tilespmem:$0x9720] =	vst v63  }
0xca: {  	_ =	swait.ge @!p2 [sflag:s7], $0x800  }
0xcb: {  	[sflag:s7] =	ssyncset.done @!p2 $0x0  }
0xcc: {  	s8 =	sadd.s32 $0x1B80, s6;
	[sflag:s7] =	ssyncadd.s32 @!p2 $0xFFFFF800  }
0xcd: {  	[tilespmem:s31], [sflag:$0x1] =	stream.indirect.gather [hbm4b:s4+s18], $0x10, s8, s18, $0xb8;
	[tilespmem:$0x9720] =	vst v63  }
0xce: {  	_ =	swait.ge [sflag:s26], $0x800  }
0xcf: {  	[sflag:s26] =	ssyncset.done $0x0  }
0xd0: {  	s9 =	sadd.s32 $0x200, s6;
	[sflag:s26] =	ssyncadd.s32 $0xFFFFF800  }
0xd1: {  	[spmem:s1] =	stream.indirect.scatter.add.f32 [tilespmem:s28], [sflag:$0x2], $0x10, s9, s18, $0xb8;
	[tilespmem:$0x9720] =	vst v63  }
0xd2: {  	_ =	swait.ge [sflag:s0], $0x800  }
0xd3: {  	p2 =	seq.s32 s2, $0x3000;
	[sflag:s0] =	ssyncset.done $0x0  }
0xd4: {  	s7 =	simm.s32 @p2 $0x1;
	[sflag:s0] =	ssyncadd.s32 $0xFFFFF800  }
0xd5: {  	_ =	swait.ge @p2 [sflag:s7], $0x800  }
0xd6: {  	[sflag:s7] =	ssyncset.done @p2 $0x0  }
0xd7: {  	[sflag:s7] =	ssyncadd.s32 @p2 $0xFFFFF800;
	s7 =	sshra.s32 @p2 s2, $0x2  }
0xd8: {  	s8 =	simm.s32 @p2 $0x80;
	s9 =	simm.s32 @p2 $0x5800;
	s7 =	sadd.s32 @p2 $0x280, s7  }
0xd9: {  	[spmem:s1] =	stream.indirect.scatter.add.f32 @p2 [tilespmem:s9], [sflag:$0x2], $0x10, s7, s8, $0xb8;
	[tilespmem:$0x9720] =	vst v63  }
0xda: {  	s7 =	simm.s32 @p2 $0x2  }
0xdb: {  	_ =	swait.ge @p2 [sflag:s7], $0x800  }
0xdc: {  	[sflag:s7] =	ssyncset.done @p2 $0x0  }
0xdd: {  	[sflag:s7] =	ssyncadd.s32 @p2 $0xFFFFF800;
	s7 =	sshra.s32 @!p2 s2, $0x2  }
0xde: {  	s20 =	simm.s32 @!p2 $0x3000;
	s9 =	simm.s32 @!p2 $0x80;
	s8 =	sadd.s32 @!p2 $0x1C00, s7  }
0xdf: {  	[tilespmem:s20], [sflag:$0x1] =	stream.indirect.gather @!p2 [hbm4b:s4+s9], $0x10, s8, s9, $0xb8;
	[tilespmem:$0x9720] =	vst v63  }
0xe0: {  	s8 =	simm.s32 @!p2 $0x1  }
0xe1: {  	_ =	swait.ge @!p2 [sflag:s8], $0x800  }
0xe2: {  	[sflag:s8] =	ssyncset.done @!p2 $0x0  }
0xe3: {  	s20 =	simm.s32 @!p2 $0x5800;
	[sflag:s8] =	ssyncadd.s32 @!p2 $0xFFFFF800;
	s8 =	sadd.s32 @!p2 $0x280, s7  }
0xe4: {  	[spmem:s1] =	stream.indirect.scatter.add.f32 @!p2 [tilespmem:s20], [sflag:$0x2], $0x10, s8, s9, $0xb8;
	[tilespmem:$0x9720] =	vst v63  }
0xe5: {  	s8 =	simm.s32 @!p2 $0x2  }
0xe6: {  	_ =	swait.ge @!p2 [sflag:s8], $0x800  }
0xe7: {  	[sflag:s8] =	ssyncset.done @!p2 $0x0  }
0xe8: {  	s7 =	sadd.s32 @!p2 $0x1C80, s7;
	[sflag:s8] =	ssyncadd.s32 @!p2 $0xFFFFF800;
	s8 =	simm.s32 @!p2 $0x3800  }
0xe9: {  	[tilespmem:s8], [sflag:$0x1] =	stream.indirect.gather @!p2 [hbm4b:s4+s9], $0x10, s7, s9, $0xb8;
	[tilespmem:$0x9720] =	vst v63  }
0xea: {  	_ =	swait.ge [sflag:s26], $0x800  }
0xeb: {  	[sflag:s26] =	ssyncset.done $0x0  }
.Ltmp5:
0xec: {  	s20 =	sadd.s32 $0x300, s6;
	[sflag:s26] =	ssyncadd.s32 $0xFFFFF800;
	(pc) =	sbr.rel @p2 .LBB2_9-.Ltmp5, $4  }
0xed: {  	[spmem:s1] =	stream.indirect.scatter.add.f32 [tilespmem:s30], [sflag:$0x2], $0x10, s20, s18, $0xb8;
	[tilespmem:$0x9720] =	vst v63  }
0xee: {  	_ =	swait.ge [sflag:s0], $0x800  }
0xef: {  	[sflag:s0] =	ssyncset.done $0x0  }
0xf0: {  	[sflag:s0] =	ssyncadd.s32 $0xFFFFF800  }
0xf1: {  	s7 =	sadd.s32 $0x1D00, s6  }
0xf2: {  	[tilespmem:s23], [sflag:$0x1] =	stream.indirect.gather [hbm4b:s4+s18], $0x10, s7, s18, $0xb8;
	[tilespmem:$0x9720] =	vst v63  }
0xf3: {  	_ =	swait.ge [sflag:s26], $0x800  }
0xf4: {  	[sflag:s26] =	ssyncset.done $0x0  }
0xf5: {  	s9 =	sadd.s32 $0x380, s6;
	[sflag:s26] =	ssyncadd.s32 $0xFFFFF800  }
0xf6: {  	[spmem:s1] =	stream.indirect.scatter.add.f32 [tilespmem:s31], [sflag:$0x2], $0x10, s9, s18, $0xb8;
	[tilespmem:$0x9720] =	vst v63  }
.Ltmp6:
0xf7: {  	_ = 	snop;
	(pc) =	sbr.rel .LBB2_3-.Ltmp6, $4  }
0xf8: {  	_ =	swait.ge [sflag:s0], $0x800  }
0xf9: {  	[sflag:s0] =	ssyncset.done $0x0  }
0xfa: {  	s20 =	sadd.s32 $0x1D80, s6;
	s2 =	sadd.s32 $0x1000, s2;
	[sflag:s0] =	ssyncadd.s32 $0xFFFFF800  }
0xfb: {  	[tilespmem:s25], [sflag:$0x1] =	stream.indirect.gather [hbm4b:s4+s18], $0x10, s20, s18, $0xb8;
	[tilespmem:$0x9720] =	vst v63  }
.LBB2_8:
.Ltmp7:
0xfc: {  	(pc) =	sbr.rel .LBB2_10-.Ltmp7, $2  }
0xfd: {  	_ =	sdelay $0x2  }
0xfe: {  	s2 =	sadd.s32 $0xE00, s2  }
.LBB2_11:
0xff: {  	_ =	sfence.sel $0x180000  }
0x100: {  	[bflag:$0x0] =	sbarrier.arrive $0xFFFF  }
0x101: {  	_ =	strace $0x90000047  }
0x102: {  	s0 =	stileid.u32;
	[bflag:$0x2] =	sbarrier.arrive $0xFFFF  }
0x103: {  	p0 =	sne.s32 s0, $0x0;
	s0 =	rddreg [dreg:$0x2]  }
0x104: {  	s0 =	sadd.s32 @!p0 $0x100000, s0  }
0x105: {  	[sflag:s0] =	ssyncadd.tile.s32 @!p0 $0x1;
	_ =	shalt  }
.Lfunc_end2:
_tile_overlayer_lowered:
.L_overlay_start_2:
0x106: {  	(tag) =	ssettag $0x2  }
0x107: {  	s0 =	rddreg [dreg:$0x0];
	s2 =	stileid.u32  }
0x108: {  	s1 =	rddreg [dreg:$0x1];
	p0 =	sne.s32 s2, $0x0  }
0x109: {  	s3 =	rddreg [dreg:$0x2];
	[bflag:$0x3] =	sbarrier.arrive $0xFFFF;
	s2 =	simm.s32 @!p0 $0x1C03  }
0x10a: {  	[timem:s3], [sflag:s2] =	dma.local @!p0 [hbm:s0], s1  }
0x10b: {  	s0 =	simm.s32 @!p0 $0x3  }
0x10c: {  	_ =	swait.ge @!p0 [sflag:s0], s1  }
0x10d: {  	s1 =	ssub.s32 @!p0 $0x0, s1;
	[sflag:s0] =	ssyncset.done @!p0 $0x0  }
0x10e: {  	[sflag:s0] =	ssyncadd.s32 @!p0 s1  }
0x10f: {  	[bflag:$0x3] =	sbarrier.arrive $0xFFFF  }
0x110: {  	_ =	shalt  }

</sc_bundles>
